<compile_context>
chip_gen: v7x
topology: tpu7x:2x2x1
jax: 0.10.2.dev20260603
libtpu: 0.0.44.dev20260713+nightly
codegen_flags: <defaults>
</compile_context>

<pallas_src>
import functools

import jax
import jax.numpy as jnp
import numpy as np
from jax.experimental import pallas as pl
from jax.experimental.pallas import tpu as pltpu

E = 8
TOP_K = 2
D = 13
H = 10
EH = E * H

_KS0 = np.uint32(0)
_KS1 = np.uint32(1)
_KS2 = np.uint32(0 ^ 1 ^ 0x1BD11BDA)
_ROT0 = (13, 15, 26, 6)
_ROT1 = (17, 29, 16, 24)

_MINVAL = np.float32(np.nextafter(np.float32(-1), np.float32(0)))
_SPAN = np.float32(np.float32(1.0) - _MINVAL)
_SQRT2 = np.float32(np.sqrt(2.0))

_ERFINV_SMALL = (2.81022636e-08, 3.43273939e-07, -3.5233877e-06,
                 -4.39150654e-06, 0.00021858087, -0.00125372503,
                 -0.00417768164, 0.246640727, 1.50140941)
_ERFINV_BIG = (-0.000200214257, 0.000100950558, 0.00134934322,
               -0.00367342844, 0.00573950773, -0.0076224613,
               0.00943887047, 1.00167406, 2.83297682)


def _rotl(v, r):
    return jax.lax.shift_left(v, np.uint32(r)) | jax.lax.shift_right_logical(
        v, np.uint32(32 - r))


def _threefry2x32(c0, c1):
    x0 = c0 + _KS0
    x1 = c1 + _KS1
    ks = (_KS0, _KS1, _KS2)
    for i in range(5):
        for r in (_ROT0 if i % 2 == 0 else _ROT1):
            x0 = x0 + x1
            x1 = _rotl(x1, r) ^ x0
        x0 = x0 + ks[(i + 1) % 3]
        x1 = x1 + ks[(i + 2) % 3] + np.uint32(i + 1)
    return x0, x1


def _bits_to_normal(bits):
    fb = jax.lax.shift_right_logical(bits, np.uint32(9)) | np.uint32(0x3F800000)
    u01 = jax.lax.bitcast_convert_type(fb, jnp.float32) - 1.0
    u = jnp.maximum(_MINVAL, u01 * _SPAN + _MINVAL)
    w = -jnp.log1p(-u * u)
    lt = w < 5.0
    ws = w - 2.5
    wb = jnp.sqrt(w) - 3.0
    ps = jnp.float32(_ERFINV_SMALL[0])
    pb = jnp.float32(_ERFINV_BIG[0])
    for cs, cb in zip(_ERFINV_SMALL[1:], _ERFINV_BIG[1:]):
        ps = ps * ws + cs
        pb = pb * wb + cb
    p = jnp.where(lt, ps, pb)
    return _SQRT2 * (p * u)


_SC_CORES = 2
_SC_SUBCORES = 16
_SC_LANES = 16
_SC_WORKERS = _SC_CORES * _SC_SUBCORES


def _sc_noise_bits(n):
    from jax.experimental.pallas import tpu_sc as plsc

    per = n // _SC_WORKERS
    mesh = plsc.VectorSubcoreMesh(core_axis_name="c", subcore_axis_name="s")

    @functools.partial(
        pl.kernel, mesh=mesh,
        out_type=jax.ShapeDtypeStruct((E, n), jnp.uint32),
        scratch_types=[pltpu.VMEM((E, per), jnp.uint32)])
    def k(out_hbm, buf):
        wid = jax.lax.axis_index("s") * _SC_CORES + jax.lax.axis_index("c")
        base = (wid * per).astype(jnp.uint32)
        zero = jnp.zeros((_SC_LANES,), jnp.uint32)
        iota = jax.lax.iota(jnp.uint32, _SC_LANES)

        def body(i, _):
            tok = base + i.astype(jnp.uint32) * np.uint32(_SC_LANES) + iota
            for e in range(E):
                o0, o1 = _threefry2x32(zero, tok * np.uint32(E) + np.uint32(e))
                buf[e, pl.ds(i * _SC_LANES, _SC_LANES)] = o0 ^ o1
            return 0

        jax.lax.fori_loop(0, per // _SC_LANES, body, 0)
        pltpu.sync_copy(buf, out_hbm.at[:, pl.ds(wid * per, per)])

    return k()


def _moe_block(xt_ref, bits_ref, wall_ref, rept_ref, w2aug_ref, out_ref,
               *, block):
    xt = jnp.concatenate(
        [xt_ref[...], jnp.ones((1, block), jnp.float32)], axis=0)
    pt = jnp.dot(wall_ref[...], xt, preferred_element_type=jnp.float32)
    ht = jnp.maximum(pt[0:EH, :], 0.0)
    lgt = pt[EH:EH + E, :]
    nlt = pt[EH + E:EH + 2 * E, :]

    noise = _bits_to_normal(bits_ref[...])

    noisy = lgt + noise * jax.nn.softplus(nlt)

    eidx = jax.lax.broadcasted_iota(jnp.int32, (E, block), 0)
    m1 = jnp.max(noisy, axis=0, keepdims=True)
    i1 = jnp.min(jnp.where(noisy == m1, eidx, E), axis=0, keepdims=True)
    mask1 = eidx == i1
    rest = jnp.where(mask1, -jnp.inf, noisy)
    m2 = jnp.max(rest, axis=0, keepdims=True)
    i2 = jnp.min(jnp.where(rest == m2, eidx, E), axis=0, keepdims=True)
    sel = mask1 | (eidx == i2)

    wts = jnp.where(sel, jnp.exp(noisy - m1), 0.0)
    router = wts / jnp.sum(wts, axis=0, keepdims=True)

    rep = jnp.dot(rept_ref[...], router, preferred_element_type=jnp.float32)
    cat = jnp.concatenate([ht * rep, router], axis=0)
    out_ref[...] = jnp.dot(w2aug_ref[...], cat,
                           preferred_element_type=jnp.float32)


@functools.partial(jax.jit, static_argnames=("block",))
def _moe(x, Wg, bg, Wn, bn, W1, b1, W2, b2, block):
    n = x.shape[0]
    xt = x.T
    wall = jnp.concatenate([
        jnp.concatenate([W1.reshape(EH, D), Wg, Wn], axis=0),
        jnp.concatenate([b1.reshape(EH), bg, bn]).reshape(EH + 2 * E, 1),
    ], axis=1)
    rept = jnp.kron(jnp.eye(E, dtype=x.dtype), jnp.ones((H, 1), dtype=x.dtype))
    w2aug = jnp.concatenate([W2.transpose(0, 2, 1).reshape(EH, D).T, b2.T],
                            axis=1)

    bits = _sc_noise_bits(n)

    grid = (n // block,)
    full = lambda r, c: pl.BlockSpec((r, c), lambda i: (0, 0))
    out_t = pl.pallas_call(
        functools.partial(_moe_block, block=block),
        grid=grid,
        in_specs=[
            pl.BlockSpec((D, block), lambda i: (0, i)),
            pl.BlockSpec((E, block), lambda i: (0, i)),
            full(EH + 2 * E, D + 1),
            full(EH, E), full(D, EH + E),
        ],
        out_specs=pl.BlockSpec((D, block), lambda i: (0, i)),
        out_shape=jax.ShapeDtypeStruct((D, n), x.dtype),
        compiler_params=pltpu.CompilerParams(
            dimension_semantics=("arbitrary",)),
    )(xt, bits, wall, rept, w2aug)
    return out_t.T


def kernel(x, Wg, bg, Wn, bn, W1, b1, W2, b2):
    return _moe(x, Wg, bg, Wn, bn, W1, b1, W2, b2, block=8192)

# --- scband reference (transcript-rebuilt; emitter-appended) ---
"""Pipeline reference for scband-mixture-of-experts-23682449670302 (READ-ONLY COPY).

The authoritative reference and input builder live on the scoring server;
editing this copy changes nothing except your own understanding.
"""

import jax, jax.numpy as jnp
import numpy as np

E = 8
TOP_K = 2
D = 13
H = 10
N = 32768


def setup_inputs(seed: int = 0) -> dict:
    key = jax.random.key(seed)
    ks = jax.random.split(key, 10)
    x = jax.random.normal(ks[0], (N, D), dtype=jnp.float32)
    # gating network params
    Wg = jax.random.normal(ks[1], (E, D), dtype=jnp.float32) * 0.1
    bg = jnp.zeros((E,), dtype=jnp.float32)
    Wn = jax.random.normal(ks[2], (E, D), dtype=jnp.float32) * 0.1
    bn = jnp.zeros((E,), dtype=jnp.float32)
    # expert params (stacked over experts)
    W1 = jax.random.normal(ks[3], (E, H, D), dtype=jnp.float32) * 0.1
    b1 = jnp.zeros((E, H), dtype=jnp.float32)
    W2 = jax.random.normal(ks[4], (E, D, H), dtype=jnp.float32) * 0.1
    b2 = jnp.zeros((E, D), dtype=jnp.float32)
    return {"x": x, "Wg": Wg, "bg": bg, "Wn": Wn, "bn": bn, "W1": W1, "b1": b1, "W2": W2, "b2": b2}


def reference(x, Wg, bg, Wn, bn, W1, b1, W2, b2):
    # GatingNetwork
    logits = x @ Wg.T + bg
    noise_logits = x @ Wn.T + bn
    noise_sample = jax.random.normal(jax.random.key(1), logits.shape, dtype=logits.dtype)
    noise = noise_sample * jax.nn.softplus(noise_logits)
    noisy_logits = logits + noise
    top_k_vals, top_k_idx = jax.lax.top_k(noisy_logits, TOP_K)
    rows = jnp.arange(noisy_logits.shape[0])[:, None]
    sparse_logits = jnp.full_like(noisy_logits, -jnp.inf).at[rows, top_k_idx].set(top_k_vals)
    router = jax.nn.softmax(sparse_logits, axis=-1)
    # experts
    final = jnp.zeros_like(x)
    for i in range(E):
        h = jax.nn.relu(x @ W1[i].T + b1[i])
        out = h @ W2[i].T + b2[i]
        mask = (top_k_idx == i).any(axis=-1)
        weighted = router[:, i:i + 1] * out
        final = final + jnp.where(mask[:, None], weighted, 0.0)
    return final

if __name__ == "__main__":
    import jax
    _d = setup_inputs()
    print(jax.jit(kernel)(*tuple(_d.values())))

</pallas_src>

<mosaic_0001>
#map = affine_map<(d0, d1) -> (0, 0)>
module attributes {stable_mosaic.version = 14 : i64} {
  func.func @k(%arg0: i32, %arg1: i32, %arg2: memref<8x32768xi32, #tpu.memory_space<hbm>>, %arg3: memref<8x1024xi32, #tpu.memory_space<vmem>>) attributes {dimension_semantics = [#tpu.dimension_semantics<core_parallel>, #tpu.dimension_semantics<subcore_parallel>], iteration_bounds = array<i64: 2, 16>, scalar_prefetch = 0 : i64, scratch_operands = 1 : i64, tpu.core_type = #tpu.core_type<sc_vector_subcore>, window_params = [{transform_indices = #map}]} {
    %mul3A = arith.constant 2 : i32
    %mul3A_0 = arith.muli %arg1, %mul3A : i32
    %add3A = arith.addi %mul3A_0, %arg0 : i32
    %mul3A_1 = arith.constant 1024 : i32
    %mul3A_2 = arith.muli %add3A, %mul3A_1 : i32
    %broadcast_in_dim3A = arith.constant 0 : i32
    %broadcast_in_dim3A_3 = vector.broadcast %broadcast_in_dim3A : i32 to vector<16xi32>
    %iota3A = tpu.iota {dimensions = array<i32: 0>} : vector<16xi32>
    %scan3A = arith.constant 0 : i32
    %scan3A_4 = arith.constant 0 : i32
    %scan3A_5 = arith.constant 64 : i32
    %scan3A_6 = arith.addi %scan3A_4, %scan3A_5 : i32
    %scan3A_7 = arith.constant 1 : i32
    %scan3A_8 = scf.for %scan3A_12 = %scan3A_4 to %scan3A_6 step %scan3A_7 iter_args(%scan3A_13 = %scan3A) -> (i32)  : i32 {
      %mul3A_14 = arith.constant 16 : i32
      %mul3A_15 = arith.muli %scan3A_12, %mul3A_14 : i32
      %add3A_16 = arith.addi %mul3A_2, %mul3A_15 : i32
      %add3A_17 = vector.broadcast %add3A_16 : i32 to vector<16xi32>
      %add3A_18 = arith.addi %add3A_17, %iota3A : vector<16xi32>
      %mul3A_19 = arith.constant 8 : i32
      %mul3A_20 = vector.broadcast %mul3A_19 : i32 to vector<16xi32>
      %mul3A_21 = arith.muli %add3A_18, %mul3A_20 : vector<16xi32>
      %add3A_22 = arith.constant 0 : i32
      %add3A_23 = vector.broadcast %add3A_22 : i32 to vector<16xi32>
      %add3A_24 = arith.addi %mul3A_21, %add3A_23 : vector<16xi32>
      %add3A_25 = arith.constant 0 : i32
      %add3A_26 = vector.broadcast %add3A_25 : i32 to vector<16xi32>
      %add3A_27 = arith.addi %broadcast_in_dim3A_3, %add3A_26 : vector<16xi32>
      %add3A_28 = arith.constant 1 : i32
      %add3A_29 = vector.broadcast %add3A_28 : i32 to vector<16xi32>
      %add3A_30 = arith.addi %add3A_24, %add3A_29 : vector<16xi32>
      %add3A_31 = arith.addi %add3A_27, %add3A_30 : vector<16xi32>
      %shift_left3A = arith.constant 13 : i32
      %shift_left3A_32 = vector.broadcast %shift_left3A : i32 to vector<16xi32>
      %shift_left3A_33 = arith.shli %add3A_30, %shift_left3A_32 : vector<16xi32>
      %shift_right_logical3A = arith.constant 19 : i32
      %shift_right_logical3A_34 = vector.broadcast %shift_right_logical3A : i32 to vector<16xi32>
      %shift_right_logical3A_35 = arith.shrui %add3A_30, %shift_right_logical3A_34 : vector<16xi32>
      %or3A = arith.ori %shift_left3A_33, %shift_right_logical3A_35 : vector<16xi32>
      %xor3A = arith.xori %or3A, %add3A_31 : vector<16xi32>
      %add3A_36 = arith.addi %add3A_31, %xor3A : vector<16xi32>
      %shift_left3A_37 = arith.constant 15 : i32
      %shift_left3A_38 = vector.broadcast %shift_left3A_37 : i32 to vector<16xi32>
      %shift_left3A_39 = arith.shli %xor3A, %shift_left3A_38 : vector<16xi32>
      %shift_right_logical3A_40 = arith.constant 17 : i32
      %shift_right_logical3A_41 = vector.broadcast %shift_right_logical3A_40 : i32 to vector<16xi32>
      %shift_right_logical3A_42 = arith.shrui %xor3A, %shift_right_logical3A_41 : vector<16xi32>
      %or3A_43 = arith.ori %shift_left3A_39, %shift_right_logical3A_42 : vector<16xi32>
      %xor3A_44 = arith.xori %or3A_43, %add3A_36 : vector<16xi32>
      %add3A_45 = arith.addi %add3A_36, %xor3A_44 : vector<16xi32>
      %shift_left3A_46 = arith.constant 26 : i32
      %shift_left3A_47 = vector.broadcast %shift_left3A_46 : i32 to vector<16xi32>
      %shift_left3A_48 = arith.shli %xor3A_44, %shift_left3A_47 : vector<16xi32>
      %shift_right_logical3A_49 = arith.constant 6 : i32
      %shift_right_logical3A_50 = vector.broadcast %shift_right_logical3A_49 : i32 to vector<16xi32>
      %shift_right_logical3A_51 = arith.shrui %xor3A_44, %shift_right_logical3A_50 : vector<16xi32>
      %or3A_52 = arith.ori %shift_left3A_48, %shift_right_logical3A_51 : vector<16xi32>
      %xor3A_53 = arith.xori %or3A_52, %add3A_45 : vector<16xi32>
      %add3A_54 = arith.addi %add3A_45, %xor3A_53 : vector<16xi32>
      %shift_left3A_55 = arith.constant 6 : i32
      %shift_left3A_56 = vector.broadcast %shift_left3A_55 : i32 to vector<16xi32>
      %shift_left3A_57 = arith.shli %xor3A_53, %shift_left3A_56 : vector<16xi32>
      %shift_right_logical3A_58 = arith.constant 26 : i32
      %shift_right_logical3A_59 = vector.broadcast %shift_right_logical3A_58 : i32 to vector<16xi32>
      %shift_right_logical3A_60 = arith.shrui %xor3A_53, %shift_right_logical3A_59 : vector<16xi32>
      %or3A_61 = arith.ori %shift_left3A_57, %shift_right_logical3A_60 : vector<16xi32>
      %xor3A_62 = arith.xori %or3A_61, %add3A_54 : vector<16xi32>
      %add3A_63 = arith.constant 1 : i32
      %add3A_64 = vector.broadcast %add3A_63 : i32 to vector<16xi32>
      %add3A_65 = arith.addi %add3A_54, %add3A_64 : vector<16xi32>
      %add3A_66 = arith.constant 466688987 : i32
      %add3A_67 = vector.broadcast %add3A_66 : i32 to vector<16xi32>
      %add3A_68 = arith.addi %xor3A_62, %add3A_67 : vector<16xi32>
      %add3A_69 = arith.constant 1 : i32
      %add3A_70 = vector.broadcast %add3A_69 : i32 to vector<16xi32>
      %add3A_71 = arith.addi %add3A_68, %add3A_70 : vector<16xi32>
      %add3A_72 = arith.addi %add3A_65, %add3A_71 : vector<16xi32>
      %shift_left3A_73 = arith.constant 17 : i32
      %shift_left3A_74 = vector.broadcast %shift_left3A_73 : i32 to vector<16xi32>
      %shift_left3A_75 = arith.shli %add3A_71, %shift_left3A_74 : vector<16xi32>
      %shift_right_logical3A_76 = arith.constant 15 : i32
      %shift_right_logical3A_77 = vector.broadcast %shift_right_logical3A_76 : i32 to vector<16xi32>
      %shift_right_logical3A_78 = arith.shrui %add3A_71, %shift_right_logical3A_77 : vector<16xi32>
      %or3A_79 = arith.ori %shift_left3A_75, %shift_right_logical3A_78 : vector<16xi32>
      %xor3A_80 = arith.xori %or3A_79, %add3A_72 : vector<16xi32>
      %add3A_81 = arith.addi %add3A_72, %xor3A_80 : vector<16xi32>
      %shift_left3A_82 = arith.constant 29 : i32
      %shift_left3A_83 = vector.broadcast %shift_left3A_82 : i32 to vector<16xi32>
      %shift_left3A_84 = arith.shli %xor3A_80, %shift_left3A_83 : vector<16xi32>
      %shift_right_logical3A_85 = arith.constant 3 : i32
      %shift_right_logical3A_86 = vector.broadcast %shift_right_logical3A_85 : i32 to vector<16xi32>
      %shift_right_logical3A_87 = arith.shrui %xor3A_80, %shift_right_logical3A_86 : vector<16xi32>
      %or3A_88 = arith.ori %shift_left3A_84, %shift_right_logical3A_87 : vector<16xi32>
      %xor3A_89 = arith.xori %or3A_88, %add3A_81 : vector<16xi32>
      %add3A_90 = arith.addi %add3A_81, %xor3A_89 : vector<16xi32>
      %shift_left3A_91 = arith.constant 16 : i32
      %shift_left3A_92 = vector.broadcast %shift_left3A_91 : i32 to vector<16xi32>
      %shift_left3A_93 = arith.shli %xor3A_89, %shift_left3A_92 : vector<16xi32>
      %shift_right_logical3A_94 = arith.constant 16 : i32
      %shift_right_logical3A_95 = vector.broadcast %shift_right_logical3A_94 : i32 to vector<16xi32>
      %shift_right_logical3A_96 = arith.shrui %xor3A_89, %shift_right_logical3A_95 : vector<16xi32>
      %or3A_97 = arith.ori %shift_left3A_93, %shift_right_logical3A_96 : vector<16xi32>
      %xor3A_98 = arith.xori %or3A_97, %add3A_90 : vector<16xi32>
      %add3A_99 = arith.addi %add3A_90, %xor3A_98 : vector<16xi32>
      %shift_left3A_100 = arith.constant 24 : i32
      %shift_left3A_101 = vector.broadcast %shift_left3A_100 : i32 to vector<16xi32>
      %shift_left3A_102 = arith.shli %xor3A_98, %shift_left3A_101 : vector<16xi32>
      %shift_right_logical3A_103 = arith.constant 8 : i32
      %shift_right_logical3A_104 = vector.broadcast %shift_right_logical3A_103 : i32 to vector<16xi32>
      %shift_right_logical3A_105 = arith.shrui %xor3A_98, %shift_right_logical3A_104 : vector<16xi32>
      %or3A_106 = arith.ori %shift_left3A_102, %shift_right_logical3A_105 : vector<16xi32>
      %xor3A_107 = arith.xori %or3A_106, %add3A_99 : vector<16xi32>
      %add3A_108 = arith.constant 466688987 : i32
      %add3A_109 = vector.broadcast %add3A_108 : i32 to vector<16xi32>
      %add3A_110 = arith.addi %add3A_99, %add3A_109 : vector<16xi32>
      %add3A_111 = arith.constant 0 : i32
      %add3A_112 = vector.broadcast %add3A_111 : i32 to vector<16xi32>
      %add3A_113 = arith.addi %xor3A_107, %add3A_112 : vector<16xi32>
      %add3A_114 = arith.constant 2 : i32
      %add3A_115 = vector.broadcast %add3A_114 : i32 to vector<16xi32>
      %add3A_116 = arith.addi %add3A_113, %add3A_115 : vector<16xi32>
      %add3A_117 = arith.addi %add3A_110, %add3A_116 : vector<16xi32>
      %shift_left3A_118 = arith.constant 13 : i32
      %shift_left3A_119 = vector.broadcast %shift_left3A_118 : i32 to vector<16xi32>
      %shift_left3A_120 = arith.shli %add3A_116, %shift_left3A_119 : vector<16xi32>
      %shift_right_logical3A_121 = arith.constant 19 : i32
      %shift_right_logical3A_122 = vector.broadcast %shift_right_logical3A_121 : i32 to vector<16xi32>
      %shift_right_logical3A_123 = arith.shrui %add3A_116, %shift_right_logical3A_122 : vector<16xi32>
      %or3A_124 = arith.ori %shift_left3A_120, %shift_right_logical3A_123 : vector<16xi32>
      %xor3A_125 = arith.xori %or3A_124, %add3A_117 : vector<16xi32>
      %add3A_126 = arith.addi %add3A_117, %xor3A_125 : vector<16xi32>
      %shift_left3A_127 = arith.constant 15 : i32
      %shift_left3A_128 = vector.broadcast %shift_left3A_127 : i32 to vector<16xi32>
      %shift_left3A_129 = arith.shli %xor3A_125, %shift_left3A_128 : vector<16xi32>
      %shift_right_logical3A_130 = arith.constant 17 : i32
      %shift_right_logical3A_131 = vector.broadcast %shift_right_logical3A_130 : i32 to vector<16xi32>
      %shift_right_logical3A_132 = arith.shrui %xor3A_125, %shift_right_logical3A_131 : vector<16xi32>
      %or3A_133 = arith.ori %shift_left3A_129, %shift_right_logical3A_132 : vector<16xi32>
      %xor3A_134 = arith.xori %or3A_133, %add3A_126 : vector<16xi32>
      %add3A_135 = arith.addi %add3A_126, %xor3A_134 : vector<16xi32>
      %shift_left3A_136 = arith.constant 26 : i32
      %shift_left3A_137 = vector.broadcast %shift_left3A_136 : i32 to vector<16xi32>
      %shift_left3A_138 = arith.shli %xor3A_134, %shift_left3A_137 : vector<16xi32>
      %shift_right_logical3A_139 = arith.constant 6 : i32
      %shift_right_logical3A_140 = vector.broadcast %shift_right_logical3A_139 : i32 to vector<16xi32>
      %shift_right_logical3A_141 = arith.shrui %xor3A_134, %shift_right_logical3A_140 : vector<16xi32>
      %or3A_142 = arith.ori %shift_left3A_138, %shift_right_logical3A_141 : vector<16xi32>
      %xor3A_143 = arith.xori %or3A_142, %add3A_135 : vector<16xi32>
      %add3A_144 = arith.addi %add3A_135, %xor3A_143 : vector<16xi32>
      %shift_left3A_145 = arith.constant 6 : i32
      %shift_left3A_146 = vector.broadcast %shift_left3A_145 : i32 to vector<16xi32>
      %shift_left3A_147 = arith.shli %xor3A_143, %shift_left3A_146 : vector<16xi32>
      %shift_right_logical3A_148 = arith.constant 26 : i32
      %shift_right_logical3A_149 = vector.broadcast %shift_right_logical3A_148 : i32 to vector<16xi32>
      %shift_right_logical3A_150 = arith.shrui %xor3A_143, %shift_right_logical3A_149 : vector<16xi32>
      %or3A_151 = arith.ori %shift_left3A_147, %shift_right_logical3A_150 : vector<16xi32>
      %xor3A_152 = arith.xori %or3A_151, %add3A_144 : vector<16xi32>
      %add3A_153 = arith.constant 0 : i32
      %add3A_154 = vector.broadcast %add3A_153 : i32 to vector<16xi32>
      %add3A_155 = arith.addi %add3A_144, %add3A_154 : vector<16xi32>
      %add3A_156 = arith.constant 1 : i32
      %add3A_157 = vector.broadcast %add3A_156 : i32 to vector<16xi32>
      %add3A_158 = arith.addi %xor3A_152, %add3A_157 : vector<16xi32>
      %add3A_159 = arith.constant 3 : i32
      %add3A_160 = vector.broadcast %add3A_159 : i32 to vector<16xi32>
      %add3A_161 = arith.addi %add3A_158, %add3A_160 : vector<16xi32>
      %add3A_162 = arith.addi %add3A_155, %add3A_161 : vector<16xi32>
      %shift_left3A_163 = arith.constant 17 : i32
      %shift_left3A_164 = vector.broadcast %shift_left3A_163 : i32 to vector<16xi32>
      %shift_left3A_165 = arith.shli %add3A_161, %shift_left3A_164 : vector<16xi32>
      %shift_right_logical3A_166 = arith.constant 15 : i32
      %shift_right_logical3A_167 = vector.broadcast %shift_right_logical3A_166 : i32 to vector<16xi32>
      %shift_right_logical3A_168 = arith.shrui %add3A_161, %shift_right_logical3A_167 : vector<16xi32>
      %or3A_169 = arith.ori %shift_left3A_165, %shift_right_logical3A_168 : vector<16xi32>
      %xor3A_170 = arith.xori %or3A_169, %add3A_162 : vector<16xi32>
      %add3A_171 = arith.addi %add3A_162, %xor3A_170 : vector<16xi32>
      %shift_left3A_172 = arith.constant 29 : i32
      %shift_left3A_173 = vector.broadcast %shift_left3A_172 : i32 to vector<16xi32>
      %shift_left3A_174 = arith.shli %xor3A_170, %shift_left3A_173 : vector<16xi32>
      %shift_right_logical3A_175 = arith.constant 3 : i32
      %shift_right_logical3A_176 = vector.broadcast %shift_right_logical3A_175 : i32 to vector<16xi32>
      %shift_right_logical3A_177 = arith.shrui %xor3A_170, %shift_right_logical3A_176 : vector<16xi32>
      %or3A_178 = arith.ori %shift_left3A_174, %shift_right_logical3A_177 : vector<16xi32>
      %xor3A_179 = arith.xori %or3A_178, %add3A_171 : vector<16xi32>
      %add3A_180 = arith.addi %add3A_171, %xor3A_179 : vector<16xi32>
      %shift_left3A_181 = arith.constant 16 : i32
      %shift_left3A_182 = vector.broadcast %shift_left3A_181 : i32 to vector<16xi32>
      %shift_left3A_183 = arith.shli %xor3A_179, %shift_left3A_182 : vector<16xi32>
      %shift_right_logical3A_184 = arith.constant 16 : i32
      %shift_right_logical3A_185 = vector.broadcast %shift_right_logical3A_184 : i32 to vector<16xi32>
      %shift_right_logical3A_186 = arith.shrui %xor3A_179, %shift_right_logical3A_185 : vector<16xi32>
      %or3A_187 = arith.ori %shift_left3A_183, %shift_right_logical3A_186 : vector<16xi32>
      %xor3A_188 = arith.xori %or3A_187, %add3A_180 : vector<16xi32>
      %add3A_189 = arith.addi %add3A_180, %xor3A_188 : vector<16xi32>
      %shift_left3A_190 = arith.constant 24 : i32
      %shift_left3A_191 = vector.broadcast %shift_left3A_190 : i32 to vector<16xi32>
      %shift_left3A_192 = arith.shli %xor3A_188, %shift_left3A_191 : vector<16xi32>
      %shift_right_logical3A_193 = arith.constant 8 : i32
      %shift_right_logical3A_194 = vector.broadcast %shift_right_logical3A_193 : i32 to vector<16xi32>
      %shift_right_logical3A_195 = arith.shrui %xor3A_188, %shift_right_logical3A_194 : vector<16xi32>
      %or3A_196 = arith.ori %shift_left3A_192, %shift_right_logical3A_195 : vector<16xi32>
      %xor3A_197 = arith.xori %or3A_196, %add3A_189 : vector<16xi32>
      %add3A_198 = arith.constant 1 : i32
      %add3A_199 = vector.broadcast %add3A_198 : i32 to vector<16xi32>
      %add3A_200 = arith.addi %add3A_189, %add3A_199 : vector<16xi32>
      %add3A_201 = arith.constant 466688987 : i32
      %add3A_202 = vector.broadcast %add3A_201 : i32 to vector<16xi32>
      %add3A_203 = arith.addi %xor3A_197, %add3A_202 : vector<16xi32>
      %add3A_204 = arith.constant 4 : i32
      %add3A_205 = vector.broadcast %add3A_204 : i32 to vector<16xi32>
      %add3A_206 = arith.addi %add3A_203, %add3A_205 : vector<16xi32>
      %add3A_207 = arith.addi %add3A_200, %add3A_206 : vector<16xi32>
      %shift_left3A_208 = arith.constant 13 : i32
      %shift_left3A_209 = vector.broadcast %shift_left3A_208 : i32 to vector<16xi32>
      %shift_left3A_210 = arith.shli %add3A_206, %shift_left3A_209 : vector<16xi32>
      %shift_right_logical3A_211 = arith.constant 19 : i32
      %shift_right_logical3A_212 = vector.broadcast %shift_right_logical3A_211 : i32 to vector<16xi32>
      %shift_right_logical3A_213 = arith.shrui %add3A_206, %shift_right_logical3A_212 : vector<16xi32>
      %or3A_214 = arith.ori %shift_left3A_210, %shift_right_logical3A_213 : vector<16xi32>
      %xor3A_215 = arith.xori %or3A_214, %add3A_207 : vector<16xi32>
      %add3A_216 = arith.addi %add3A_207, %xor3A_215 : vector<16xi32>
      %shift_left3A_217 = arith.constant 15 : i32
      %shift_left3A_218 = vector.broadcast %shift_left3A_217 : i32 to vector<16xi32>
      %shift_left3A_219 = arith.shli %xor3A_215, %shift_left3A_218 : vector<16xi32>
      %shift_right_logical3A_220 = arith.constant 17 : i32
      %shift_right_logical3A_221 = vector.broadcast %shift_right_logical3A_220 : i32 to vector<16xi32>
      %shift_right_logical3A_222 = arith.shrui %xor3A_215, %shift_right_logical3A_221 : vector<16xi32>
      %or3A_223 = arith.ori %shift_left3A_219, %shift_right_logical3A_222 : vector<16xi32>
      %xor3A_224 = arith.xori %or3A_223, %add3A_216 : vector<16xi32>
      %add3A_225 = arith.addi %add3A_216, %xor3A_224 : vector<16xi32>
      %shift_left3A_226 = arith.constant 26 : i32
      %shift_left3A_227 = vector.broadcast %shift_left3A_226 : i32 to vector<16xi32>
      %shift_left3A_228 = arith.shli %xor3A_224, %shift_left3A_227 : vector<16xi32>
      %shift_right_logical3A_229 = arith.constant 6 : i32
      %shift_right_logical3A_230 = vector.broadcast %shift_right_logical3A_229 : i32 to vector<16xi32>
      %shift_right_logical3A_231 = arith.shrui %xor3A_224, %shift_right_logical3A_230 : vector<16xi32>
      %or3A_232 = arith.ori %shift_left3A_228, %shift_right_logical3A_231 : vector<16xi32>
      %xor3A_233 = arith.xori %or3A_232, %add3A_225 : vector<16xi32>
      %add3A_234 = arith.addi %add3A_225, %xor3A_233 : vector<16xi32>
      %shift_left3A_235 = arith.constant 6 : i32
      %shift_left3A_236 = vector.broadcast %shift_left3A_235 : i32 to vector<16xi32>
      %shift_left3A_237 = arith.shli %xor3A_233, %shift_left3A_236 : vector<16xi32>
      %shift_right_logical3A_238 = arith.constant 26 : i32
      %shift_right_logical3A_239 = vector.broadcast %shift_right_logical3A_238 : i32 to vector<16xi32>
      %shift_right_logical3A_240 = arith.shrui %xor3A_233, %shift_right_logical3A_239 : vector<16xi32>
      %or3A_241 = arith.ori %shift_left3A_237, %shift_right_logical3A_240 : vector<16xi32>
      %xor3A_242 = arith.xori %or3A_241, %add3A_234 : vector<16xi32>
      %add3A_243 = arith.constant 466688987 : i32
      %add3A_244 = vector.broadcast %add3A_243 : i32 to vector<16xi32>
      %add3A_245 = arith.addi %add3A_234, %add3A_244 : vector<16xi32>
      %add3A_246 = arith.constant 0 : i32
      %add3A_247 = vector.broadcast %add3A_246 : i32 to vector<16xi32>
      %add3A_248 = arith.addi %xor3A_242, %add3A_247 : vector<16xi32>
      %add3A_249 = arith.constant 5 : i32
      %add3A_250 = vector.broadcast %add3A_249 : i32 to vector<16xi32>
      %add3A_251 = arith.addi %add3A_248, %add3A_250 : vector<16xi32>
      %xor3A_252 = arith.xori %add3A_245, %add3A_251 : vector<16xi32>
      %mul3A_253 = arith.constant 16 : i32
      %mul3A_254 = arith.muli %scan3A_12, %mul3A_253 : i32
      %swap3A = arith.constant 0 : i32
      %swap3A_255 = arith.index_cast %swap3A : i32 to index
      %swap3A_256 = arith.index_cast %mul3A_254 : i32 to index
      %swap3A_257 = tpu.vector_load %arg3[%swap3A_255, %swap3A_256] {strides = array<i32>} : memref<8x1024xi32, #tpu.memory_space<vmem>>, vector<1x16xi32>,
      %swap3A_258 = vector.shape_cast %swap3A_257 : vector<1x16xi32> to vector<16xi32>
      %swap3A_259 = vector.shape_cast %xor3A_252 : vector<16xi32> to vector<1x16xi32>
      tpu.vector_store %arg3[%swap3A_255, %swap3A_256], %swap3A_259 {strides = array<i32>} : memref<8x1024xi32, #tpu.memory_space<vmem>>, vector<1x16xi32>,
      %mul3A_260 = arith.constant 8 : i32
      %mul3A_261 = vector.broadcast %mul3A_260 : i32 to vector<16xi32>
      %mul3A_262 = arith.muli %add3A_18, %mul3A_261 : vector<16xi32>
      %add3A_263 = arith.constant 1 : i32
      %add3A_264 = vector.broadcast %add3A_263 : i32 to vector<16xi32>
      %add3A_265 = arith.addi %mul3A_262, %add3A_264 : vector<16xi32>
      %add3A_266 = arith.constant 0 : i32
      %add3A_267 = vector.broadcast %add3A_266 : i32 to vector<16xi32>
      %add3A_268 = arith.addi %broadcast_in_dim3A_3, %add3A_267 : vector<16xi32>
      %add3A_269 = arith.constant 1 : i32
      %add3A_270 = vector.broadcast %add3A_269 : i32 to vector<16xi32>
      %add3A_271 = arith.addi %add3A_265, %add3A_270 : vector<16xi32>
      %add3A_272 = arith.addi %add3A_268, %add3A_271 : vector<16xi32>
      %shift_left3A_273 = arith.constant 13 : i32
      %shift_left3A_274 = vector.broadcast %shift_left3A_273 : i32 to vector<16xi32>
      %shift_left3A_275 = arith.shli %add3A_271, %shift_left3A_274 : vector<16xi32>
      %shift_right_logical3A_276 = arith.constant 19 : i32
      %shift_right_logical3A_277 = vector.broadcast %shift_right_logical3A_276 : i32 to vector<16xi32>
      %shift_right_logical3A_278 = arith.shrui %add3A_271, %shift_right_logical3A_277 : vector<16xi32>
      %or3A_279 = arith.ori %shift_left3A_275, %shift_right_logical3A_278 : vector<16xi32>
      %xor3A_280 = arith.xori %or3A_279, %add3A_272 : vector<16xi32>
      %add3A_281 = arith.addi %add3A_272, %xor3A_280 : vector<16xi32>
      %shift_left3A_282 = arith.constant 15 : i32
      %shift_left3A_283 = vector.broadcast %shift_left3A_282 : i32 to vector<16xi32>
      %shift_left3A_284 = arith.shli %xor3A_280, %shift_left3A_283 : vector<16xi32>
      %shift_right_logical3A_285 = arith.constant 17 : i32
      %shift_right_logical3A_286 = vector.broadcast %shift_right_logical3A_285 : i32 to vector<16xi32>
      %shift_right_logical3A_287 = arith.shrui %xor3A_280, %shift_right_logical3A_286 : vector<16xi32>
      %or3A_288 = arith.ori %shift_left3A_284, %shift_right_logical3A_287 : vector<16xi32>
      %xor3A_289 = arith.xori %or3A_288, %add3A_281 : vector<16xi32>
      %add3A_290 = arith.addi %add3A_281, %xor3A_289 : vector<16xi32>
      %shift_left3A_291 = arith.constant 26 : i32
      %shift_left3A_292 = vector.broadcast %shift_left3A_291 : i32 to vector<16xi32>
      %shift_left3A_293 = arith.shli %xor3A_289, %shift_left3A_292 : vector<16xi32>
      %shift_right_logical3A_294 = arith.constant 6 : i32
      %shift_right_logical3A_295 = vector.broadcast %shift_right_logical3A_294 : i32 to vector<16xi32>
      %shift_right_logical3A_296 = arith.shrui %xor3A_289, %shift_right_logical3A_295 : vector<16xi32>
      %or3A_297 = arith.ori %shift_left3A_293, %shift_right_logical3A_296 : vector<16xi32>
      %xor3A_298 = arith.xori %or3A_297, %add3A_290 : vector<16xi32>
      %add3A_299 = arith.addi %add3A_290, %xor3A_298 : vector<16xi32>
      %shift_left3A_300 = arith.constant 6 : i32
      %shift_left3A_301 = vector.broadcast %shift_left3A_300 : i32 to vector<16xi32>
      %shift_left3A_302 = arith.shli %xor3A_298, %shift_left3A_301 : vector<16xi32>
      %shift_right_logical3A_303 = arith.constant 26 : i32
      %shift_right_logical3A_304 = vector.broadcast %shift_right_logical3A_303 : i32 to vector<16xi32>
      %shift_right_logical3A_305 = arith.shrui %xor3A_298, %shift_right_logical3A_304 : vector<16xi32>
      %or3A_306 = arith.ori %shift_left3A_302, %shift_right_logical3A_305 : vector<16xi32>
      %xor3A_307 = arith.xori %or3A_306, %add3A_299 : vector<16xi32>
      %add3A_308 = arith.constant 1 : i32
      %add3A_309 = vector.broadcast %add3A_308 : i32 to vector<16xi32>
      %add3A_310 = arith.addi %add3A_299, %add3A_309 : vector<16xi32>
      %add3A_311 = arith.constant 466688987 : i32
      %add3A_312 = vector.broadcast %add3A_311 : i32 to vector<16xi32>
      %add3A_313 = arith.addi %xor3A_307, %add3A_312 : vector<16xi32>
      %add3A_314 = arith.constant 1 : i32
      %add3A_315 = vector.broadcast %add3A_314 : i32 to vector<16xi32>
      %add3A_316 = arith.addi %add3A_313, %add3A_315 : vector<16xi32>
      %add3A_317 = arith.addi %add3A_310, %add3A_316 : vector<16xi32>
      %shift_left3A_318 = arith.constant 17 : i32
      %shift_left3A_319 = vector.broadcast %shift_left3A_318 : i32 to vector<16xi32>
      %shift_left3A_320 = arith.shli %add3A_316, %shift_left3A_319 : vector<16xi32>
      %shift_right_logical3A_321 = arith.constant 15 : i32
      %shift_right_logical3A_322 = vector.broadcast %shift_right_logical3A_321 : i32 to vector<16xi32>
      %shift_right_logical3A_323 = arith.shrui %add3A_316, %shift_right_logical3A_322 : vector<16xi32>
      %or3A_324 = arith.ori %shift_left3A_320, %shift_right_logical3A_323 : vector<16xi32>
      %xor3A_325 = arith.xori %or3A_324, %add3A_317 : vector<16xi32>
      %add3A_326 = arith.addi %add3A_317, %xor3A_325 : vector<16xi32>
      %shift_left3A_327 = arith.constant 29 : i32
      %shift_left3A_328 = vector.broadcast %shift_left3A_327 : i32 to vector<16xi32>
      %shift_left3A_329 = arith.shli %xor3A_325, %shift_left3A_328 : vector<16xi32>
      %shift_right_logical3A_330 = arith.constant 3 : i32
      %shift_right_logical3A_331 = vector.broadcast %shift_right_logical3A_330 : i32 to vector<16xi32>
      %shift_right_logical3A_332 = arith.shrui %xor3A_325, %shift_right_logical3A_331 : vector<16xi32>
      %or3A_333 = arith.ori %shift_left3A_329, %shift_right_logical3A_332 : vector<16xi32>
      %xor3A_334 = arith.xori %or3A_333, %add3A_326 : vector<16xi32>
      %add3A_335 = arith.addi %add3A_326, %xor3A_334 : vector<16xi32>
      %shift_left3A_336 = arith.constant 16 : i32
      %shift_left3A_337 = vector.broadcast %shift_left3A_336 : i32 to vector<16xi32>
      %shift_left3A_338 = arith.shli %xor3A_334, %shift_left3A_337 : vector<16xi32>
      %shift_right_logical3A_339 = arith.constant 16 : i32
      %shift_right_logical3A_340 = vector.broadcast %shift_right_logical3A_339 : i32 to vector<16xi32>
      %shift_right_logical3A_341 = arith.shrui %xor3A_334, %shift_right_logical3A_340 : vector<16xi32>
      %or3A_342 = arith.ori %shift_left3A_338, %shift_right_logical3A_341 : vector<16xi32>
      %xor3A_343 = arith.xori %or3A_342, %add3A_335 : vector<16xi32>
      %add3A_344 = arith.addi %add3A_335, %xor3A_343 : vector<16xi32>
      %shift_left3A_345 = arith.constant 24 : i32
      %shift_left3A_346 = vector.broadcast %shift_left3A_345 : i32 to vector<16xi32>
      %shift_left3A_347 = arith.shli %xor3A_343, %shift_left3A_346 : vector<16xi32>
      %shift_right_logical3A_348 = arith.constant 8 : i32
      %shift_right_logical3A_349 = vector.broadcast %shift_right_logical3A_348 : i32 to vector<16xi32>
      %shift_right_logical3A_350 = arith.shrui %xor3A_343, %shift_right_logical3A_349 : vector<16xi32>
      %or3A_351 = arith.ori %shift_left3A_347, %shift_right_logical3A_350 : vector<16xi32>
      %xor3A_352 = arith.xori %or3A_351, %add3A_344 : vector<16xi32>
      %add3A_353 = arith.constant 466688987 : i32
      %add3A_354 = vector.broadcast %add3A_353 : i32 to vector<16xi32>
      %add3A_355 = arith.addi %add3A_344, %add3A_354 : vector<16xi32>
      %add3A_356 = arith.constant 0 : i32
      %add3A_357 = vector.broadcast %add3A_356 : i32 to vector<16xi32>
      %add3A_358 = arith.addi %xor3A_352, %add3A_357 : vector<16xi32>
      %add3A_359 = arith.constant 2 : i32
      %add3A_360 = vector.broadcast %add3A_359 : i32 to vector<16xi32>
      %add3A_361 = arith.addi %add3A_358, %add3A_360 : vector<16xi32>
      %add3A_362 = arith.addi %add3A_355, %add3A_361 : vector<16xi32>
      %shift_left3A_363 = arith.constant 13 : i32
      %shift_left3A_364 = vector.broadcast %shift_left3A_363 : i32 to vector<16xi32>
      %shift_left3A_365 = arith.shli %add3A_361, %shift_left3A_364 : vector<16xi32>
      %shift_right_logical3A_366 = arith.constant 19 : i32
      %shift_right_logical3A_367 = vector.broadcast %shift_right_logical3A_366 : i32 to vector<16xi32>
      %shift_right_logical3A_368 = arith.shrui %add3A_361, %shift_right_logical3A_367 : vector<16xi32>
      %or3A_369 = arith.ori %shift_left3A_365, %shift_right_logical3A_368 : vector<16xi32>
      %xor3A_370 = arith.xori %or3A_369, %add3A_362 : vector<16xi32>
      %add3A_371 = arith.addi %add3A_362, %xor3A_370 : vector<16xi32>
      %shift_left3A_372 = arith.constant 15 : i32
      %shift_left3A_373 = vector.broadcast %shift_left3A_372 : i32 to vector<16xi32>
      %shift_left3A_374 = arith.shli %xor3A_370, %shift_left3A_373 : vector<16xi32>
      %shift_right_logical3A_375 = arith.constant 17 : i32
      %shift_right_logical3A_376 = vector.broadcast %shift_right_logical3A_375 : i32 to vector<16xi32>
      %shift_right_logical3A_377 = arith.shrui %xor3A_370, %shift_right_logical3A_376 : vector<16xi32>
      %or3A_378 = arith.ori %shift_left3A_374, %shift_right_logical3A_377 : vector<16xi32>
      %xor3A_379 = arith.xori %or3A_378, %add3A_371 : vector<16xi32>
      %add3A_380 = arith.addi %add3A_371, %xor3A_379 : vector<16xi32>
      %shift_left3A_381 = arith.constant 26 : i32
      %shift_left3A_382 = vector.broadcast %shift_left3A_381 : i32 to vector<16xi32>
      %shift_left3A_383 = arith.shli %xor3A_379, %shift_left3A_382 : vector<16xi32>
      %shift_right_logical3A_384 = arith.constant 6 : i32
      %shift_right_logical3A_385 = vector.broadcast %shift_right_logical3A_384 : i32 to vector<16xi32>
      %shift_right_logical3A_386 = arith.shrui %xor3A_379, %shift_right_logical3A_385 : vector<16xi32>
      %or3A_387 = arith.ori %shift_left3A_383, %shift_right_logical3A_386 : vector<16xi32>
      %xor3A_388 = arith.xori %or3A_387, %add3A_380 : vector<16xi32>
      %add3A_389 = arith.addi %add3A_380, %xor3A_388 : vector<16xi32>
      %shift_left3A_390 = arith.constant 6 : i32
      %shift_left3A_391 = vector.broadcast %shift_left3A_390 : i32 to vector<16xi32>
      %shift_left3A_392 = arith.shli %xor3A_388, %shift_left3A_391 : vector<16xi32>
      %shift_right_logical3A_393 = arith.constant 26 : i32
      %shift_right_logical3A_394 = vector.broadcast %shift_right_logical3A_393 : i32 to vector<16xi32>
      %shift_right_logical3A_395 = arith.shrui %xor3A_388, %shift_right_logical3A_394 : vector<16xi32>
      %or3A_396 = arith.ori %shift_left3A_392, %shift_right_logical3A_395 : vector<16xi32>
      %xor3A_397 = arith.xori %or3A_396, %add3A_389 : vector<16xi32>
      %add3A_398 = arith.constant 0 : i32
      %add3A_399 = vector.broadcast %add3A_398 : i32 to vector<16xi32>
      %add3A_400 = arith.addi %add3A_389, %add3A_399 : vector<16xi32>
      %add3A_401 = arith.constant 1 : i32
      %add3A_402 = vector.broadcast %add3A_401 : i32 to vector<16xi32>
      %add3A_403 = arith.addi %xor3A_397, %add3A_402 : vector<16xi32>
      %add3A_404 = arith.constant 3 : i32
      %add3A_405 = vector.broadcast %add3A_404 : i32 to vector<16xi32>
      %add3A_406 = arith.addi %add3A_403, %add3A_405 : vector<16xi32>
      %add3A_407 = arith.addi %add3A_400, %add3A_406 : vector<16xi32>
      %shift_left3A_408 = arith.constant 17 : i32
      %shift_left3A_409 = vector.broadcast %shift_left3A_408 : i32 to vector<16xi32>
      %shift_left3A_410 = arith.shli %add3A_406, %shift_left3A_409 : vector<16xi32>
      %shift_right_logical3A_411 = arith.constant 15 : i32
      %shift_right_logical3A_412 = vector.broadcast %shift_right_logical3A_411 : i32 to vector<16xi32>
      %shift_right_logical3A_413 = arith.shrui %add3A_406, %shift_right_logical3A_412 : vector<16xi32>
      %or3A_414 = arith.ori %shift_left3A_410, %shift_right_logical3A_413 : vector<16xi32>
      %xor3A_415 = arith.xori %or3A_414, %add3A_407 : vector<16xi32>
      %add3A_416 = arith.addi %add3A_407, %xor3A_415 : vector<16xi32>
      %shift_left3A_417 = arith.constant 29 : i32
      %shift_left3A_418 = vector.broadcast %shift_left3A_417 : i32 to vector<16xi32>
      %shift_left3A_419 = arith.shli %xor3A_415, %shift_left3A_418 : vector<16xi32>
      %shift_right_logical3A_420 = arith.constant 3 : i32
      %shift_right_logical3A_421 = vector.broadcast %shift_right_logical3A_420 : i32 to vector<16xi32>
      %shift_right_logical3A_422 = arith.shrui %xor3A_415, %shift_right_logical3A_421 : vector<16xi32>
      %or3A_423 = arith.ori %shift_left3A_419, %shift_right_logical3A_422 : vector<16xi32>
      %xor3A_424 = arith.xori %or3A_423, %add3A_416 : vector<16xi32>
      %add3A_425 = arith.addi %add3A_416, %xor3A_424 : vector<16xi32>
      %shift_left3A_426 = arith.constant 16 : i32
      %shift_left3A_427 = vector.broadcast %shift_left3A_426 : i32 to vector<16xi32>
      %shift_left3A_428 = arith.shli %xor3A_424, %shift_left3A_427 : vector<16xi32>
      %shift_right_logical3A_429 = arith.constant 16 : i32
      %shift_right_logical3A_430 = vector.broadcast %shift_right_logical3A_429 : i32 to vector<16xi32>
      %shift_right_logical3A_431 = arith.shrui %xor3A_424, %shift_right_logical3A_430 : vector<16xi32>
      %or3A_432 = arith.ori %shift_left3A_428, %shift_right_logical3A_431 : vector<16xi32>
      %xor3A_433 = arith.xori %or3A_432, %add3A_425 : vector<16xi32>
      %add3A_434 = arith.addi %add3A_425, %xor3A_433 : vector<16xi32>
      %shift_left3A_435 = arith.constant 24 : i32
      %shift_left3A_436 = vector.broadcast %shift_left3A_435 : i32 to vector<16xi32>
      %shift_left3A_437 = arith.shli %xor3A_433, %shift_left3A_436 : vector<16xi32>
      %shift_right_logical3A_438 = arith.constant 8 : i32
      %shift_right_logical3A_439 = vector.broadcast %shift_right_logical3A_438 : i32 to vector<16xi32>
      %shift_right_logical3A_440 = arith.shrui %xor3A_433, %shift_right_logical3A_439 : vector<16xi32>
      %or3A_441 = arith.ori %shift_left3A_437, %shift_right_logical3A_440 : vector<16xi32>
      %xor3A_442 = arith.xori %or3A_441, %add3A_434 : vector<16xi32>
      %add3A_443 = arith.constant 1 : i32
      %add3A_444 = vector.broadcast %add3A_443 : i32 to vector<16xi32>
      %add3A_445 = arith.addi %add3A_434, %add3A_444 : vector<16xi32>
      %add3A_446 = arith.constant 466688987 : i32
      %add3A_447 = vector.broadcast %add3A_446 : i32 to vector<16xi32>
      %add3A_448 = arith.addi %xor3A_442, %add3A_447 : vector<16xi32>
      %add3A_449 = arith.constant 4 : i32
      %add3A_450 = vector.broadcast %add3A_449 : i32 to vector<16xi32>
      %add3A_451 = arith.addi %add3A_448, %add3A_450 : vector<16xi32>
      %add3A_452 = arith.addi %add3A_445, %add3A_451 : vector<16xi32>
      %shift_left3A_453 = arith.constant 13 : i32
      %shift_left3A_454 = vector.broadcast %shift_left3A_453 : i32 to vector<16xi32>
      %shift_left3A_455 = arith.shli %add3A_451, %shift_left3A_454 : vector<16xi32>
      %shift_right_logical3A_456 = arith.constant 19 : i32
      %shift_right_logical3A_457 = vector.broadcast %shift_right_logical3A_456 : i32 to vector<16xi32>
      %shift_right_logical3A_458 = arith.shrui %add3A_451, %shift_right_logical3A_457 : vector<16xi32>
      %or3A_459 = arith.ori %shift_left3A_455, %shift_right_logical3A_458 : vector<16xi32>
      %xor3A_460 = arith.xori %or3A_459, %add3A_452 : vector<16xi32>
      %add3A_461 = arith.addi %add3A_452, %xor3A_460 : vector<16xi32>
      %shift_left3A_462 = arith.constant 15 : i32
      %shift_left3A_463 = vector.broadcast %shift_left3A_462 : i32 to vector<16xi32>
      %shift_left3A_464 = arith.shli %xor3A_460, %shift_left3A_463 : vector<16xi32>
      %shift_right_logical3A_465 = arith.constant 17 : i32
      %shift_right_logical3A_466 = vector.broadcast %shift_right_logical3A_465 : i32 to vector<16xi32>
      %shift_right_logical3A_467 = arith.shrui %xor3A_460, %shift_right_logical3A_466 : vector<16xi32>
      %or3A_468 = arith.ori %shift_left3A_464, %shift_right_logical3A_467 : vector<16xi32>
      %xor3A_469 = arith.xori %or3A_468, %add3A_461 : vector<16xi32>
      %add3A_470 = arith.addi %add3A_461, %xor3A_469 : vector<16xi32>
      %shift_left3A_471 = arith.constant 26 : i32
      %shift_left3A_472 = vector.broadcast %shift_left3A_471 : i32 to vector<16xi32>
      %shift_left3A_473 = arith.shli %xor3A_469, %shift_left3A_472 : vector<16xi32>
      %shift_right_logical3A_474 = arith.constant 6 : i32
      %shift_right_logical3A_475 = vector.broadcast %shift_right_logical3A_474 : i32 to vector<16xi32>
      %shift_right_logical3A_476 = arith.shrui %xor3A_469, %shift_right_logical3A_475 : vector<16xi32>
      %or3A_477 = arith.ori %shift_left3A_473, %shift_right_logical3A_476 : vector<16xi32>
      %xor3A_478 = arith.xori %or3A_477, %add3A_470 : vector<16xi32>
      %add3A_479 = arith.addi %add3A_470, %xor3A_478 : vector<16xi32>
      %shift_left3A_480 = arith.constant 6 : i32
      %shift_left3A_481 = vector.broadcast %shift_left3A_480 : i32 to vector<16xi32>
      %shift_left3A_482 = arith.shli %xor3A_478, %shift_left3A_481 : vector<16xi32>
      %shift_right_logical3A_483 = arith.constant 26 : i32
      %shift_right_logical3A_484 = vector.broadcast %shift_right_logical3A_483 : i32 to vector<16xi32>
      %shift_right_logical3A_485 = arith.shrui %xor3A_478, %shift_right_logical3A_484 : vector<16xi32>
      %or3A_486 = arith.ori %shift_left3A_482, %shift_right_logical3A_485 : vector<16xi32>
      %xor3A_487 = arith.xori %or3A_486, %add3A_479 : vector<16xi32>
      %add3A_488 = arith.constant 466688987 : i32
      %add3A_489 = vector.broadcast %add3A_488 : i32 to vector<16xi32>
      %add3A_490 = arith.addi %add3A_479, %add3A_489 : vector<16xi32>
      %add3A_491 = arith.constant 0 : i32
      %add3A_492 = vector.broadcast %add3A_491 : i32 to vector<16xi32>
      %add3A_493 = arith.addi %xor3A_487, %add3A_492 : vector<16xi32>
      %add3A_494 = arith.constant 5 : i32
      %add3A_495 = vector.broadcast %add3A_494 : i32 to vector<16xi32>
      %add3A_496 = arith.addi %add3A_493, %add3A_495 : vector<16xi32>
      %xor3A_497 = arith.xori %add3A_490, %add3A_496 : vector<16xi32>
      %mul3A_498 = arith.constant 16 : i32
      %mul3A_499 = arith.muli %scan3A_12, %mul3A_498 : i32
      %swap3A_500 = arith.constant 1 : i32
      %swap3A_501 = arith.index_cast %swap3A_500 : i32 to index
      %swap3A_502 = arith.index_cast %mul3A_499 : i32 to index
      %swap3A_503 = tpu.vector_load %arg3[%swap3A_501, %swap3A_502] {strides = array<i32>} : memref<8x1024xi32, #tpu.memory_space<vmem>>, vector<1x16xi32>,
      %swap3A_504 = vector.shape_cast %swap3A_503 : vector<1x16xi32> to vector<16xi32>
      %swap3A_505 = vector.shape_cast %xor3A_497 : vector<16xi32> to vector<1x16xi32>
      tpu.vector_store %arg3[%swap3A_501, %swap3A_502], %swap3A_505 {strides = array<i32>} : memref<8x1024xi32, #tpu.memory_space<vmem>>, vector<1x16xi32>,
      %mul3A_506 = arith.constant 8 : i32
      %mul3A_507 = vector.broadcast %mul3A_506 : i32 to vector<16xi32>
      %mul3A_508 = arith.muli %add3A_18, %mul3A_507 : vector<16xi32>
      %add3A_509 = arith.constant 2 : i32
      %add3A_510 = vector.broadcast %add3A_509 : i32 to vector<16xi32>
      %add3A_511 = arith.addi %mul3A_508, %add3A_510 : vector<16xi32>
      %add3A_512 = arith.constant 0 : i32
      %add3A_513 = vector.broadcast %add3A_512 : i32 to vector<16xi32>
      %add3A_514 = arith.addi %broadcast_in_dim3A_3, %add3A_513 : vector<16xi32>
      %add3A_515 = arith.constant 1 : i32
      %add3A_516 = vector.broadcast %add3A_515 : i32 to vector<16xi32>
      %add3A_517 = arith.addi %add3A_511, %add3A_516 : vector<16xi32>
      %add3A_518 = arith.addi %add3A_514, %add3A_517 : vector<16xi32>
      %shift_left3A_519 = arith.constant 13 : i32
      %shift_left3A_520 = vector.broadcast %shift_left3A_519 : i32 to vector<16xi32>
      %shift_left3A_521 = arith.shli %add3A_517, %shift_left3A_520 : vector<16xi32>
      %shift_right_logical3A_522 = arith.constant 19 : i32
      %shift_right_logical3A_523 = vector.broadcast %shift_right_logical3A_522 : i32 to vector<16xi32>
      %shift_right_logical3A_524 = arith.shrui %add3A_517, %shift_right_logical3A_523 : vector<16xi32>
      %or3A_525 = arith.ori %shift_left3A_521, %shift_right_logical3A_524 : vector<16xi32>
      %xor3A_526 = arith.xori %or3A_525, %add3A_518 : vector<16xi32>
      %add3A_527 = arith.addi %add3A_518, %xor3A_526 : vector<16xi32>
      %shift_left3A_528 = arith.constant 15 : i32
      %shift_left3A_529 = vector.broadcast %shift_left3A_528 : i32 to vector<16xi32>
      %shift_left3A_530 = arith.shli %xor3A_526, %shift_left3A_529 : vector<16xi32>
      %shift_right_logical3A_531 = arith.constant 17 : i32
      %shift_right_logical3A_532 = vector.broadcast %shift_right_logical3A_531 : i32 to vector<16xi32>
      %shift_right_logical3A_533 = arith.shrui %xor3A_526, %shift_right_logical3A_532 : vector<16xi32>
      %or3A_534 = arith.ori %shift_left3A_530, %shift_right_logical3A_533 : vector<16xi32>
      %xor3A_535 = arith.xori %or3A_534, %add3A_527 : vector<16xi32>
      %add3A_536 = arith.addi %add3A_527, %xor3A_535 : vector<16xi32>
      %shift_left3A_537 = arith.constant 26 : i32
      %shift_left3A_538 = vector.broadcast %shift_left3A_537 : i32 to vector<16xi32>
      %shift_left3A_539 = arith.shli %xor3A_535, %shift_left3A_538 : vector<16xi32>
      %shift_right_logical3A_540 = arith.constant 6 : i32
      %shift_right_logical3A_541 = vector.broadcast %shift_right_logical3A_540 : i32 to vector<16xi32>
      %shift_right_logical3A_542 = arith.shrui %xor3A_535, %shift_right_logical3A_541 : vector<16xi32>
      %or3A_543 = arith.ori %shift_left3A_539, %shift_right_logical3A_542 : vector<16xi32>
      %xor3A_544 = arith.xori %or3A_543, %add3A_536 : vector<16xi32>
      %add3A_545 = arith.addi %add3A_536, %xor3A_544 : vector<16xi32>
      %shift_left3A_546 = arith.constant 6 : i32
      %shift_left3A_547 = vector.broadcast %shift_left3A_546 : i32 to vector<16xi32>
      %shift_left3A_548 = arith.shli %xor3A_544, %shift_left3A_547 : vector<16xi32>
      %shift_right_logical3A_549 = arith.constant 26 : i32
      %shift_right_logical3A_550 = vector.broadcast %shift_right_logical3A_549 : i32 to vector<16xi32>
      %shift_right_logical3A_551 = arith.shrui %xor3A_544, %shift_right_logical3A_550 : vector<16xi32>
      %or3A_552 = arith.ori %shift_left3A_548, %shift_right_logical3A_551 : vector<16xi32>
      %xor3A_553 = arith.xori %or3A_552, %add3A_545 : vector<16xi32>
      %add3A_554 = arith.constant 1 : i32
      %add3A_555 = vector.broadcast %add3A_554 : i32 to vector<16xi32>
      %add3A_556 = arith.addi %add3A_545, %add3A_555 : vector<16xi32>
      %add3A_557 = arith.constant 466688987 : i32
      %add3A_558 = vector.broadcast %add3A_557 : i32 to vector<16xi32>
      %add3A_559 = arith.addi %xor3A_553, %add3A_558 : vector<16xi32>
      %add3A_560 = arith.constant 1 : i32
      %add3A_561 = vector.broadcast %add3A_560 : i32 to vector<16xi32>
      %add3A_562 = arith.addi %add3A_559, %add3A_561 : vector<16xi32>
      %add3A_563 = arith.addi %add3A_556, %add3A_562 : vector<16xi32>
      %shift_left3A_564 = arith.constant 17 : i32
      %shift_left3A_565 = vector.broadcast %shift_left3A_564 : i32 to vector<16xi32>
      %shift_left3A_566 = arith.shli %add3A_562, %shift_left3A_565 : vector<16xi32>
      %shift_right_logical3A_567 = arith.constant 15 : i32
      %shift_right_logical3A_568 = vector.broadcast %shift_right_logical3A_567 : i32 to vector<16xi32>
      %shift_right_logical3A_569 = arith.shrui %add3A_562, %shift_right_logical3A_568 : vector<16xi32>
      %or3A_570 = arith.ori %shift_left3A_566, %shift_right_logical3A_569 : vector<16xi32>
      %xor3A_571 = arith.xori %or3A_570, %add3A_563 : vector<16xi32>
      %add3A_572 = arith.addi %add3A_563, %xor3A_571 : vector<16xi32>
      %shift_left3A_573 = arith.constant 29 : i32
      %shift_left3A_574 = vector.broadcast %shift_left3A_573 : i32 to vector<16xi32>
      %shift_left3A_575 = arith.shli %xor3A_571, %shift_left3A_574 : vector<16xi32>
      %shift_right_logical3A_576 = arith.constant 3 : i32
      %shift_right_logical3A_577 = vector.broadcast %shift_right_logical3A_576 : i32 to vector<16xi32>
      %shift_right_logical3A_578 = arith.shrui %xor3A_571, %shift_right_logical3A_577 : vector<16xi32>
      %or3A_579 = arith.ori %shift_left3A_575, %shift_right_logical3A_578 : vector<16xi32>
      %xor3A_580 = arith.xori %or3A_579, %add3A_572 : vector<16xi32>
      %add3A_581 = arith.addi %add3A_572, %xor3A_580 : vector<16xi32>
      %shift_left3A_582 = arith.constant 16 : i32
      %shift_left3A_583 = vector.broadcast %shift_left3A_582 : i32 to vector<16xi32>
      %shift_left3A_584 = arith.shli %xor3A_580, %shift_left3A_583 : vector<16xi32>
      %shift_right_logical3A_585 = arith.constant 16 : i32
      %shift_right_logical3A_586 = vector.broadcast %shift_right_logical3A_585 : i32 to vector<16xi32>
      %shift_right_logical3A_587 = arith.shrui %xor3A_580, %shift_right_logical3A_586 : vector<16xi32>
      %or3A_588 = arith.ori %shift_left3A_584, %shift_right_logical3A_587 : vector<16xi32>
      %xor3A_589 = arith.xori %or3A_588, %add3A_581 : vector<16xi32>
      %add3A_590 = arith.addi %add3A_581, %xor3A_589 : vector<16xi32>
      %shift_left3A_591 = arith.constant 24 : i32
      %shift_left3A_592 = vector.broadcast %shift_left3A_591 : i32 to vector<16xi32>
      %shift_left3A_593 = arith.shli %xor3A_589, %shift_left3A_592 : vector<16xi32>
      %shift_right_logical3A_594 = arith.constant 8 : i32
      %shift_right_logical3A_595 = vector.broadcast %shift_right_logical3A_594 : i32 to vector<16xi32>
      %shift_right_logical3A_596 = arith.shrui %xor3A_589, %shift_right_logical3A_595 : vector<16xi32>
      %or3A_597 = arith.ori %shift_left3A_593, %shift_right_logical3A_596 : vector<16xi32>
      %xor3A_598 = arith.xori %or3A_597, %add3A_590 : vector<16xi32>
      %add3A_599 = arith.constant 466688987 : i32
      %add3A_600 = vector.broadcast %add3A_599 : i32 to vector<16xi32>
      %add3A_601 = arith.addi %add3A_590, %add3A_600 : vector<16xi32>
      %add3A_602 = arith.constant 0 : i32
      %add3A_603 = vector.broadcast %add3A_602 : i32 to vector<16xi32>
      %add3A_604 = arith.addi %xor3A_598, %add3A_603 : vector<16xi32>
      %add3A_605 = arith.constant 2 : i32
      %add3A_606 = vector.broadcast %add3A_605 : i32 to vector<16xi32>
      %add3A_607 = arith.addi %add3A_604, %add3A_606 : vector<16xi32>
      %add3A_608 = arith.addi %add3A_601, %add3A_607 : vector<16xi32>
      %shift_left3A_609 = arith.constant 13 : i32
      %shift_left3A_610 = vector.broadcast %shift_left3A_609 : i32 to vector<16xi32>
      %shift_left3A_611 = arith.shli %add3A_607, %shift_left3A_610 : vector<16xi32>
      %shift_right_logical3A_612 = arith.constant 19 : i32
      %shift_right_logical3A_613 = vector.broadcast %shift_right_logical3A_612 : i32 to vector<16xi32>
      %shift_right_logical3A_614 = arith.shrui %add3A_607, %shift_right_logical3A_613 : vector<16xi32>
      %or3A_615 = arith.ori %shift_left3A_611, %shift_right_logical3A_614 : vector<16xi32>
      %xor3A_616 = arith.xori %or3A_615, %add3A_608 : vector<16xi32>
      %add3A_617 = arith.addi %add3A_608, %xor3A_616 : vector<16xi32>
      %shift_left3A_618 = arith.constant 15 : i32
      %shift_left3A_619 = vector.broadcast %shift_left3A_618 : i32 to vector<16xi32>
      %shift_left3A_620 = arith.shli %xor3A_616, %shift_left3A_619 : vector<16xi32>
      %shift_right_logical3A_621 = arith.constant 17 : i32
      %shift_right_logical3A_622 = vector.broadcast %shift_right_logical3A_621 : i32 to vector<16xi32>
      %shift_right_logical3A_623 = arith.shrui %xor3A_616, %shift_right_logical3A_622 : vector<16xi32>
      %or3A_624 = arith.ori %shift_left3A_620, %shift_right_logical3A_623 : vector<16xi32>
      %xor3A_625 = arith.xori %or3A_624, %add3A_617 : vector<16xi32>
      %add3A_626 = arith.addi %add3A_617, %xor3A_625 : vector<16xi32>
      %shift_left3A_627 = arith.constant 26 : i32
      %shift_left3A_628 = vector.broadcast %shift_left3A_627 : i32 to vector<16xi32>
      %shift_left3A_629 = arith.shli %xor3A_625, %shift_left3A_628 : vector<16xi32>
      %shift_right_logical3A_630 = arith.constant 6 : i32
      %shift_right_logical3A_631 = vector.broadcast %shift_right_logical3A_630 : i32 to vector<16xi32>
      %shift_right_logical3A_632 = arith.shrui %xor3A_625, %shift_right_logical3A_631 : vector<16xi32>
      %or3A_633 = arith.ori %shift_left3A_629, %shift_right_logical3A_632 : vector<16xi32>
      %xor3A_634 = arith.xori %or3A_633, %add3A_626 : vector<16xi32>
      %add3A_635 = arith.addi %add3A_626, %xor3A_634 : vector<16xi32>
      %shift_left3A_636 = arith.constant 6 : i32
      %shift_left3A_637 = vector.broadcast %shift_left3A_636 : i32 to vector<16xi32>
      %shift_left3A_638 = arith.shli %xor3A_634, %shift_left3A_637 : vector<16xi32>
      %shift_right_logical3A_639 = arith.constant 26 : i32
      %shift_right_logical3A_640 = vector.broadcast %shift_right_logical3A_639 : i32 to vector<16xi32>
      %shift_right_logical3A_641 = arith.shrui %xor3A_634, %shift_right_logical3A_640 : vector<16xi32>
      %or3A_642 = arith.ori %shift_left3A_638, %shift_right_logical3A_641 : vector<16xi32>
      %xor3A_643 = arith.xori %or3A_642, %add3A_635 : vector<16xi32>
      %add3A_644 = arith.constant 0 : i32
      %add3A_645 = vector.broadcast %add3A_644 : i32 to vector<16xi32>
      %add3A_646 = arith.addi %add3A_635, %add3A_645 : vector<16xi32>
      %add3A_647 = arith.constant 1 : i32
      %add3A_648 = vector.broadcast %add3A_647 : i32 to vector<16xi32>
      %add3A_649 = arith.addi %xor3A_643, %add3A_648 : vector<16xi32>
      %add3A_650 = arith.constant 3 : i32
      %add3A_651 = vector.broadcast %add3A_650 : i32 to vector<16xi32>
      %add3A_652 = arith.addi %add3A_649, %add3A_651 : vector<16xi32>
      %add3A_653 = arith.addi %add3A_646, %add3A_652 : vector<16xi32>
      %shift_left3A_654 = arith.constant 17 : i32
      %shift_left3A_655 = vector.broadcast %shift_left3A_654 : i32 to vector<16xi32>
      %shift_left3A_656 = arith.shli %add3A_652, %shift_left3A_655 : vector<16xi32>
      %shift_right_logical3A_657 = arith.constant 15 : i32
      %shift_right_logical3A_658 = vector.broadcast %shift_right_logical3A_657 : i32 to vector<16xi32>
      %shift_right_logical3A_659 = arith.shrui %add3A_652, %shift_right_logical3A_658 : vector<16xi32>
      %or3A_660 = arith.ori %shift_left3A_656, %shift_right_logical3A_659 : vector<16xi32>
      %xor3A_661 = arith.xori %or3A_660, %add3A_653 : vector<16xi32>
      %add3A_662 = arith.addi %add3A_653, %xor3A_661 : vector<16xi32>
      %shift_left3A_663 = arith.constant 29 : i32
      %shift_left3A_664 = vector.broadcast %shift_left3A_663 : i32 to vector<16xi32>
      %shift_left3A_665 = arith.shli %xor3A_661, %shift_left3A_664 : vector<16xi32>
      %shift_right_logical3A_666 = arith.constant 3 : i32
      %shift_right_logical3A_667 = vector.broadcast %shift_right_logical3A_666 : i32 to vector<16xi32>
      %shift_right_logical3A_668 = arith.shrui %xor3A_661, %shift_right_logical3A_667 : vector<16xi32>
      %or3A_669 = arith.ori %shift_left3A_665, %shift_right_logical3A_668 : vector<16xi32>
      %xor3A_670 = arith.xori %or3A_669, %add3A_662 : vector<16xi32>
      %add3A_671 = arith.addi %add3A_662, %xor3A_670 : vector<16xi32>
      %shift_left3A_672 = arith.constant 16 : i32
      %shift_left3A_673 = vector.broadcast %shift_left3A_672 : i32 to vector<16xi32>
      %shift_left3A_674 = arith.shli %xor3A_670, %shift_left3A_673 : vector<16xi32>
      %shift_right_logical3A_675 = arith.constant 16 : i32
      %shift_right_logical3A_676 = vector.broadcast %shift_right_logical3A_675 : i32 to vector<16xi32>
      %shift_right_logical3A_677 = arith.shrui %xor3A_670, %shift_right_logical3A_676 : vector<16xi32>
      %or3A_678 = arith.ori %shift_left3A_674, %shift_right_logical3A_677 : vector<16xi32>
      %xor3A_679 = arith.xori %or3A_678, %add3A_671 : vector<16xi32>
      %add3A_680 = arith.addi %add3A_671, %xor3A_679 : vector<16xi32>
      %shift_left3A_681 = arith.constant 24 : i32
      %shift_left3A_682 = vector.broadcast %shift_left3A_681 : i32 to vector<16xi32>
      %shift_left3A_683 = arith.shli %xor3A_679, %shift_left3A_682 : vector<16xi32>
      %shift_right_logical3A_684 = arith.constant 8 : i32
      %shift_right_logical3A_685 = vector.broadcast %shift_right_logical3A_684 : i32 to vector<16xi32>
      %shift_right_logical3A_686 = arith.shrui %xor3A_679, %shift_right_logical3A_685 : vector<16xi32>
      %or3A_687 = arith.ori %shift_left3A_683, %shift_right_logical3A_686 : vector<16xi32>
      %xor3A_688 = arith.xori %or3A_687, %add3A_680 : vector<16xi32>
      %add3A_689 = arith.constant 1 : i32
      %add3A_690 = vector.broadcast %add3A_689 : i32 to vector<16xi32>
      %add3A_691 = arith.addi %add3A_680, %add3A_690 : vector<16xi32>
      %add3A_692 = arith.constant 466688987 : i32
      %add3A_693 = vector.broadcast %add3A_692 : i32 to vector<16xi32>
      %add3A_694 = arith.addi %xor3A_688, %add3A_693 : vector<16xi32>
      %add3A_695 = arith.constant 4 : i32
      %add3A_696 = vector.broadcast %add3A_695 : i32 to vector<16xi32>
      %add3A_697 = arith.addi %add3A_694, %add3A_696 : vector<16xi32>
      %add3A_698 = arith.addi %add3A_691, %add3A_697 : vector<16xi32>
      %shift_left3A_699 = arith.constant 13 : i32
      %shift_left3A_700 = vector.broadcast %shift_left3A_699 : i32 to vector<16xi32>
      %shift_left3A_701 = arith.shli %add3A_697, %shift_left3A_700 : vector<16xi32>
      %shift_right_logical3A_702 = arith.constant 19 : i32
      %shift_right_logical3A_703 = vector.broadcast %shift_right_logical3A_702 : i32 to vector<16xi32>
      %shift_right_logical3A_704 = arith.shrui %add3A_697, %shift_right_logical3A_703 : vector<16xi32>
      %or3A_705 = arith.ori %shift_left3A_701, %shift_right_logical3A_704 : vector<16xi32>
      %xor3A_706 = arith.xori %or3A_705, %add3A_698 : vector<16xi32>
      %add3A_707 = arith.addi %add3A_698, %xor3A_706 : vector<16xi32>
      %shift_left3A_708 = arith.constant 15 : i32
      %shift_left3A_709 = vector.broadcast %shift_left3A_708 : i32 to vector<16xi32>
      %shift_left3A_710 = arith.shli %xor3A_706, %shift_left3A_709 : vector<16xi32>
      %shift_right_logical3A_711 = arith.constant 17 : i32
      %shift_right_logical3A_712 = vector.broadcast %shift_right_logical3A_711 : i32 to vector<16xi32>
      %shift_right_logical3A_713 = arith.shrui %xor3A_706, %shift_right_logical3A_712 : vector<16xi32>
      %or3A_714 = arith.ori %shift_left3A_710, %shift_right_logical3A_713 : vector<16xi32>
      %xor3A_715 = arith.xori %or3A_714, %add3A_707 : vector<16xi32>
      %add3A_716 = arith.addi %add3A_707, %xor3A_715 : vector<16xi32>
      %shift_left3A_717 = arith.constant 26 : i32
      %shift_left3A_718 = vector.broadcast %shift_left3A_717 : i32 to vector<16xi32>
      %shift_left3A_719 = arith.shli %xor3A_715, %shift_left3A_718 : vector<16xi32>
      %shift_right_logical3A_720 = arith.constant 6 : i32
      %shift_right_logical3A_721 = vector.broadcast %shift_right_logical3A_720 : i32 to vector<16xi32>
      %shift_right_logical3A_722 = arith.shrui %xor3A_715, %shift_right_logical3A_721 : vector<16xi32>
      %or3A_723 = arith.ori %shift_left3A_719, %shift_right_logical3A_722 : vector<16xi32>
      %xor3A_724 = arith.xori %or3A_723, %add3A_716 : vector<16xi32>
      %add3A_725 = arith.addi %add3A_716, %xor3A_724 : vector<16xi32>
      %shift_left3A_726 = arith.constant 6 : i32
      %shift_left3A_727 = vector.broadcast %shift_left3A_726 : i32 to vector<16xi32>
      %shift_left3A_728 = arith.shli %xor3A_724, %shift_left3A_727 : vector<16xi32>
      %shift_right_logical3A_729 = arith.constant 26 : i32
      %shift_right_logical3A_730 = vector.broadcast %shift_right_logical3A_729 : i32 to vector<16xi32>
      %shift_right_logical3A_731 = arith.shrui %xor3A_724, %shift_right_logical3A_730 : vector<16xi32>
      %or3A_732 = arith.ori %shift_left3A_728, %shift_right_logical3A_731 : vector<16xi32>
      %xor3A_733 = arith.xori %or3A_732, %add3A_725 : vector<16xi32>
      %add3A_734 = arith.constant 466688987 : i32
      %add3A_735 = vector.broadcast %add3A_734 : i32 to vector<16xi32>
      %add3A_736 = arith.addi %add3A_725, %add3A_735 : vector<16xi32>
      %add3A_737 = arith.constant 0 : i32
      %add3A_738 = vector.broadcast %add3A_737 : i32 to vector<16xi32>
      %add3A_739 = arith.addi %xor3A_733, %add3A_738 : vector<16xi32>
      %add3A_740 = arith.constant 5 : i32
      %add3A_741 = vector.broadcast %add3A_740 : i32 to vector<16xi32>
      %add3A_742 = arith.addi %add3A_739, %add3A_741 : vector<16xi32>
      %xor3A_743 = arith.xori %add3A_736, %add3A_742 : vector<16xi32>
      %mul3A_744 = arith.constant 16 : i32
      %mul3A_745 = arith.muli %scan3A_12, %mul3A_744 : i32
      %swap3A_746 = arith.constant 2 : i32
      %swap3A_747 = arith.index_cast %swap3A_746 : i32 to index
      %swap3A_748 = arith.index_cast %mul3A_745 : i32 to index
      %swap3A_749 = tpu.vector_load %arg3[%swap3A_747, %swap3A_748] {strides = array<i32>} : memref<8x1024xi32, #tpu.memory_space<vmem>>, vector<1x16xi32>,
      %swap3A_750 = vector.shape_cast %swap3A_749 : vector<1x16xi32> to vector<16xi32>
      %swap3A_751 = vector.shape_cast %xor3A_743 : vector<16xi32> to vector<1x16xi32>
      tpu.vector_store %arg3[%swap3A_747, %swap3A_748], %swap3A_751 {strides = array<i32>} : memref<8x1024xi32, #tpu.memory_space<vmem>>, vector<1x16xi32>,
      %mul3A_752 = arith.constant 8 : i32
      %mul3A_753 = vector.broadcast %mul3A_752 : i32 to vector<16xi32>
      %mul3A_754 = arith.muli %add3A_18, %mul3A_753 : vector<16xi32>
      %add3A_755 = arith.constant 3 : i32
      %add3A_756 = vector.broadcast %add3A_755 : i32 to vector<16xi32>
      %add3A_757 = arith.addi %mul3A_754, %add3A_756 : vector<16xi32>
      %add3A_758 = arith.constant 0 : i32
      %add3A_759 = vector.broadcast %add3A_758 : i32 to vector<16xi32>
      %add3A_760 = arith.addi %broadcast_in_dim3A_3, %add3A_759 : vector<16xi32>
      %add3A_761 = arith.constant 1 : i32
      %add3A_762 = vector.broadcast %add3A_761 : i32 to vector<16xi32>
      %add3A_763 = arith.addi %add3A_757, %add3A_762 : vector<16xi32>
      %add3A_764 = arith.addi %add3A_760, %add3A_763 : vector<16xi32>
      %shift_left3A_765 = arith.constant 13 : i32
      %shift_left3A_766 = vector.broadcast %shift_left3A_765 : i32 to vector<16xi32>
      %shift_left3A_767 = arith.shli %add3A_763, %shift_left3A_766 : vector<16xi32>
      %shift_right_logical3A_768 = arith.constant 19 : i32
      %shift_right_logical3A_769 = vector.broadcast %shift_right_logical3A_768 : i32 to vector<16xi32>
      %shift_right_logical3A_770 = arith.shrui %add3A_763, %shift_right_logical3A_769 : vector<16xi32>
      %or3A_771 = arith.ori %shift_left3A_767, %shift_right_logical3A_770 : vector<16xi32>
      %xor3A_772 = arith.xori %or3A_771, %add3A_764 : vector<16xi32>
      %add3A_773 = arith.addi %add3A_764, %xor3A_772 : vector<16xi32>
      %shift_left3A_774 = arith.constant 15 : i32
      %shift_left3A_775 = vector.broadcast %shift_left3A_774 : i32 to vector<16xi32>
      %shift_left3A_776 = arith.shli %xor3A_772, %shift_left3A_775 : vector<16xi32>
      %shift_right_logical3A_777 = arith.constant 17 : i32
      %shift_right_logical3A_778 = vector.broadcast %shift_right_logical3A_777 : i32 to vector<16xi32>
      %shift_right_logical3A_779 = arith.shrui %xor3A_772, %shift_right_logical3A_778 : vector<16xi32>
      %or3A_780 = arith.ori %shift_left3A_776, %shift_right_logical3A_779 : vector<16xi32>
      %xor3A_781 = arith.xori %or3A_780, %add3A_773 : vector<16xi32>
      %add3A_782 = arith.addi %add3A_773, %xor3A_781 : vector<16xi32>
      %shift_left3A_783 = arith.constant 26 : i32
      %shift_left3A_784 = vector.broadcast %shift_left3A_783 : i32 to vector<16xi32>
      %shift_left3A_785 = arith.shli %xor3A_781, %shift_left3A_784 : vector<16xi32>
      %shift_right_logical3A_786 = arith.constant 6 : i32
      %shift_right_logical3A_787 = vector.broadcast %shift_right_logical3A_786 : i32 to vector<16xi32>
      %shift_right_logical3A_788 = arith.shrui %xor3A_781, %shift_right_logical3A_787 : vector<16xi32>
      %or3A_789 = arith.ori %shift_left3A_785, %shift_right_logical3A_788 : vector<16xi32>
      %xor3A_790 = arith.xori %or3A_789, %add3A_782 : vector<16xi32>
      %add3A_791 = arith.addi %add3A_782, %xor3A_790 : vector<16xi32>
      %shift_left3A_792 = arith.constant 6 : i32
      %shift_left3A_793 = vector.broadcast %shift_left3A_792 : i32 to vector<16xi32>
      %shift_left3A_794 = arith.shli %xor3A_790, %shift_left3A_793 : vector<16xi32>
      %shift_right_logical3A_795 = arith.constant 26 : i32
      %shift_right_logical3A_796 = vector.broadcast %shift_right_logical3A_795 : i32 to vector<16xi32>
      %shift_right_logical3A_797 = arith.shrui %xor3A_790, %shift_right_logical3A_796 : vector<16xi32>
      %or3A_798 = arith.ori %shift_left3A_794, %shift_right_logical3A_797 : vector<16xi32>
      %xor3A_799 = arith.xori %or3A_798, %add3A_791 : vector<16xi32>
      %add3A_800 = arith.constant 1 : i32
      %add3A_801 = vector.broadcast %add3A_800 : i32 to vector<16xi32>
      %add3A_802 = arith.addi %add3A_791, %add3A_801 : vector<16xi32>
      %add3A_803 = arith.constant 466688987 : i32
      %add3A_804 = vector.broadcast %add3A_803 : i32 to vector<16xi32>
      %add3A_805 = arith.addi %xor3A_799, %add3A_804 : vector<16xi32>
      %add3A_806 = arith.constant 1 : i32
      %add3A_807 = vector.broadcast %add3A_806 : i32 to vector<16xi32>
      %add3A_808 = arith.addi %add3A_805, %add3A_807 : vector<16xi32>
      %add3A_809 = arith.addi %add3A_802, %add3A_808 : vector<16xi32>
      %shift_left3A_810 = arith.constant 17 : i32
      %shift_left3A_811 = vector.broadcast %shift_left3A_810 : i32 to vector<16xi32>
      %shift_left3A_812 = arith.shli %add3A_808, %shift_left3A_811 : vector<16xi32>
      %shift_right_logical3A_813 = arith.constant 15 : i32
      %shift_right_logical3A_814 = vector.broadcast %shift_right_logical3A_813 : i32 to vector<16xi32>
      %shift_right_logical3A_815 = arith.shrui %add3A_808, %shift_right_logical3A_814 : vector<16xi32>
      %or3A_816 = arith.ori %shift_left3A_812, %shift_right_logical3A_815 : vector<16xi32>
      %xor3A_817 = arith.xori %or3A_816, %add3A_809 : vector<16xi32>
      %add3A_818 = arith.addi %add3A_809, %xor3A_817 : vector<16xi32>
      %shift_left3A_819 = arith.constant 29 : i32
      %shift_left3A_820 = vector.broadcast %shift_left3A_819 : i32 to vector<16xi32>
      %shift_left3A_821 = arith.shli %xor3A_817, %shift_left3A_820 : vector<16xi32>
      %shift_right_logical3A_822 = arith.constant 3 : i32
      %shift_right_logical3A_823 = vector.broadcast %shift_right_logical3A_822 : i32 to vector<16xi32>
      %shift_right_logical3A_824 = arith.shrui %xor3A_817, %shift_right_logical3A_823 : vector<16xi32>
      %or3A_825 = arith.ori %shift_left3A_821, %shift_right_logical3A_824 : vector<16xi32>
      %xor3A_826 = arith.xori %or3A_825, %add3A_818 : vector<16xi32>
      %add3A_827 = arith.addi %add3A_818, %xor3A_826 : vector<16xi32>
      %shift_left3A_828 = arith.constant 16 : i32
      %shift_left3A_829 = vector.broadcast %shift_left3A_828 : i32 to vector<16xi32>
      %shift_left3A_830 = arith.shli %xor3A_826, %shift_left3A_829 : vector<16xi32>
      %shift_right_logical3A_831 = arith.constant 16 : i32
      %shift_right_logical3A_832 = vector.broadcast %shift_right_logical3A_831 : i32 to vector<16xi32>
      %shift_right_logical3A_833 = arith.shrui %xor3A_826, %shift_right_logical3A_832 : vector<16xi32>
      %or3A_834 = arith.ori %shift_left3A_830, %shift_right_logical3A_833 : vector<16xi32>
      %xor3A_835 = arith.xori %or3A_834, %add3A_827 : vector<16xi32>
      %add3A_836 = arith.addi %add3A_827, %xor3A_835 : vector<16xi32>
      %shift_left3A_837 = arith.constant 24 : i32
      %shift_left3A_838 = vector.broadcast %shift_left3A_837 : i32 to vector<16xi32>
      %shift_left3A_839 = arith.shli %xor3A_835, %shift_left3A_838 : vector<16xi32>
      %shift_right_logical3A_840 = arith.constant 8 : i32
      %shift_right_logical3A_841 = vector.broadcast %shift_right_logical3A_840 : i32 to vector<16xi32>
      %shift_right_logical3A_842 = arith.shrui %xor3A_835, %shift_right_logical3A_841 : vector<16xi32>
      %or3A_843 = arith.ori %shift_left3A_839, %shift_right_logical3A_842 : vector<16xi32>
      %xor3A_844 = arith.xori %or3A_843, %add3A_836 : vector<16xi32>
      %add3A_845 = arith.constant 466688987 : i32
      %add3A_846 = vector.broadcast %add3A_845 : i32 to vector<16xi32>
      %add3A_847 = arith.addi %add3A_836, %add3A_846 : vector<16xi32>
      %add3A_848 = arith.constant 0 : i32
      %add3A_849 = vector.broadcast %add3A_848 : i32 to vector<16xi32>
      %add3A_850 = arith.addi %xor3A_844, %add3A_849 : vector<16xi32>
      %add3A_851 = arith.constant 2 : i32
      %add3A_852 = vector.broadcast %add3A_851 : i32 to vector<16xi32>
      %add3A_853 = arith.addi %add3A_850, %add3A_852 : vector<16xi32>
      %add3A_854 = arith.addi %add3A_847, %add3A_853 : vector<16xi32>
      %shift_left3A_855 = arith.constant 13 : i32
      %shift_left3A_856 = vector.broadcast %shift_left3A_855 : i32 to vector<16xi32>
      %shift_left3A_857 = arith.shli %add3A_853, %shift_left3A_856 : vector<16xi32>
      %shift_right_logical3A_858 = arith.constant 19 : i32
      %shift_right_logical3A_859 = vector.broadcast %shift_right_logical3A_858 : i32 to vector<16xi32>
      %shift_right_logical3A_860 = arith.shrui %add3A_853, %shift_right_logical3A_859 : vector<16xi32>
      %or3A_861 = arith.ori %shift_left3A_857, %shift_right_logical3A_860 : vector<16xi32>
      %xor3A_862 = arith.xori %or3A_861, %add3A_854 : vector<16xi32>
      %add3A_863 = arith.addi %add3A_854, %xor3A_862 : vector<16xi32>
      %shift_left3A_864 = arith.constant 15 : i32
      %shift_left3A_865 = vector.broadcast %shift_left3A_864 : i32 to vector<16xi32>
      %shift_left3A_866 = arith.shli %xor3A_862, %shift_left3A_865 : vector<16xi32>
      %shift_right_logical3A_867 = arith.constant 17 : i32
      %shift_right_logical3A_868 = vector.broadcast %shift_right_logical3A_867 : i32 to vector<16xi32>
      %shift_right_logical3A_869 = arith.shrui %xor3A_862, %shift_right_logical3A_868 : vector<16xi32>
      %or3A_870 = arith.ori %shift_left3A_866, %shift_right_logical3A_869 : vector<16xi32>
      %xor3A_871 = arith.xori %or3A_870, %add3A_863 : vector<16xi32>
      %add3A_872 = arith.addi %add3A_863, %xor3A_871 : vector<16xi32>
      %shift_left3A_873 = arith.constant 26 : i32
      %shift_left3A_874 = vector.broadcast %shift_left3A_873 : i32 to vector<16xi32>
      %shift_left3A_875 = arith.shli %xor3A_871, %shift_left3A_874 : vector<16xi32>
      %shift_right_logical3A_876 = arith.constant 6 : i32
      %shift_right_logical3A_877 = vector.broadcast %shift_right_logical3A_876 : i32 to vector<16xi32>
      %shift_right_logical3A_878 = arith.shrui %xor3A_871, %shift_right_logical3A_877 : vector<16xi32>
      %or3A_879 = arith.ori %shift_left3A_875, %shift_right_logical3A_878 : vector<16xi32>
      %xor3A_880 = arith.xori %or3A_879, %add3A_872 : vector<16xi32>
      %add3A_881 = arith.addi %add3A_872, %xor3A_880 : vector<16xi32>
      %shift_left3A_882 = arith.constant 6 : i32
      %shift_left3A_883 = vector.broadcast %shift_left3A_882 : i32 to vector<16xi32>
      %shift_left3A_884 = arith.shli %xor3A_880, %shift_left3A_883 : vector<16xi32>
      %shift_right_logical3A_885 = arith.constant 26 : i32
      %shift_right_logical3A_886 = vector.broadcast %shift_right_logical3A_885 : i32 to vector<16xi32>
      %shift_right_logical3A_887 = arith.shrui %xor3A_880, %shift_right_logical3A_886 : vector<16xi32>
      %or3A_888 = arith.ori %shift_left3A_884, %shift_right_logical3A_887 : vector<16xi32>
      %xor3A_889 = arith.xori %or3A_888, %add3A_881 : vector<16xi32>
      %add3A_890 = arith.constant 0 : i32
      %add3A_891 = vector.broadcast %add3A_890 : i32 to vector<16xi32>
      %add3A_892 = arith.addi %add3A_881, %add3A_891 : vector<16xi32>
      %add3A_893 = arith.constant 1 : i32
      %add3A_894 = vector.broadcast %add3A_893 : i32 to vector<16xi32>
      %add3A_895 = arith.addi %xor3A_889, %add3A_894 : vector<16xi32>
      %add3A_896 = arith.constant 3 : i32
      %add3A_897 = vector.broadcast %add3A_896 : i32 to vector<16xi32>
      %add3A_898 = arith.addi %add3A_895, %add3A_897 : vector<16xi32>
      %add3A_899 = arith.addi %add3A_892, %add3A_898 : vector<16xi32>
      %shift_left3A_900 = arith.constant 17 : i32
      %shift_left3A_901 = vector.broadcast %shift_left3A_900 : i32 to vector<16xi32>
      %shift_left3A_902 = arith.shli %add3A_898, %shift_left3A_901 : vector<16xi32>
      %shift_right_logical3A_903 = arith.constant 15 : i32
      %shift_right_logical3A_904 = vector.broadcast %shift_right_logical3A_903 : i32 to vector<16xi32>
      %shift_right_logical3A_905 = arith.shrui %add3A_898, %shift_right_logical3A_904 : vector<16xi32>
      %or3A_906 = arith.ori %shift_left3A_902, %shift_right_logical3A_905 : vector<16xi32>
      %xor3A_907 = arith.xori %or3A_906, %add3A_899 : vector<16xi32>
      %add3A_908 = arith.addi %add3A_899, %xor3A_907 : vector<16xi32>
      %shift_left3A_909 = arith.constant 29 : i32
      %shift_left3A_910 = vector.broadcast %shift_left3A_909 : i32 to vector<16xi32>
      %shift_left3A_911 = arith.shli %xor3A_907, %shift_left3A_910 : vector<16xi32>
      %shift_right_logical3A_912 = arith.constant 3 : i32
      %shift_right_logical3A_913 = vector.broadcast %shift_right_logical3A_912 : i32 to vector<16xi32>
      %shift_right_logical3A_914 = arith.shrui %xor3A_907, %shift_right_logical3A_913 : vector<16xi32>
      %or3A_915 = arith.ori %shift_left3A_911, %shift_right_logical3A_914 : vector<16xi32>
      %xor3A_916 = arith.xori %or3A_915, %add3A_908 : vector<16xi32>
      %add3A_917 = arith.addi %add3A_908, %xor3A_916 : vector<16xi32>
      %shift_left3A_918 = arith.constant 16 : i32
      %shift_left3A_919 = vector.broadcast %shift_left3A_918 : i32 to vector<16xi32>
      %shift_left3A_920 = arith.shli %xor3A_916, %shift_left3A_919 : vector<16xi32>
      %shift_right_logical3A_921 = arith.constant 16 : i32
      %shift_right_logical3A_922 = vector.broadcast %shift_right_logical3A_921 : i32 to vector<16xi32>
      %shift_right_logical3A_923 = arith.shrui %xor3A_916, %shift_right_logical3A_922 : vector<16xi32>
      %or3A_924 = arith.ori %shift_left3A_920, %shift_right_logical3A_923 : vector<16xi32>
      %xor3A_925 = arith.xori %or3A_924, %add3A_917 : vector<16xi32>
      %add3A_926 = arith.addi %add3A_917, %xor3A_925 : vector<16xi32>
      %shift_left3A_927 = arith.constant 24 : i32
      %shift_left3A_928 = vector.broadcast %shift_left3A_927 : i32 to vector<16xi32>
      %shift_left3A_929 = arith.shli %xor3A_925, %shift_left3A_928 : vector<16xi32>
      %shift_right_logical3A_930 = arith.constant 8 : i32
      %shift_right_logical3A_931 = vector.broadcast %shift_right_logical3A_930 : i32 to vector<16xi32>
      %shift_right_logical3A_932 = arith.shrui %xor3A_925, %shift_right_logical3A_931 : vector<16xi32>
      %or3A_933 = arith.ori %shift_left3A_929, %shift_right_logical3A_932 : vector<16xi32>
      %xor3A_934 = arith.xori %or3A_933, %add3A_926 : vector<16xi32>
      %add3A_935 = arith.constant 1 : i32
      %add3A_936 = vector.broadcast %add3A_935 : i32 to vector<16xi32>
      %add3A_937 = arith.addi %add3A_926, %add3A_936 : vector<16xi32>
      %add3A_938 = arith.constant 466688987 : i32
      %add3A_939 = vector.broadcast %add3A_938 : i32 to vector<16xi32>
      %add3A_940 = arith.addi %xor3A_934, %add3A_939 : vector<16xi32>
      %add3A_941 = arith.constant 4 : i32
      %add3A_942 = vector.broadcast %add3A_941 : i32 to vector<16xi32>
      %add3A_943 = arith.addi %add3A_940, %add3A_942 : vector<16xi32>
      %add3A_944 = arith.addi %add3A_937, %add3A_943 : vector<16xi32>
      %shift_left3A_945 = arith.constant 13 : i32
      %shift_left3A_946 = vector.broadcast %shift_left3A_945 : i32 to vector<16xi32>
      %shift_left3A_947 = arith.shli %add3A_943, %shift_left3A_946 : vector<16xi32>
      %shift_right_logical3A_948 = arith.constant 19 : i32
      %shift_right_logical3A_949 = vector.broadcast %shift_right_logical3A_948 : i32 to vector<16xi32>
      %shift_right_logical3A_950 = arith.shrui %add3A_943, %shift_right_logical3A_949 : vector<16xi32>
      %or3A_951 = arith.ori %shift_left3A_947, %shift_right_logical3A_950 : vector<16xi32>
      %xor3A_952 = arith.xori %or3A_951, %add3A_944 : vector<16xi32>
      %add3A_953 = arith.addi %add3A_944, %xor3A_952 : vector<16xi32>
      %shift_left3A_954 = arith.constant 15 : i32
      %shift_left3A_955 = vector.broadcast %shift_left3A_954 : i32 to vector<16xi32>
      %shift_left3A_956 = arith.shli %xor3A_952, %shift_left3A_955 : vector<16xi32>
      %shift_right_logical3A_957 = arith.constant 17 : i32
      %shift_right_logical3A_958 = vector.broadcast %shift_right_logical3A_957 : i32 to vector<16xi32>
      %shift_right_logical3A_959 = arith.shrui %xor3A_952, %shift_right_logical3A_958 : vector<16xi32>
      %or3A_960 = arith.ori %shift_left3A_956, %shift_right_logical3A_959 : vector<16xi32>
      %xor3A_961 = arith.xori %or3A_960, %add3A_953 : vector<16xi32>
      %add3A_962 = arith.addi %add3A_953, %xor3A_961 : vector<16xi32>
      %shift_left3A_963 = arith.constant 26 : i32
      %shift_left3A_964 = vector.broadcast %shift_left3A_963 : i32 to vector<16xi32>
      %shift_left3A_965 = arith.shli %xor3A_961, %shift_left3A_964 : vector<16xi32>
      %shift_right_logical3A_966 = arith.constant 6 : i32
      %shift_right_logical3A_967 = vector.broadcast %shift_right_logical3A_966 : i32 to vector<16xi32>
      %shift_right_logical3A_968 = arith.shrui %xor3A_961, %shift_right_logical3A_967 : vector<16xi32>
      %or3A_969 = arith.ori %shift_left3A_965, %shift_right_logical3A_968 : vector<16xi32>
      %xor3A_970 = arith.xori %or3A_969, %add3A_962 : vector<16xi32>
      %add3A_971 = arith.addi %add3A_962, %xor3A_970 : vector<16xi32>
      %shift_left3A_972 = arith.constant 6 : i32
      %shift_left3A_973 = vector.broadcast %shift_left3A_972 : i32 to vector<16xi32>
      %shift_left3A_974 = arith.shli %xor3A_970, %shift_left3A_973 : vector<16xi32>
      %shift_right_logical3A_975 = arith.constant 26 : i32
      %shift_right_logical3A_976 = vector.broadcast %shift_right_logical3A_975 : i32 to vector<16xi32>
      %shift_right_logical3A_977 = arith.shrui %xor3A_970, %shift_right_logical3A_976 : vector<16xi32>
      %or3A_978 = arith.ori %shift_left3A_974, %shift_right_logical3A_977 : vector<16xi32>
      %xor3A_979 = arith.xori %or3A_978, %add3A_971 : vector<16xi32>
      %add3A_980 = arith.constant 466688987 : i32
      %add3A_981 = vector.broadcast %add3A_980 : i32 to vector<16xi32>
      %add3A_982 = arith.addi %add3A_971, %add3A_981 : vector<16xi32>
      %add3A_983 = arith.constant 0 : i32
      %add3A_984 = vector.broadcast %add3A_983 : i32 to vector<16xi32>
      %add3A_985 = arith.addi %xor3A_979, %add3A_984 : vector<16xi32>
      %add3A_986 = arith.constant 5 : i32
      %add3A_987 = vector.broadcast %add3A_986 : i32 to vector<16xi32>
      %add3A_988 = arith.addi %add3A_985, %add3A_987 : vector<16xi32>
      %xor3A_989 = arith.xori %add3A_982, %add3A_988 : vector<16xi32>
      %mul3A_990 = arith.constant 16 : i32
      %mul3A_991 = arith.muli %scan3A_12, %mul3A_990 : i32
      %swap3A_992 = arith.constant 3 : i32
      %swap3A_993 = arith.index_cast %swap3A_992 : i32 to index
      %swap3A_994 = arith.index_cast %mul3A_991 : i32 to index
      %swap3A_995 = tpu.vector_load %arg3[%swap3A_993, %swap3A_994] {strides = array<i32>} : memref<8x1024xi32, #tpu.memory_space<vmem>>, vector<1x16xi32>,
      %swap3A_996 = vector.shape_cast %swap3A_995 : vector<1x16xi32> to vector<16xi32>
      %swap3A_997 = vector.shape_cast %xor3A_989 : vector<16xi32> to vector<1x16xi32>
      tpu.vector_store %arg3[%swap3A_993, %swap3A_994], %swap3A_997 {strides = array<i32>} : memref<8x1024xi32, #tpu.memory_space<vmem>>, vector<1x16xi32>,
      %mul3A_998 = arith.constant 8 : i32
      %mul3A_999 = vector.broadcast %mul3A_998 : i32 to vector<16xi32>
      %mul3A_1000 = arith.muli %add3A_18, %mul3A_999 : vector<16xi32>
      %add3A_1001 = arith.constant 4 : i32
      %add3A_1002 = vector.broadcast %add3A_1001 : i32 to vector<16xi32>
      %add3A_1003 = arith.addi %mul3A_1000, %add3A_1002 : vector<16xi32>
      %add3A_1004 = arith.constant 0 : i32
      %add3A_1005 = vector.broadcast %add3A_1004 : i32 to vector<16xi32>
      %add3A_1006 = arith.addi %broadcast_in_dim3A_3, %add3A_1005 : vector<16xi32>
      %add3A_1007 = arith.constant 1 : i32
      %add3A_1008 = vector.broadcast %add3A_1007 : i32 to vector<16xi32>
      %add3A_1009 = arith.addi %add3A_1003, %add3A_1008 : vector<16xi32>
      %add3A_1010 = arith.addi %add3A_1006, %add3A_1009 : vector<16xi32>
      %shift_left3A_1011 = arith.constant 13 : i32
      %shift_left3A_1012 = vector.broadcast %shift_left3A_1011 : i32 to vector<16xi32>
      %shift_left3A_1013 = arith.shli %add3A_1009, %shift_left3A_1012 : vector<16xi32>
      %shift_right_logical3A_1014 = arith.constant 19 : i32
      %shift_right_logical3A_1015 = vector.broadcast %shift_right_logical3A_1014 : i32 to vector<16xi32>
      %shift_right_logical3A_1016 = arith.shrui %add3A_1009, %shift_right_logical3A_1015 : vector<16xi32>
      %or3A_1017 = arith.ori %shift_left3A_1013, %shift_right_logical3A_1016 : vector<16xi32>
      %xor3A_1018 = arith.xori %or3A_1017, %add3A_1010 : vector<16xi32>
      %add3A_1019 = arith.addi %add3A_1010, %xor3A_1018 : vector<16xi32>
      %shift_left3A_1020 = arith.constant 15 : i32
      %shift_left3A_1021 = vector.broadcast %shift_left3A_1020 : i32 to vector<16xi32>
      %shift_left3A_1022 = arith.shli %xor3A_1018, %shift_left3A_1021 : vector<16xi32>
      %shift_right_logical3A_1023 = arith.constant 17 : i32
      %shift_right_logical3A_1024 = vector.broadcast %shift_right_logical3A_1023 : i32 to vector<16xi32>
      %shift_right_logical3A_1025 = arith.shrui %xor3A_1018, %shift_right_logical3A_1024 : vector<16xi32>
      %or3A_1026 = arith.ori %shift_left3A_1022, %shift_right_logical3A_1025 : vector<16xi32>
      %xor3A_1027 = arith.xori %or3A_1026, %add3A_1019 : vector<16xi32>
      %add3A_1028 = arith.addi %add3A_1019, %xor3A_1027 : vector<16xi32>
      %shift_left3A_1029 = arith.constant 26 : i32
      %shift_left3A_1030 = vector.broadcast %shift_left3A_1029 : i32 to vector<16xi32>
      %shift_left3A_1031 = arith.shli %xor3A_1027, %shift_left3A_1030 : vector<16xi32>
      %shift_right_logical3A_1032 = arith.constant 6 : i32
      %shift_right_logical3A_1033 = vector.broadcast %shift_right_logical3A_1032 : i32 to vector<16xi32>
      %shift_right_logical3A_1034 = arith.shrui %xor3A_1027, %shift_right_logical3A_1033 : vector<16xi32>
      %or3A_1035 = arith.ori %shift_left3A_1031, %shift_right_logical3A_1034 : vector<16xi32>
      %xor3A_1036 = arith.xori %or3A_1035, %add3A_1028 : vector<16xi32>
      %add3A_1037 = arith.addi %add3A_1028, %xor3A_1036 : vector<16xi32>
      %shift_left3A_1038 = arith.constant 6 : i32
      %shift_left3A_1039 = vector.broadcast %shift_left3A_1038 : i32 to vector<16xi32>
      %shift_left3A_1040 = arith.shli %xor3A_1036, %shift_left3A_1039 : vector<16xi32>
      %shift_right_logical3A_1041 = arith.constant 26 : i32
      %shift_right_logical3A_1042 = vector.broadcast %shift_right_logical3A_1041 : i32 to vector<16xi32>
      %shift_right_logical3A_1043 = arith.shrui %xor3A_1036, %shift_right_logical3A_1042 : vector<16xi32>
      %or3A_1044 = arith.ori %shift_left3A_1040, %shift_right_logical3A_1043 : vector<16xi32>
      %xor3A_1045 = arith.xori %or3A_1044, %add3A_1037 : vector<16xi32>
      %add3A_1046 = arith.constant 1 : i32
      %add3A_1047 = vector.broadcast %add3A_1046 : i32 to vector<16xi32>
      %add3A_1048 = arith.addi %add3A_1037, %add3A_1047 : vector<16xi32>
      %add3A_1049 = arith.constant 466688987 : i32
      %add3A_1050 = vector.broadcast %add3A_1049 : i32 to vector<16xi32>
      %add3A_1051 = arith.addi %xor3A_1045, %add3A_1050 : vector<16xi32>
      %add3A_1052 = arith.constant 1 : i32
      %add3A_1053 = vector.broadcast %add3A_1052 : i32 to vector<16xi32>
      %add3A_1054 = arith.addi %add3A_1051, %add3A_1053 : vector<16xi32>
      %add3A_1055 = arith.addi %add3A_1048, %add3A_1054 : vector<16xi32>
      %shift_left3A_1056 = arith.constant 17 : i32
      %shift_left3A_1057 = vector.broadcast %shift_left3A_1056 : i32 to vector<16xi32>
      %shift_left3A_1058 = arith.shli %add3A_1054, %shift_left3A_1057 : vector<16xi32>
      %shift_right_logical3A_1059 = arith.constant 15 : i32
      %shift_right_logical3A_1060 = vector.broadcast %shift_right_logical3A_1059 : i32 to vector<16xi32>
      %shift_right_logical3A_1061 = arith.shrui %add3A_1054, %shift_right_logical3A_1060 : vector<16xi32>
      %or3A_1062 = arith.ori %shift_left3A_1058, %shift_right_logical3A_1061 : vector<16xi32>
      %xor3A_1063 = arith.xori %or3A_1062, %add3A_1055 : vector<16xi32>
      %add3A_1064 = arith.addi %add3A_1055, %xor3A_1063 : vector<16xi32>
      %shift_left3A_1065 = arith.constant 29 : i32
      %shift_left3A_1066 = vector.broadcast %shift_left3A_1065 : i32 to vector<16xi32>
      %shift_left3A_1067 = arith.shli %xor3A_1063, %shift_left3A_1066 : vector<16xi32>
      %shift_right_logical3A_1068 = arith.constant 3 : i32
      %shift_right_logical3A_1069 = vector.broadcast %shift_right_logical3A_1068 : i32 to vector<16xi32>
      %shift_right_logical3A_1070 = arith.shrui %xor3A_1063, %shift_right_logical3A_1069 : vector<16xi32>
      %or3A_1071 = arith.ori %shift_left3A_1067, %shift_right_logical3A_1070 : vector<16xi32>
      %xor3A_1072 = arith.xori %or3A_1071, %add3A_1064 : vector<16xi32>
      %add3A_1073 = arith.addi %add3A_1064, %xor3A_1072 : vector<16xi32>
      %shift_left3A_1074 = arith.constant 16 : i32
      %shift_left3A_1075 = vector.broadcast %shift_left3A_1074 : i32 to vector<16xi32>
      %shift_left3A_1076 = arith.shli %xor3A_1072, %shift_left3A_1075 : vector<16xi32>
      %shift_right_logical3A_1077 = arith.constant 16 : i32
      %shift_right_logical3A_1078 = vector.broadcast %shift_right_logical3A_1077 : i32 to vector<16xi32>
      %shift_right_logical3A_1079 = arith.shrui %xor3A_1072, %shift_right_logical3A_1078 : vector<16xi32>
      %or3A_1080 = arith.ori %shift_left3A_1076, %shift_right_logical3A_1079 : vector<16xi32>
      %xor3A_1081 = arith.xori %or3A_1080, %add3A_1073 : vector<16xi32>
      %add3A_1082 = arith.addi %add3A_1073, %xor3A_1081 : vector<16xi32>
      %shift_left3A_1083 = arith.constant 24 : i32
      %shift_left3A_1084 = vector.broadcast %shift_left3A_1083 : i32 to vector<16xi32>
      %shift_left3A_1085 = arith.shli %xor3A_1081, %shift_left3A_1084 : vector<16xi32>
      %shift_right_logical3A_1086 = arith.constant 8 : i32
      %shift_right_logical3A_1087 = vector.broadcast %shift_right_logical3A_1086 : i32 to vector<16xi32>
      %shift_right_logical3A_1088 = arith.shrui %xor3A_1081, %shift_right_logical3A_1087 : vector<16xi32>
      %or3A_1089 = arith.ori %shift_left3A_1085, %shift_right_logical3A_1088 : vector<16xi32>
      %xor3A_1090 = arith.xori %or3A_1089, %add3A_1082 : vector<16xi32>
      %add3A_1091 = arith.constant 466688987 : i32
      %add3A_1092 = vector.broadcast %add3A_1091 : i32 to vector<16xi32>
      %add3A_1093 = arith.addi %add3A_1082, %add3A_1092 : vector<16xi32>
      %add3A_1094 = arith.constant 0 : i32
      %add3A_1095 = vector.broadcast %add3A_1094 : i32 to vector<16xi32>
      %add3A_1096 = arith.addi %xor3A_1090, %add3A_1095 : vector<16xi32>
      %add3A_1097 = arith.constant 2 : i32
      %add3A_1098 = vector.broadcast %add3A_1097 : i32 to vector<16xi32>
      %add3A_1099 = arith.addi %add3A_1096, %add3A_1098 : vector<16xi32>
      %add3A_1100 = arith.addi %add3A_1093, %add3A_1099 : vector<16xi32>
      %shift_left3A_1101 = arith.constant 13 : i32
      %shift_left3A_1102 = vector.broadcast %shift_left3A_1101 : i32 to vector<16xi32>
      %shift_left3A_1103 = arith.shli %add3A_1099, %shift_left3A_1102 : vector<16xi32>
      %shift_right_logical3A_1104 = arith.constant 19 : i32
      %shift_right_logical3A_1105 = vector.broadcast %shift_right_logical3A_1104 : i32 to vector<16xi32>
      %shift_right_logical3A_1106 = arith.shrui %add3A_1099, %shift_right_logical3A_1105 : vector<16xi32>
      %or3A_1107 = arith.ori %shift_left3A_1103, %shift_right_logical3A_1106 : vector<16xi32>
      %xor3A_1108 = arith.xori %or3A_1107, %add3A_1100 : vector<16xi32>
      %add3A_1109 = arith.addi %add3A_1100, %xor3A_1108 : vector<16xi32>
      %shift_left3A_1110 = arith.constant 15 : i32
      %shift_left3A_1111 = vector.broadcast %shift_left3A_1110 : i32 to vector<16xi32>
      %shift_left3A_1112 = arith.shli %xor3A_1108, %shift_left3A_1111 : vector<16xi32>
      %shift_right_logical3A_1113 = arith.constant 17 : i32
      %shift_right_logical3A_1114 = vector.broadcast %shift_right_logical3A_1113 : i32 to vector<16xi32>
      %shift_right_logical3A_1115 = arith.shrui %xor3A_1108, %shift_right_logical3A_1114 : vector<16xi32>
      %or3A_1116 = arith.ori %shift_left3A_1112, %shift_right_logical3A_1115 : vector<16xi32>
      %xor3A_1117 = arith.xori %or3A_1116, %add3A_1109 : vector<16xi32>
      %add3A_1118 = arith.addi %add3A_1109, %xor3A_1117 : vector<16xi32>
      %shift_left3A_1119 = arith.constant 26 : i32
      %shift_left3A_1120 = vector.broadcast %shift_left3A_1119 : i32 to vector<16xi32>
      %shift_left3A_1121 = arith.shli %xor3A_1117, %shift_left3A_1120 : vector<16xi32>
      %shift_right_logical3A_1122 = arith.constant 6 : i32
      %shift_right_logical3A_1123 = vector.broadcast %shift_right_logical3A_1122 : i32 to vector<16xi32>
      %shift_right_logical3A_1124 = arith.shrui %xor3A_1117, %shift_right_logical3A_1123 : vector<16xi32>
      %or3A_1125 = arith.ori %shift_left3A_1121, %shift_right_logical3A_1124 : vector<16xi32>
      %xor3A_1126 = arith.xori %or3A_1125, %add3A_1118 : vector<16xi32>
      %add3A_1127 = arith.addi %add3A_1118, %xor3A_1126 : vector<16xi32>
      %shift_left3A_1128 = arith.constant 6 : i32
      %shift_left3A_1129 = vector.broadcast %shift_left3A_1128 : i32 to vector<16xi32>
      %shift_left3A_1130 = arith.shli %xor3A_1126, %shift_left3A_1129 : vector<16xi32>
      %shift_right_logical3A_1131 = arith.constant 26 : i32
      %shift_right_logical3A_1132 = vector.broadcast %shift_right_logical3A_1131 : i32 to vector<16xi32>
      %shift_right_logical3A_1133 = arith.shrui %xor3A_1126, %shift_right_logical3A_1132 : vector<16xi32>
      %or3A_1134 = arith.ori %shift_left3A_1130, %shift_right_logical3A_1133 : vector<16xi32>
      %xor3A_1135 = arith.xori %or3A_1134, %add3A_1127 : vector<16xi32>
      %add3A_1136 = arith.constant 0 : i32
      %add3A_1137 = vector.broadcast %add3A_1136 : i32 to vector<16xi32>
      %add3A_1138 = arith.addi %add3A_1127, %add3A_1137 : vector<16xi32>
      %add3A_1139 = arith.constant 1 : i32
      %add3A_1140 = vector.broadcast %add3A_1139 : i32 to vector<16xi32>
      %add3A_1141 = arith.addi %xor3A_1135, %add3A_1140 : vector<16xi32>
      %add3A_1142 = arith.constant 3 : i32
      %add3A_1143 = vector.broadcast %add3A_1142 : i32 to vector<16xi32>
      %add3A_1144 = arith.addi %add3A_1141, %add3A_1143 : vector<16xi32>
      %add3A_1145 = arith.addi %add3A_1138, %add3A_1144 : vector<16xi32>
      %shift_left3A_1146 = arith.constant 17 : i32
      %shift_left3A_1147 = vector.broadcast %shift_left3A_1146 : i32 to vector<16xi32>
      %shift_left3A_1148 = arith.shli %add3A_1144, %shift_left3A_1147 : vector<16xi32>
      %shift_right_logical3A_1149 = arith.constant 15 : i32
      %shift_right_logical3A_1150 = vector.broadcast %shift_right_logical3A_1149 : i32 to vector<16xi32>
      %shift_right_logical3A_1151 = arith.shrui %add3A_1144, %shift_right_logical3A_1150 : vector<16xi32>
      %or3A_1152 = arith.ori %shift_left3A_1148, %shift_right_logical3A_1151 : vector<16xi32>
      %xor3A_1153 = arith.xori %or3A_1152, %add3A_1145 : vector<16xi32>
      %add3A_1154 = arith.addi %add3A_1145, %xor3A_1153 : vector<16xi32>
      %shift_left3A_1155 = arith.constant 29 : i32
      %shift_left3A_1156 = vector.broadcast %shift_left3A_1155 : i32 to vector<16xi32>
      %shift_left3A_1157 = arith.shli %xor3A_1153, %shift_left3A_1156 : vector<16xi32>
      %shift_right_logical3A_1158 = arith.constant 3 : i32
      %shift_right_logical3A_1159 = vector.broadcast %shift_right_logical3A_1158 : i32 to vector<16xi32>
      %shift_right_logical3A_1160 = arith.shrui %xor3A_1153, %shift_right_logical3A_1159 : vector<16xi32>
      %or3A_1161 = arith.ori %shift_left3A_1157, %shift_right_logical3A_1160 : vector<16xi32>
      %xor3A_1162 = arith.xori %or3A_1161, %add3A_1154 : vector<16xi32>
      %add3A_1163 = arith.addi %add3A_1154, %xor3A_1162 : vector<16xi32>
      %shift_left3A_1164 = arith.constant 16 : i32
      %shift_left3A_1165 = vector.broadcast %shift_left3A_1164 : i32 to vector<16xi32>
      %shift_left3A_1166 = arith.shli %xor3A_1162, %shift_left3A_1165 : vector<16xi32>
      %shift_right_logical3A_1167 = arith.constant 16 : i32
      %shift_right_logical3A_1168 = vector.broadcast %shift_right_logical3A_1167 : i32 to vector<16xi32>
      %shift_right_logical3A_1169 = arith.shrui %xor3A_1162, %shift_right_logical3A_1168 : vector<16xi32>
      %or3A_1170 = arith.ori %shift_left3A_1166, %shift_right_logical3A_1169 : vector<16xi32>
      %xor3A_1171 = arith.xori %or3A_1170, %add3A_1163 : vector<16xi32>
      %add3A_1172 = arith.addi %add3A_1163, %xor3A_1171 : vector<16xi32>
      %shift_left3A_1173 = arith.constant 24 : i32
      %shift_left3A_1174 = vector.broadcast %shift_left3A_1173 : i32 to vector<16xi32>
      %shift_left3A_1175 = arith.shli %xor3A_1171, %shift_left3A_1174 : vector<16xi32>
      %shift_right_logical3A_1176 = arith.constant 8 : i32
      %shift_right_logical3A_1177 = vector.broadcast %shift_right_logical3A_1176 : i32 to vector<16xi32>
      %shift_right_logical3A_1178 = arith.shrui %xor3A_1171, %shift_right_logical3A_1177 : vector<16xi32>
      %or3A_1179 = arith.ori %shift_left3A_1175, %shift_right_logical3A_1178 : vector<16xi32>
      %xor3A_1180 = arith.xori %or3A_1179, %add3A_1172 : vector<16xi32>
      %add3A_1181 = arith.constant 1 : i32
      %add3A_1182 = vector.broadcast %add3A_1181 : i32 to vector<16xi32>
      %add3A_1183 = arith.addi %add3A_1172, %add3A_1182 : vector<16xi32>
      %add3A_1184 = arith.constant 466688987 : i32
      %add3A_1185 = vector.broadcast %add3A_1184 : i32 to vector<16xi32>
      %add3A_1186 = arith.addi %xor3A_1180, %add3A_1185 : vector<16xi32>
      %add3A_1187 = arith.constant 4 : i32
      %add3A_1188 = vector.broadcast %add3A_1187 : i32 to vector<16xi32>
      %add3A_1189 = arith.addi %add3A_1186, %add3A_1188 : vector<16xi32>
      %add3A_1190 = arith.addi %add3A_1183, %add3A_1189 : vector<16xi32>
      %shift_left3A_1191 = arith.constant 13 : i32
      %shift_left3A_1192 = vector.broadcast %shift_left3A_1191 : i32 to vector<16xi32>
      %shift_left3A_1193 = arith.shli %add3A_1189, %shift_left3A_1192 : vector<16xi32>
      %shift_right_logical3A_1194 = arith.constant 19 : i32
      %shift_right_logical3A_1195 = vector.broadcast %shift_right_logical3A_1194 : i32 to vector<16xi32>
      %shift_right_logical3A_1196 = arith.shrui %add3A_1189, %shift_right_logical3A_1195 : vector<16xi32>
      %or3A_1197 = arith.ori %shift_left3A_1193, %shift_right_logical3A_1196 : vector<16xi32>
      %xor3A_1198 = arith.xori %or3A_1197, %add3A_1190 : vector<16xi32>
      %add3A_1199 = arith.addi %add3A_1190, %xor3A_1198 : vector<16xi32>
      %shift_left3A_1200 = arith.constant 15 : i32
      %shift_left3A_1201 = vector.broadcast %shift_left3A_1200 : i32 to vector<16xi32>
      %shift_left3A_1202 = arith.shli %xor3A_1198, %shift_left3A_1201 : vector<16xi32>
      %shift_right_logical3A_1203 = arith.constant 17 : i32
      %shift_right_logical3A_1204 = vector.broadcast %shift_right_logical3A_1203 : i32 to vector<16xi32>
      %shift_right_logical3A_1205 = arith.shrui %xor3A_1198, %shift_right_logical3A_1204 : vector<16xi32>
      %or3A_1206 = arith.ori %shift_left3A_1202, %shift_right_logical3A_1205 : vector<16xi32>
      %xor3A_1207 = arith.xori %or3A_1206, %add3A_1199 : vector<16xi32>
      %add3A_1208 = arith.addi %add3A_1199, %xor3A_1207 : vector<16xi32>
      %shift_left3A_1209 = arith.constant 26 : i32
      %shift_left3A_1210 = vector.broadcast %shift_left3A_1209 : i32 to vector<16xi32>
      %shift_left3A_1211 = arith.shli %xor3A_1207, %shift_left3A_1210 : vector<16xi32>
      %shift_right_logical3A_1212 = arith.constant 6 : i32
      %shift_right_logical3A_1213 = vector.broadcast %shift_right_logical3A_1212 : i32 to vector<16xi32>
      %shift_right_logical3A_1214 = arith.shrui %xor3A_1207, %shift_right_logical3A_1213 : vector<16xi32>
      %or3A_1215 = arith.ori %shift_left3A_1211, %shift_right_logical3A_1214 : vector<16xi32>
      %xor3A_1216 = arith.xori %or3A_1215, %add3A_1208 : vector<16xi32>
      %add3A_1217 = arith.addi %add3A_1208, %xor3A_1216 : vector<16xi32>
      %shift_left3A_1218 = arith.constant 6 : i32
      %shift_left3A_1219 = vector.broadcast %shift_left3A_1218 : i32 to vector<16xi32>
      %shift_left3A_1220 = arith.shli %xor3A_1216, %shift_left3A_1219 : vector<16xi32>
      %shift_right_logical3A_1221 = arith.constant 26 : i32
      %shift_right_logical3A_1222 = vector.broadcast %shift_right_logical3A_1221 : i32 to vector<16xi32>
      %shift_right_logical3A_1223 = arith.shrui %xor3A_1216, %shift_right_logical3A_1222 : vector<16xi32>
      %or3A_1224 = arith.ori %shift_left3A_1220, %shift_right_logical3A_1223 : vector<16xi32>
      %xor3A_1225 = arith.xori %or3A_1224, %add3A_1217 : vector<16xi32>
      %add3A_1226 = arith.constant 466688987 : i32
      %add3A_1227 = vector.broadcast %add3A_1226 : i32 to vector<16xi32>
      %add3A_1228 = arith.addi %add3A_1217, %add3A_1227 : vector<16xi32>
      %add3A_1229 = arith.constant 0 : i32
      %add3A_1230 = vector.broadcast %add3A_1229 : i32 to vector<16xi32>
      %add3A_1231 = arith.addi %xor3A_1225, %add3A_1230 : vector<16xi32>
      %add3A_1232 = arith.constant 5 : i32
      %add3A_1233 = vector.broadcast %add3A_1232 : i32 to vector<16xi32>
      %add3A_1234 = arith.addi %add3A_1231, %add3A_1233 : vector<16xi32>
      %xor3A_1235 = arith.xori %add3A_1228, %add3A_1234 : vector<16xi32>
      %mul3A_1236 = arith.constant 16 : i32
      %mul3A_1237 = arith.muli %scan3A_12, %mul3A_1236 : i32
      %swap3A_1238 = arith.constant 4 : i32
      %swap3A_1239 = arith.index_cast %swap3A_1238 : i32 to index
      %swap3A_1240 = arith.index_cast %mul3A_1237 : i32 to index
      %swap3A_1241 = tpu.vector_load %arg3[%swap3A_1239, %swap3A_1240] {strides = array<i32>} : memref<8x1024xi32, #tpu.memory_space<vmem>>, vector<1x16xi32>,
      %swap3A_1242 = vector.shape_cast %swap3A_1241 : vector<1x16xi32> to vector<16xi32>
      %swap3A_1243 = vector.shape_cast %xor3A_1235 : vector<16xi32> to vector<1x16xi32>
      tpu.vector_store %arg3[%swap3A_1239, %swap3A_1240], %swap3A_1243 {strides = array<i32>} : memref<8x1024xi32, #tpu.memory_space<vmem>>, vector<1x16xi32>,
      %mul3A_1244 = arith.constant 8 : i32
      %mul3A_1245 = vector.broadcast %mul3A_1244 : i32 to vector<16xi32>
      %mul3A_1246 = arith.muli %add3A_18, %mul3A_1245 : vector<16xi32>
      %add3A_1247 = arith.constant 5 : i32
      %add3A_1248 = vector.broadcast %add3A_1247 : i32 to vector<16xi32>
      %add3A_1249 = arith.addi %mul3A_1246, %add3A_1248 : vector<16xi32>
      %add3A_1250 = arith.constant 0 : i32
      %add3A_1251 = vector.broadcast %add3A_1250 : i32 to vector<16xi32>
      %add3A_1252 = arith.addi %broadcast_in_dim3A_3, %add3A_1251 : vector<16xi32>
      %add3A_1253 = arith.constant 1 : i32
      %add3A_1254 = vector.broadcast %add3A_1253 : i32 to vector<16xi32>
      %add3A_1255 = arith.addi %add3A_1249, %add3A_1254 : vector<16xi32>
      %add3A_1256 = arith.addi %add3A_1252, %add3A_1255 : vector<16xi32>
      %shift_left3A_1257 = arith.constant 13 : i32
      %shift_left3A_1258 = vector.broadcast %shift_left3A_1257 : i32 to vector<16xi32>
      %shift_left3A_1259 = arith.shli %add3A_1255, %shift_left3A_1258 : vector<16xi32>
      %shift_right_logical3A_1260 = arith.constant 19 : i32
      %shift_right_logical3A_1261 = vector.broadcast %shift_right_logical3A_1260 : i32 to vector<16xi32>
      %shift_right_logical3A_1262 = arith.shrui %add3A_1255, %shift_right_logical3A_1261 : vector<16xi32>
      %or3A_1263 = arith.ori %shift_left3A_1259, %shift_right_logical3A_1262 : vector<16xi32>
      %xor3A_1264 = arith.xori %or3A_1263, %add3A_1256 : vector<16xi32>
      %add3A_1265 = arith.addi %add3A_1256, %xor3A_1264 : vector<16xi32>
      %shift_left3A_1266 = arith.constant 15 : i32
      %shift_left3A_1267 = vector.broadcast %shift_left3A_1266 : i32 to vector<16xi32>
      %shift_left3A_1268 = arith.shli %xor3A_1264, %shift_left3A_1267 : vector<16xi32>
      %shift_right_logical3A_1269 = arith.constant 17 : i32
      %shift_right_logical3A_1270 = vector.broadcast %shift_right_logical3A_1269 : i32 to vector<16xi32>
      %shift_right_logical3A_1271 = arith.shrui %xor3A_1264, %shift_right_logical3A_1270 : vector<16xi32>
      %or3A_1272 = arith.ori %shift_left3A_1268, %shift_right_logical3A_1271 : vector<16xi32>
      %xor3A_1273 = arith.xori %or3A_1272, %add3A_1265 : vector<16xi32>
      %add3A_1274 = arith.addi %add3A_1265, %xor3A_1273 : vector<16xi32>
      %shift_left3A_1275 = arith.constant 26 : i32
      %shift_left3A_1276 = vector.broadcast %shift_left3A_1275 : i32 to vector<16xi32>
      %shift_left3A_1277 = arith.shli %xor3A_1273, %shift_left3A_1276 : vector<16xi32>
      %shift_right_logical3A_1278 = arith.constant 6 : i32
      %shift_right_logical3A_1279 = vector.broadcast %shift_right_logical3A_1278 : i32 to vector<16xi32>
      %shift_right_logical3A_1280 = arith.shrui %xor3A_1273, %shift_right_logical3A_1279 : vector<16xi32>
      %or3A_1281 = arith.ori %shift_left3A_1277, %shift_right_logical3A_1280 : vector<16xi32>
      %xor3A_1282 = arith.xori %or3A_1281, %add3A_1274 : vector<16xi32>
      %add3A_1283 = arith.addi %add3A_1274, %xor3A_1282 : vector<16xi32>
      %shift_left3A_1284 = arith.constant 6 : i32
      %shift_left3A_1285 = vector.broadcast %shift_left3A_1284 : i32 to vector<16xi32>
      %shift_left3A_1286 = arith.shli %xor3A_1282, %shift_left3A_1285 : vector<16xi32>
      %shift_right_logical3A_1287 = arith.constant 26 : i32
      %shift_right_logical3A_1288 = vector.broadcast %shift_right_logical3A_1287 : i32 to vector<16xi32>
      %shift_right_logical3A_1289 = arith.shrui %xor3A_1282, %shift_right_logical3A_1288 : vector<16xi32>
      %or3A_1290 = arith.ori %shift_left3A_1286, %shift_right_logical3A_1289 : vector<16xi32>
      %xor3A_1291 = arith.xori %or3A_1290, %add3A_1283 : vector<16xi32>
      %add3A_1292 = arith.constant 1 : i32
      %add3A_1293 = vector.broadcast %add3A_1292 : i32 to vector<16xi32>
      %add3A_1294 = arith.addi %add3A_1283, %add3A_1293 : vector<16xi32>
      %add3A_1295 = arith.constant 466688987 : i32
      %add3A_1296 = vector.broadcast %add3A_1295 : i32 to vector<16xi32>
      %add3A_1297 = arith.addi %xor3A_1291, %add3A_1296 : vector<16xi32>
      %add3A_1298 = arith.constant 1 : i32
      %add3A_1299 = vector.broadcast %add3A_1298 : i32 to vector<16xi32>
      %add3A_1300 = arith.addi %add3A_1297, %add3A_1299 : vector<16xi32>
      %add3A_1301 = arith.addi %add3A_1294, %add3A_1300 : vector<16xi32>
      %shift_left3A_1302 = arith.constant 17 : i32
      %shift_left3A_1303 = vector.broadcast %shift_left3A_1302 : i32 to vector<16xi32>
      %shift_left3A_1304 = arith.shli %add3A_1300, %shift_left3A_1303 : vector<16xi32>
      %shift_right_logical3A_1305 = arith.constant 15 : i32
      %shift_right_logical3A_1306 = vector.broadcast %shift_right_logical3A_1305 : i32 to vector<16xi32>
      %shift_right_logical3A_1307 = arith.shrui %add3A_1300, %shift_right_logical3A_1306 : vector<16xi32>
      %or3A_1308 = arith.ori %shift_left3A_1304, %shift_right_logical3A_1307 : vector<16xi32>
      %xor3A_1309 = arith.xori %or3A_1308, %add3A_1301 : vector<16xi32>
      %add3A_1310 = arith.addi %add3A_1301, %xor3A_1309 : vector<16xi32>
      %shift_left3A_1311 = arith.constant 29 : i32
      %shift_left3A_1312 = vector.broadcast %shift_left3A_1311 : i32 to vector<16xi32>
      %shift_left3A_1313 = arith.shli %xor3A_1309, %shift_left3A_1312 : vector<16xi32>
      %shift_right_logical3A_1314 = arith.constant 3 : i32
      %shift_right_logical3A_1315 = vector.broadcast %shift_right_logical3A_1314 : i32 to vector<16xi32>
      %shift_right_logical3A_1316 = arith.shrui %xor3A_1309, %shift_right_logical3A_1315 : vector<16xi32>
      %or3A_1317 = arith.ori %shift_left3A_1313, %shift_right_logical3A_1316 : vector<16xi32>
      %xor3A_1318 = arith.xori %or3A_1317, %add3A_1310 : vector<16xi32>
      %add3A_1319 = arith.addi %add3A_1310, %xor3A_1318 : vector<16xi32>
      %shift_left3A_1320 = arith.constant 16 : i32
      %shift_left3A_1321 = vector.broadcast %shift_left3A_1320 : i32 to vector<16xi32>
      %shift_left3A_1322 = arith.shli %xor3A_1318, %shift_left3A_1321 : vector<16xi32>
      %shift_right_logical3A_1323 = arith.constant 16 : i32
      %shift_right_logical3A_1324 = vector.broadcast %shift_right_logical3A_1323 : i32 to vector<16xi32>
      %shift_right_logical3A_1325 = arith.shrui %xor3A_1318, %shift_right_logical3A_1324 : vector<16xi32>
      %or3A_1326 = arith.ori %shift_left3A_1322, %shift_right_logical3A_1325 : vector<16xi32>
      %xor3A_1327 = arith.xori %or3A_1326, %add3A_1319 : vector<16xi32>
      %add3A_1328 = arith.addi %add3A_1319, %xor3A_1327 : vector<16xi32>
      %shift_left3A_1329 = arith.constant 24 : i32
      %shift_left3A_1330 = vector.broadcast %shift_left3A_1329 : i32 to vector<16xi32>
      %shift_left3A_1331 = arith.shli %xor3A_1327, %shift_left3A_1330 : vector<16xi32>
      %shift_right_logical3A_1332 = arith.constant 8 : i32
      %shift_right_logical3A_1333 = vector.broadcast %shift_right_logical3A_1332 : i32 to vector<16xi32>
      %shift_right_logical3A_1334 = arith.shrui %xor3A_1327, %shift_right_logical3A_1333 : vector<16xi32>
      %or3A_1335 = arith.ori %shift_left3A_1331, %shift_right_logical3A_1334 : vector<16xi32>
      %xor3A_1336 = arith.xori %or3A_1335, %add3A_1328 : vector<16xi32>
      %add3A_1337 = arith.constant 466688987 : i32
      %add3A_1338 = vector.broadcast %add3A_1337 : i32 to vector<16xi32>
      %add3A_1339 = arith.addi %add3A_1328, %add3A_1338 : vector<16xi32>
      %add3A_1340 = arith.constant 0 : i32
      %add3A_1341 = vector.broadcast %add3A_1340 : i32 to vector<16xi32>
      %add3A_1342 = arith.addi %xor3A_1336, %add3A_1341 : vector<16xi32>
      %add3A_1343 = arith.constant 2 : i32
      %add3A_1344 = vector.broadcast %add3A_1343 : i32 to vector<16xi32>
      %add3A_1345 = arith.addi %add3A_1342, %add3A_1344 : vector<16xi32>
      %add3A_1346 = arith.addi %add3A_1339, %add3A_1345 : vector<16xi32>
      %shift_left3A_1347 = arith.constant 13 : i32
      %shift_left3A_1348 = vector.broadcast %shift_left3A_1347 : i32 to vector<16xi32>
      %shift_left3A_1349 = arith.shli %add3A_1345, %shift_left3A_1348 : vector<16xi32>
      %shift_right_logical3A_1350 = arith.constant 19 : i32
      %shift_right_logical3A_1351 = vector.broadcast %shift_right_logical3A_1350 : i32 to vector<16xi32>
      %shift_right_logical3A_1352 = arith.shrui %add3A_1345, %shift_right_logical3A_1351 : vector<16xi32>
      %or3A_1353 = arith.ori %shift_left3A_1349, %shift_right_logical3A_1352 : vector<16xi32>
      %xor3A_1354 = arith.xori %or3A_1353, %add3A_1346 : vector<16xi32>
      %add3A_1355 = arith.addi %add3A_1346, %xor3A_1354 : vector<16xi32>
      %shift_left3A_1356 = arith.constant 15 : i32
      %shift_left3A_1357 = vector.broadcast %shift_left3A_1356 : i32 to vector<16xi32>
      %shift_left3A_1358 = arith.shli %xor3A_1354, %shift_left3A_1357 : vector<16xi32>
      %shift_right_logical3A_1359 = arith.constant 17 : i32
      %shift_right_logical3A_1360 = vector.broadcast %shift_right_logical3A_1359 : i32 to vector<16xi32>
      %shift_right_logical3A_1361 = arith.shrui %xor3A_1354, %shift_right_logical3A_1360 : vector<16xi32>
      %or3A_1362 = arith.ori %shift_left3A_1358, %shift_right_logical3A_1361 : vector<16xi32>
      %xor3A_1363 = arith.xori %or3A_1362, %add3A_1355 : vector<16xi32>
      %add3A_1364 = arith.addi %add3A_1355, %xor3A_1363 : vector<16xi32>
      %shift_left3A_1365 = arith.constant 26 : i32
      %shift_left3A_1366 = vector.broadcast %shift_left3A_1365 : i32 to vector<16xi32>
      %shift_left3A_1367 = arith.shli %xor3A_1363, %shift_left3A_1366 : vector<16xi32>
      %shift_right_logical3A_1368 = arith.constant 6 : i32
      %shift_right_logical3A_1369 = vector.broadcast %shift_right_logical3A_1368 : i32 to vector<16xi32>
      %shift_right_logical3A_1370 = arith.shrui %xor3A_1363, %shift_right_logical3A_1369 : vector<16xi32>
      %or3A_1371 = arith.ori %shift_left3A_1367, %shift_right_logical3A_1370 : vector<16xi32>
      %xor3A_1372 = arith.xori %or3A_1371, %add3A_1364 : vector<16xi32>
      %add3A_1373 = arith.addi %add3A_1364, %xor3A_1372 : vector<16xi32>
      %shift_left3A_1374 = arith.constant 6 : i32
      %shift_left3A_1375 = vector.broadcast %shift_left3A_1374 : i32 to vector<16xi32>
      %shift_left3A_1376 = arith.shli %xor3A_1372, %shift_left3A_1375 : vector<16xi32>
      %shift_right_logical3A_1377 = arith.constant 26 : i32
      %shift_right_logical3A_1378 = vector.broadcast %shift_right_logical3A_1377 : i32 to vector<16xi32>
      %shift_right_logical3A_1379 = arith.shrui %xor3A_1372, %shift_right_logical3A_1378 : vector<16xi32>
      %or3A_1380 = arith.ori %shift_left3A_1376, %shift_right_logical3A_1379 : vector<16xi32>
      %xor3A_1381 = arith.xori %or3A_1380, %add3A_1373 : vector<16xi32>
      %add3A_1382 = arith.constant 0 : i32
      %add3A_1383 = vector.broadcast %add3A_1382 : i32 to vector<16xi32>
      %add3A_1384 = arith.addi %add3A_1373, %add3A_1383 : vector<16xi32>
      %add3A_1385 = arith.constant 1 : i32
      %add3A_1386 = vector.broadcast %add3A_1385 : i32 to vector<16xi32>
      %add3A_1387 = arith.addi %xor3A_1381, %add3A_1386 : vector<16xi32>
      %add3A_1388 = arith.constant 3 : i32
      %add3A_1389 = vector.broadcast %add3A_1388 : i32 to vector<16xi32>
      %add3A_1390 = arith.addi %add3A_1387, %add3A_1389 : vector<16xi32>
      %add3A_1391 = arith.addi %add3A_1384, %add3A_1390 : vector<16xi32>
      %shift_left3A_1392 = arith.constant 17 : i32
      %shift_left3A_1393 = vector.broadcast %shift_left3A_1392 : i32 to vector<16xi32>
      %shift_left3A_1394 = arith.shli %add3A_1390, %shift_left3A_1393 : vector<16xi32>
      %shift_right_logical3A_1395 = arith.constant 15 : i32
      %shift_right_logical3A_1396 = vector.broadcast %shift_right_logical3A_1395 : i32 to vector<16xi32>
      %shift_right_logical3A_1397 = arith.shrui %add3A_1390, %shift_right_logical3A_1396 : vector<16xi32>
      %or3A_1398 = arith.ori %shift_left3A_1394, %shift_right_logical3A_1397 : vector<16xi32>
      %xor3A_1399 = arith.xori %or3A_1398, %add3A_1391 : vector<16xi32>
      %add3A_1400 = arith.addi %add3A_1391, %xor3A_1399 : vector<16xi32>
      %shift_left3A_1401 = arith.constant 29 : i32
      %shift_left3A_1402 = vector.broadcast %shift_left3A_1401 : i32 to vector<16xi32>
      %shift_left3A_1403 = arith.shli %xor3A_1399, %shift_left3A_1402 : vector<16xi32>
      %shift_right_logical3A_1404 = arith.constant 3 : i32
      %shift_right_logical3A_1405 = vector.broadcast %shift_right_logical3A_1404 : i32 to vector<16xi32>
      %shift_right_logical3A_1406 = arith.shrui %xor3A_1399, %shift_right_logical3A_1405 : vector<16xi32>
      %or3A_1407 = arith.ori %shift_left3A_1403, %shift_right_logical3A_1406 : vector<16xi32>
      %xor3A_1408 = arith.xori %or3A_1407, %add3A_1400 : vector<16xi32>
      %add3A_1409 = arith.addi %add3A_1400, %xor3A_1408 : vector<16xi32>
      %shift_left3A_1410 = arith.constant 16 : i32
      %shift_left3A_1411 = vector.broadcast %shift_left3A_1410 : i32 to vector<16xi32>
      %shift_left3A_1412 = arith.shli %xor3A_1408, %shift_left3A_1411 : vector<16xi32>
      %shift_right_logical3A_1413 = arith.constant 16 : i32
      %shift_right_logical3A_1414 = vector.broadcast %shift_right_logical3A_1413 : i32 to vector<16xi32>
      %shift_right_logical3A_1415 = arith.shrui %xor3A_1408, %shift_right_logical3A_1414 : vector<16xi32>
      %or3A_1416 = arith.ori %shift_left3A_1412, %shift_right_logical3A_1415 : vector<16xi32>
      %xor3A_1417 = arith.xori %or3A_1416, %add3A_1409 : vector<16xi32>
      %add3A_1418 = arith.addi %add3A_1409, %xor3A_1417 : vector<16xi32>
      %shift_left3A_1419 = arith.constant 24 : i32
      %shift_left3A_1420 = vector.broadcast %shift_left3A_1419 : i32 to vector<16xi32>
      %shift_left3A_1421 = arith.shli %xor3A_1417, %shift_left3A_1420 : vector<16xi32>
      %shift_right_logical3A_1422 = arith.constant 8 : i32
      %shift_right_logical3A_1423 = vector.broadcast %shift_right_logical3A_1422 : i32 to vector<16xi32>
      %shift_right_logical3A_1424 = arith.shrui %xor3A_1417, %shift_right_logical3A_1423 : vector<16xi32>
      %or3A_1425 = arith.ori %shift_left3A_1421, %shift_right_logical3A_1424 : vector<16xi32>
      %xor3A_1426 = arith.xori %or3A_1425, %add3A_1418 : vector<16xi32>
      %add3A_1427 = arith.constant 1 : i32
      %add3A_1428 = vector.broadcast %add3A_1427 : i32 to vector<16xi32>
      %add3A_1429 = arith.addi %add3A_1418, %add3A_1428 : vector<16xi32>
      %add3A_1430 = arith.constant 466688987 : i32
      %add3A_1431 = vector.broadcast %add3A_1430 : i32 to vector<16xi32>
      %add3A_1432 = arith.addi %xor3A_1426, %add3A_1431 : vector<16xi32>
      %add3A_1433 = arith.constant 4 : i32
      %add3A_1434 = vector.broadcast %add3A_1433 : i32 to vector<16xi32>
      %add3A_1435 = arith.addi %add3A_1432, %add3A_1434 : vector<16xi32>
      %add3A_1436 = arith.addi %add3A_1429, %add3A_1435 : vector<16xi32>
      %shift_left3A_1437 = arith.constant 13 : i32
      %shift_left3A_1438 = vector.broadcast %shift_left3A_1437 : i32 to vector<16xi32>
      %shift_left3A_1439 = arith.shli %add3A_1435, %shift_left3A_1438 : vector<16xi32>
      %shift_right_logical3A_1440 = arith.constant 19 : i32
      %shift_right_logical3A_1441 = vector.broadcast %shift_right_logical3A_1440 : i32 to vector<16xi32>
      %shift_right_logical3A_1442 = arith.shrui %add3A_1435, %shift_right_logical3A_1441 : vector<16xi32>
      %or3A_1443 = arith.ori %shift_left3A_1439, %shift_right_logical3A_1442 : vector<16xi32>
      %xor3A_1444 = arith.xori %or3A_1443, %add3A_1436 : vector<16xi32>
      %add3A_1445 = arith.addi %add3A_1436, %xor3A_1444 : vector<16xi32>
      %shift_left3A_1446 = arith.constant 15 : i32
      %shift_left3A_1447 = vector.broadcast %shift_left3A_1446 : i32 to vector<16xi32>
      %shift_left3A_1448 = arith.shli %xor3A_1444, %shift_left3A_1447 : vector<16xi32>
      %shift_right_logical3A_1449 = arith.constant 17 : i32
      %shift_right_logical3A_1450 = vector.broadcast %shift_right_logical3A_1449 : i32 to vector<16xi32>
      %shift_right_logical3A_1451 = arith.shrui %xor3A_1444, %shift_right_logical3A_1450 : vector<16xi32>
      %or3A_1452 = arith.ori %shift_left3A_1448, %shift_right_logical3A_1451 : vector<16xi32>
      %xor3A_1453 = arith.xori %or3A_1452, %add3A_1445 : vector<16xi32>
      %add3A_1454 = arith.addi %add3A_1445, %xor3A_1453 : vector<16xi32>
      %shift_left3A_1455 = arith.constant 26 : i32
      %shift_left3A_1456 = vector.broadcast %shift_left3A_1455 : i32 to vector<16xi32>
      %shift_left3A_1457 = arith.shli %xor3A_1453, %shift_left3A_1456 : vector<16xi32>
      %shift_right_logical3A_1458 = arith.constant 6 : i32
      %shift_right_logical3A_1459 = vector.broadcast %shift_right_logical3A_1458 : i32 to vector<16xi32>
      %shift_right_logical3A_1460 = arith.shrui %xor3A_1453, %shift_right_logical3A_1459 : vector<16xi32>
      %or3A_1461 = arith.ori %shift_left3A_1457, %shift_right_logical3A_1460 : vector<16xi32>
      %xor3A_1462 = arith.xori %or3A_1461, %add3A_1454 : vector<16xi32>
      %add3A_1463 = arith.addi %add3A_1454, %xor3A_1462 : vector<16xi32>
      %shift_left3A_1464 = arith.constant 6 : i32
      %shift_left3A_1465 = vector.broadcast %shift_left3A_1464 : i32 to vector<16xi32>
      %shift_left3A_1466 = arith.shli %xor3A_1462, %shift_left3A_1465 : vector<16xi32>
      %shift_right_logical3A_1467 = arith.constant 26 : i32
      %shift_right_logical3A_1468 = vector.broadcast %shift_right_logical3A_1467 : i32 to vector<16xi32>
      %shift_right_logical3A_1469 = arith.shrui %xor3A_1462, %shift_right_logical3A_1468 : vector<16xi32>
      %or3A_1470 = arith.ori %shift_left3A_1466, %shift_right_logical3A_1469 : vector<16xi32>
      %xor3A_1471 = arith.xori %or3A_1470, %add3A_1463 : vector<16xi32>
      %add3A_1472 = arith.constant 466688987 : i32
      %add3A_1473 = vector.broadcast %add3A_1472 : i32 to vector<16xi32>
      %add3A_1474 = arith.addi %add3A_1463, %add3A_1473 : vector<16xi32>
      %add3A_1475 = arith.constant 0 : i32
      %add3A_1476 = vector.broadcast %add3A_1475 : i32 to vector<16xi32>
      %add3A_1477 = arith.addi %xor3A_1471, %add3A_1476 : vector<16xi32>
      %add3A_1478 = arith.constant 5 : i32
      %add3A_1479 = vector.broadcast %add3A_1478 : i32 to vector<16xi32>
      %add3A_1480 = arith.addi %add3A_1477, %add3A_1479 : vector<16xi32>
      %xor3A_1481 = arith.xori %add3A_1474, %add3A_1480 : vector<16xi32>
      %mul3A_1482 = arith.constant 16 : i32
      %mul3A_1483 = arith.muli %scan3A_12, %mul3A_1482 : i32
      %swap3A_1484 = arith.constant 5 : i32
      %swap3A_1485 = arith.index_cast %swap3A_1484 : i32 to index
      %swap3A_1486 = arith.index_cast %mul3A_1483 : i32 to index
      %swap3A_1487 = tpu.vector_load %arg3[%swap3A_1485, %swap3A_1486] {strides = array<i32>} : memref<8x1024xi32, #tpu.memory_space<vmem>>, vector<1x16xi32>,
      %swap3A_1488 = vector.shape_cast %swap3A_1487 : vector<1x16xi32> to vector<16xi32>
      %swap3A_1489 = vector.shape_cast %xor3A_1481 : vector<16xi32> to vector<1x16xi32>
      tpu.vector_store %arg3[%swap3A_1485, %swap3A_1486], %swap3A_1489 {strides = array<i32>} : memref<8x1024xi32, #tpu.memory_space<vmem>>, vector<1x16xi32>,
      %mul3A_1490 = arith.constant 8 : i32
      %mul3A_1491 = vector.broadcast %mul3A_1490 : i32 to vector<16xi32>
      %mul3A_1492 = arith.muli %add3A_18, %mul3A_1491 : vector<16xi32>
      %add3A_1493 = arith.constant 6 : i32
      %add3A_1494 = vector.broadcast %add3A_1493 : i32 to vector<16xi32>
      %add3A_1495 = arith.addi %mul3A_1492, %add3A_1494 : vector<16xi32>
      %add3A_1496 = arith.constant 0 : i32
      %add3A_1497 = vector.broadcast %add3A_1496 : i32 to vector<16xi32>
      %add3A_1498 = arith.addi %broadcast_in_dim3A_3, %add3A_1497 : vector<16xi32>
      %add3A_1499 = arith.constant 1 : i32
      %add3A_1500 = vector.broadcast %add3A_1499 : i32 to vector<16xi32>
      %add3A_1501 = arith.addi %add3A_1495, %add3A_1500 : vector<16xi32>
      %add3A_1502 = arith.addi %add3A_1498, %add3A_1501 : vector<16xi32>
      %shift_left3A_1503 = arith.constant 13 : i32
      %shift_left3A_1504 = vector.broadcast %shift_left3A_1503 : i32 to vector<16xi32>
      %shift_left3A_1505 = arith.shli %add3A_1501, %shift_left3A_1504 : vector<16xi32>
      %shift_right_logical3A_1506 = arith.constant 19 : i32
      %shift_right_logical3A_1507 = vector.broadcast %shift_right_logical3A_1506 : i32 to vector<16xi32>
      %shift_right_logical3A_1508 = arith.shrui %add3A_1501, %shift_right_logical3A_1507 : vector<16xi32>
      %or3A_1509 = arith.ori %shift_left3A_1505, %shift_right_logical3A_1508 : vector<16xi32>
      %xor3A_1510 = arith.xori %or3A_1509, %add3A_1502 : vector<16xi32>
      %add3A_1511 = arith.addi %add3A_1502, %xor3A_1510 : vector<16xi32>
      %shift_left3A_1512 = arith.constant 15 : i32
      %shift_left3A_1513 = vector.broadcast %shift_left3A_1512 : i32 to vector<16xi32>
      %shift_left3A_1514 = arith.shli %xor3A_1510, %shift_left3A_1513 : vector<16xi32>
      %shift_right_logical3A_1515 = arith.constant 17 : i32
      %shift_right_logical3A_1516 = vector.broadcast %shift_right_logical3A_1515 : i32 to vector<16xi32>
      %shift_right_logical3A_1517 = arith.shrui %xor3A_1510, %shift_right_logical3A_1516 : vector<16xi32>
      %or3A_1518 = arith.ori %shift_left3A_1514, %shift_right_logical3A_1517 : vector<16xi32>
      %xor3A_1519 = arith.xori %or3A_1518, %add3A_1511 : vector<16xi32>
      %add3A_1520 = arith.addi %add3A_1511, %xor3A_1519 : vector<16xi32>
      %shift_left3A_1521 = arith.constant 26 : i32
      %shift_left3A_1522 = vector.broadcast %shift_left3A_1521 : i32 to vector<16xi32>
      %shift_left3A_1523 = arith.shli %xor3A_1519, %shift_left3A_1522 : vector<16xi32>
      %shift_right_logical3A_1524 = arith.constant 6 : i32
      %shift_right_logical3A_1525 = vector.broadcast %shift_right_logical3A_1524 : i32 to vector<16xi32>
      %shift_right_logical3A_1526 = arith.shrui %xor3A_1519, %shift_right_logical3A_1525 : vector<16xi32>
      %or3A_1527 = arith.ori %shift_left3A_1523, %shift_right_logical3A_1526 : vector<16xi32>
      %xor3A_1528 = arith.xori %or3A_1527, %add3A_1520 : vector<16xi32>
      %add3A_1529 = arith.addi %add3A_1520, %xor3A_1528 : vector<16xi32>
      %shift_left3A_1530 = arith.constant 6 : i32
      %shift_left3A_1531 = vector.broadcast %shift_left3A_1530 : i32 to vector<16xi32>
      %shift_left3A_1532 = arith.shli %xor3A_1528, %shift_left3A_1531 : vector<16xi32>
      %shift_right_logical3A_1533 = arith.constant 26 : i32
      %shift_right_logical3A_1534 = vector.broadcast %shift_right_logical3A_1533 : i32 to vector<16xi32>
      %shift_right_logical3A_1535 = arith.shrui %xor3A_1528, %shift_right_logical3A_1534 : vector<16xi32>
      %or3A_1536 = arith.ori %shift_left3A_1532, %shift_right_logical3A_1535 : vector<16xi32>
      %xor3A_1537 = arith.xori %or3A_1536, %add3A_1529 : vector<16xi32>
      %add3A_1538 = arith.constant 1 : i32
      %add3A_1539 = vector.broadcast %add3A_1538 : i32 to vector<16xi32>
      %add3A_1540 = arith.addi %add3A_1529, %add3A_1539 : vector<16xi32>
      %add3A_1541 = arith.constant 466688987 : i32
      %add3A_1542 = vector.broadcast %add3A_1541 : i32 to vector<16xi32>
      %add3A_1543 = arith.addi %xor3A_1537, %add3A_1542 : vector<16xi32>
      %add3A_1544 = arith.constant 1 : i32
      %add3A_1545 = vector.broadcast %add3A_1544 : i32 to vector<16xi32>
      %add3A_1546 = arith.addi %add3A_1543, %add3A_1545 : vector<16xi32>
      %add3A_1547 = arith.addi %add3A_1540, %add3A_1546 : vector<16xi32>
      %shift_left3A_1548 = arith.constant 17 : i32
      %shift_left3A_1549 = vector.broadcast %shift_left3A_1548 : i32 to vector<16xi32>
      %shift_left3A_1550 = arith.shli %add3A_1546, %shift_left3A_1549 : vector<16xi32>
      %shift_right_logical3A_1551 = arith.constant 15 : i32
      %shift_right_logical3A_1552 = vector.broadcast %shift_right_logical3A_1551 : i32 to vector<16xi32>
      %shift_right_logical3A_1553 = arith.shrui %add3A_1546, %shift_right_logical3A_1552 : vector<16xi32>
      %or3A_1554 = arith.ori %shift_left3A_1550, %shift_right_logical3A_1553 : vector<16xi32>
      %xor3A_1555 = arith.xori %or3A_1554, %add3A_1547 : vector<16xi32>
      %add3A_1556 = arith.addi %add3A_1547, %xor3A_1555 : vector<16xi32>
      %shift_left3A_1557 = arith.constant 29 : i32
      %shift_left3A_1558 = vector.broadcast %shift_left3A_1557 : i32 to vector<16xi32>
      %shift_left3A_1559 = arith.shli %xor3A_1555, %shift_left3A_1558 : vector<16xi32>
      %shift_right_logical3A_1560 = arith.constant 3 : i32
      %shift_right_logical3A_1561 = vector.broadcast %shift_right_logical3A_1560 : i32 to vector<16xi32>
      %shift_right_logical3A_1562 = arith.shrui %xor3A_1555, %shift_right_logical3A_1561 : vector<16xi32>
      %or3A_1563 = arith.ori %shift_left3A_1559, %shift_right_logical3A_1562 : vector<16xi32>
      %xor3A_1564 = arith.xori %or3A_1563, %add3A_1556 : vector<16xi32>
      %add3A_1565 = arith.addi %add3A_1556, %xor3A_1564 : vector<16xi32>
      %shift_left3A_1566 = arith.constant 16 : i32
      %shift_left3A_1567 = vector.broadcast %shift_left3A_1566 : i32 to vector<16xi32>
      %shift_left3A_1568 = arith.shli %xor3A_1564, %shift_left3A_1567 : vector<16xi32>
      %shift_right_logical3A_1569 = arith.constant 16 : i32
      %shift_right_logical3A_1570 = vector.broadcast %shift_right_logical3A_1569 : i32 to vector<16xi32>
      %shift_right_logical3A_1571 = arith.shrui %xor3A_1564, %shift_right_logical3A_1570 : vector<16xi32>
      %or3A_1572 = arith.ori %shift_left3A_1568, %shift_right_logical3A_1571 : vector<16xi32>
      %xor3A_1573 = arith.xori %or3A_1572, %add3A_1565 : vector<16xi32>
      %add3A_1574 = arith.addi %add3A_1565, %xor3A_1573 : vector<16xi32>
      %shift_left3A_1575 = arith.constant 24 : i32
      %shift_left3A_1576 = vector.broadcast %shift_left3A_1575 : i32 to vector<16xi32>
      %shift_left3A_1577 = arith.shli %xor3A_1573, %shift_left3A_1576 : vector<16xi32>
      %shift_right_logical3A_1578 = arith.constant 8 : i32
      %shift_right_logical3A_1579 = vector.broadcast %shift_right_logical3A_1578 : i32 to vector<16xi32>
      %shift_right_logical3A_1580 = arith.shrui %xor3A_1573, %shift_right_logical3A_1579 : vector<16xi32>
      %or3A_1581 = arith.ori %shift_left3A_1577, %shift_right_logical3A_1580 : vector<16xi32>
      %xor3A_1582 = arith.xori %or3A_1581, %add3A_1574 : vector<16xi32>
      %add3A_1583 = arith.constant 466688987 : i32
      %add3A_1584 = vector.broadcast %add3A_1583 : i32 to vector<16xi32>
      %add3A_1585 = arith.addi %add3A_1574, %add3A_1584 : vector<16xi32>
      %add3A_1586 = arith.constant 0 : i32
      %add3A_1587 = vector.broadcast %add3A_1586 : i32 to vector<16xi32>
      %add3A_1588 = arith.addi %xor3A_1582, %add3A_1587 : vector<16xi32>
      %add3A_1589 = arith.constant 2 : i32
      %add3A_1590 = vector.broadcast %add3A_1589 : i32 to vector<16xi32>
      %add3A_1591 = arith.addi %add3A_1588, %add3A_1590 : vector<16xi32>
      %add3A_1592 = arith.addi %add3A_1585, %add3A_1591 : vector<16xi32>
      %shift_left3A_1593 = arith.constant 13 : i32
      %shift_left3A_1594 = vector.broadcast %shift_left3A_1593 : i32 to vector<16xi32>
      %shift_left3A_1595 = arith.shli %add3A_1591, %shift_left3A_1594 : vector<16xi32>
      %shift_right_logical3A_1596 = arith.constant 19 : i32
      %shift_right_logical3A_1597 = vector.broadcast %shift_right_logical3A_1596 : i32 to vector<16xi32>
      %shift_right_logical3A_1598 = arith.shrui %add3A_1591, %shift_right_logical3A_1597 : vector<16xi32>
      %or3A_1599 = arith.ori %shift_left3A_1595, %shift_right_logical3A_1598 : vector<16xi32>
      %xor3A_1600 = arith.xori %or3A_1599, %add3A_1592 : vector<16xi32>
      %add3A_1601 = arith.addi %add3A_1592, %xor3A_1600 : vector<16xi32>
      %shift_left3A_1602 = arith.constant 15 : i32
      %shift_left3A_1603 = vector.broadcast %shift_left3A_1602 : i32 to vector<16xi32>
      %shift_left3A_1604 = arith.shli %xor3A_1600, %shift_left3A_1603 : vector<16xi32>
      %shift_right_logical3A_1605 = arith.constant 17 : i32
      %shift_right_logical3A_1606 = vector.broadcast %shift_right_logical3A_1605 : i32 to vector<16xi32>
      %shift_right_logical3A_1607 = arith.shrui %xor3A_1600, %shift_right_logical3A_1606 : vector<16xi32>
      %or3A_1608 = arith.ori %shift_left3A_1604, %shift_right_logical3A_1607 : vector<16xi32>
      %xor3A_1609 = arith.xori %or3A_1608, %add3A_1601 : vector<16xi32>
      %add3A_1610 = arith.addi %add3A_1601, %xor3A_1609 : vector<16xi32>
      %shift_left3A_1611 = arith.constant 26 : i32
      %shift_left3A_1612 = vector.broadcast %shift_left3A_1611 : i32 to vector<16xi32>
      %shift_left3A_1613 = arith.shli %xor3A_1609, %shift_left3A_1612 : vector<16xi32>
      %shift_right_logical3A_1614 = arith.constant 6 : i32
      %shift_right_logical3A_1615 = vector.broadcast %shift_right_logical3A_1614 : i32 to vector<16xi32>
      %shift_right_logical3A_1616 = arith.shrui %xor3A_1609, %shift_right_logical3A_1615 : vector<16xi32>
      %or3A_1617 = arith.ori %shift_left3A_1613, %shift_right_logical3A_1616 : vector<16xi32>
      %xor3A_1618 = arith.xori %or3A_1617, %add3A_1610 : vector<16xi32>
      %add3A_1619 = arith.addi %add3A_1610, %xor3A_1618 : vector<16xi32>
      %shift_left3A_1620 = arith.constant 6 : i32
      %shift_left3A_1621 = vector.broadcast %shift_left3A_1620 : i32 to vector<16xi32>
      %shift_left3A_1622 = arith.shli %xor3A_1618, %shift_left3A_1621 : vector<16xi32>
      %shift_right_logical3A_1623 = arith.constant 26 : i32
      %shift_right_logical3A_1624 = vector.broadcast %shift_right_logical3A_1623 : i32 to vector<16xi32>
      %shift_right_logical3A_1625 = arith.shrui %xor3A_1618, %shift_right_logical3A_1624 : vector<16xi32>
      %or3A_1626 = arith.ori %shift_left3A_1622, %shift_right_logical3A_1625 : vector<16xi32>
      %xor3A_1627 = arith.xori %or3A_1626, %add3A_1619 : vector<16xi32>
      %add3A_1628 = arith.constant 0 : i32
      %add3A_1629 = vector.broadcast %add3A_1628 : i32 to vector<16xi32>
      %add3A_1630 = arith.addi %add3A_1619, %add3A_1629 : vector<16xi32>
      %add3A_1631 = arith.constant 1 : i32
      %add3A_1632 = vector.broadcast %add3A_1631 : i32 to vector<16xi32>
      %add3A_1633 = arith.addi %xor3A_1627, %add3A_1632 : vector<16xi32>
      %add3A_1634 = arith.constant 3 : i32
      %add3A_1635 = vector.broadcast %add3A_1634 : i32 to vector<16xi32>
      %add3A_1636 = arith.addi %add3A_1633, %add3A_1635 : vector<16xi32>
      %add3A_1637 = arith.addi %add3A_1630, %add3A_1636 : vector<16xi32>
      %shift_left3A_1638 = arith.constant 17 : i32
      %shift_left3A_1639 = vector.broadcast %shift_left3A_1638 : i32 to vector<16xi32>
      %shift_left3A_1640 = arith.shli %add3A_1636, %shift_left3A_1639 : vector<16xi32>
      %shift_right_logical3A_1641 = arith.constant 15 : i32
      %shift_right_logical3A_1642 = vector.broadcast %shift_right_logical3A_1641 : i32 to vector<16xi32>
      %shift_right_logical3A_1643 = arith.shrui %add3A_1636, %shift_right_logical3A_1642 : vector<16xi32>
      %or3A_1644 = arith.ori %shift_left3A_1640, %shift_right_logical3A_1643 : vector<16xi32>
      %xor3A_1645 = arith.xori %or3A_1644, %add3A_1637 : vector<16xi32>
      %add3A_1646 = arith.addi %add3A_1637, %xor3A_1645 : vector<16xi32>
      %shift_left3A_1647 = arith.constant 29 : i32
      %shift_left3A_1648 = vector.broadcast %shift_left3A_1647 : i32 to vector<16xi32>
      %shift_left3A_1649 = arith.shli %xor3A_1645, %shift_left3A_1648 : vector<16xi32>
      %shift_right_logical3A_1650 = arith.constant 3 : i32
      %shift_right_logical3A_1651 = vector.broadcast %shift_right_logical3A_1650 : i32 to vector<16xi32>
      %shift_right_logical3A_1652 = arith.shrui %xor3A_1645, %shift_right_logical3A_1651 : vector<16xi32>
      %or3A_1653 = arith.ori %shift_left3A_1649, %shift_right_logical3A_1652 : vector<16xi32>
      %xor3A_1654 = arith.xori %or3A_1653, %add3A_1646 : vector<16xi32>
      %add3A_1655 = arith.addi %add3A_1646, %xor3A_1654 : vector<16xi32>
      %shift_left3A_1656 = arith.constant 16 : i32
      %shift_left3A_1657 = vector.broadcast %shift_left3A_1656 : i32 to vector<16xi32>
      %shift_left3A_1658 = arith.shli %xor3A_1654, %shift_left3A_1657 : vector<16xi32>
      %shift_right_logical3A_1659 = arith.constant 16 : i32
      %shift_right_logical3A_1660 = vector.broadcast %shift_right_logical3A_1659 : i32 to vector<16xi32>
      %shift_right_logical3A_1661 = arith.shrui %xor3A_1654, %shift_right_logical3A_1660 : vector<16xi32>
      %or3A_1662 = arith.ori %shift_left3A_1658, %shift_right_logical3A_1661 : vector<16xi32>
      %xor3A_1663 = arith.xori %or3A_1662, %add3A_1655 : vector<16xi32>
      %add3A_1664 = arith.addi %add3A_1655, %xor3A_1663 : vector<16xi32>
      %shift_left3A_1665 = arith.constant 24 : i32
      %shift_left3A_1666 = vector.broadcast %shift_left3A_1665 : i32 to vector<16xi32>
      %shift_left3A_1667 = arith.shli %xor3A_1663, %shift_left3A_1666 : vector<16xi32>
      %shift_right_logical3A_1668 = arith.constant 8 : i32
      %shift_right_logical3A_1669 = vector.broadcast %shift_right_logical3A_1668 : i32 to vector<16xi32>
      %shift_right_logical3A_1670 = arith.shrui %xor3A_1663, %shift_right_logical3A_1669 : vector<16xi32>
      %or3A_1671 = arith.ori %shift_left3A_1667, %shift_right_logical3A_1670 : vector<16xi32>
      %xor3A_1672 = arith.xori %or3A_1671, %add3A_1664 : vector<16xi32>
      %add3A_1673 = arith.constant 1 : i32
      %add3A_1674 = vector.broadcast %add3A_1673 : i32 to vector<16xi32>
      %add3A_1675 = arith.addi %add3A_1664, %add3A_1674 : vector<16xi32>
      %add3A_1676 = arith.constant 466688987 : i32
      %add3A_1677 = vector.broadcast %add3A_1676 : i32 to vector<16xi32>
      %add3A_1678 = arith.addi %xor3A_1672, %add3A_1677 : vector<16xi32>
      %add3A_1679 = arith.constant 4 : i32
      %add3A_1680 = vector.broadcast %add3A_1679 : i32 to vector<16xi32>
      %add3A_1681 = arith.addi %add3A_1678, %add3A_1680 : vector<16xi32>
      %add3A_1682 = arith.addi %add3A_1675, %add3A_1681 : vector<16xi32>
      %shift_left3A_1683 = arith.constant 13 : i32
      %shift_left3A_1684 = vector.broadcast %shift_left3A_1683 : i32 to vector<16xi32>
      %shift_left3A_1685 = arith.shli %add3A_1681, %shift_left3A_1684 : vector<16xi32>
      %shift_right_logical3A_1686 = arith.constant 19 : i32
      %shift_right_logical3A_1687 = vector.broadcast %shift_right_logical3A_1686 : i32 to vector<16xi32>
      %shift_right_logical3A_1688 = arith.shrui %add3A_1681, %shift_right_logical3A_1687 : vector<16xi32>
      %or3A_1689 = arith.ori %shift_left3A_1685, %shift_right_logical3A_1688 : vector<16xi32>
      %xor3A_1690 = arith.xori %or3A_1689, %add3A_1682 : vector<16xi32>
      %add3A_1691 = arith.addi %add3A_1682, %xor3A_1690 : vector<16xi32>
      %shift_left3A_1692 = arith.constant 15 : i32
      %shift_left3A_1693 = vector.broadcast %shift_left3A_1692 : i32 to vector<16xi32>
      %shift_left3A_1694 = arith.shli %xor3A_1690, %shift_left3A_1693 : vector<16xi32>
      %shift_right_logical3A_1695 = arith.constant 17 : i32
      %shift_right_logical3A_1696 = vector.broadcast %shift_right_logical3A_1695 : i32 to vector<16xi32>
      %shift_right_logical3A_1697 = arith.shrui %xor3A_1690, %shift_right_logical3A_1696 : vector<16xi32>
      %or3A_1698 = arith.ori %shift_left3A_1694, %shift_right_logical3A_1697 : vector<16xi32>
      %xor3A_1699 = arith.xori %or3A_1698, %add3A_1691 : vector<16xi32>
      %add3A_1700 = arith.addi %add3A_1691, %xor3A_1699 : vector<16xi32>
      %shift_left3A_1701 = arith.constant 26 : i32
      %shift_left3A_1702 = vector.broadcast %shift_left3A_1701 : i32 to vector<16xi32>
      %shift_left3A_1703 = arith.shli %xor3A_1699, %shift_left3A_1702 : vector<16xi32>
      %shift_right_logical3A_1704 = arith.constant 6 : i32
      %shift_right_logical3A_1705 = vector.broadcast %shift_right_logical3A_1704 : i32 to vector<16xi32>
      %shift_right_logical3A_1706 = arith.shrui %xor3A_1699, %shift_right_logical3A_1705 : vector<16xi32>
      %or3A_1707 = arith.ori %shift_left3A_1703, %shift_right_logical3A_1706 : vector<16xi32>
      %xor3A_1708 = arith.xori %or3A_1707, %add3A_1700 : vector<16xi32>
      %add3A_1709 = arith.addi %add3A_1700, %xor3A_1708 : vector<16xi32>
      %shift_left3A_1710 = arith.constant 6 : i32
      %shift_left3A_1711 = vector.broadcast %shift_left3A_1710 : i32 to vector<16xi32>
      %shift_left3A_1712 = arith.shli %xor3A_1708, %shift_left3A_1711 : vector<16xi32>
      %shift_right_logical3A_1713 = arith.constant 26 : i32
      %shift_right_logical3A_1714 = vector.broadcast %shift_right_logical3A_1713 : i32 to vector<16xi32>
      %shift_right_logical3A_1715 = arith.shrui %xor3A_1708, %shift_right_logical3A_1714 : vector<16xi32>
      %or3A_1716 = arith.ori %shift_left3A_1712, %shift_right_logical3A_1715 : vector<16xi32>
      %xor3A_1717 = arith.xori %or3A_1716, %add3A_1709 : vector<16xi32>
      %add3A_1718 = arith.constant 466688987 : i32
      %add3A_1719 = vector.broadcast %add3A_1718 : i32 to vector<16xi32>
      %add3A_1720 = arith.addi %add3A_1709, %add3A_1719 : vector<16xi32>
      %add3A_1721 = arith.constant 0 : i32
      %add3A_1722 = vector.broadcast %add3A_1721 : i32 to vector<16xi32>
      %add3A_1723 = arith.addi %xor3A_1717, %add3A_1722 : vector<16xi32>
      %add3A_1724 = arith.constant 5 : i32
      %add3A_1725 = vector.broadcast %add3A_1724 : i32 to vector<16xi32>
      %add3A_1726 = arith.addi %add3A_1723, %add3A_1725 : vector<16xi32>
      %xor3A_1727 = arith.xori %add3A_1720, %add3A_1726 : vector<16xi32>
      %mul3A_1728 = arith.constant 16 : i32
      %mul3A_1729 = arith.muli %scan3A_12, %mul3A_1728 : i32
      %swap3A_1730 = arith.constant 6 : i32
      %swap3A_1731 = arith.index_cast %swap3A_1730 : i32 to index
      %swap3A_1732 = arith.index_cast %mul3A_1729 : i32 to index
      %swap3A_1733 = tpu.vector_load %arg3[%swap3A_1731, %swap3A_1732] {strides = array<i32>} : memref<8x1024xi32, #tpu.memory_space<vmem>>, vector<1x16xi32>,
      %swap3A_1734 = vector.shape_cast %swap3A_1733 : vector<1x16xi32> to vector<16xi32>
      %swap3A_1735 = vector.shape_cast %xor3A_1727 : vector<16xi32> to vector<1x16xi32>
      tpu.vector_store %arg3[%swap3A_1731, %swap3A_1732], %swap3A_1735 {strides = array<i32>} : memref<8x1024xi32, #tpu.memory_space<vmem>>, vector<1x16xi32>,
      %mul3A_1736 = arith.constant 8 : i32
      %mul3A_1737 = vector.broadcast %mul3A_1736 : i32 to vector<16xi32>
      %mul3A_1738 = arith.muli %add3A_18, %mul3A_1737 : vector<16xi32>
      %add3A_1739 = arith.constant 7 : i32
      %add3A_1740 = vector.broadcast %add3A_1739 : i32 to vector<16xi32>
      %add3A_1741 = arith.addi %mul3A_1738, %add3A_1740 : vector<16xi32>
      %add3A_1742 = arith.constant 0 : i32
      %add3A_1743 = vector.broadcast %add3A_1742 : i32 to vector<16xi32>
      %add3A_1744 = arith.addi %broadcast_in_dim3A_3, %add3A_1743 : vector<16xi32>
      %add3A_1745 = arith.constant 1 : i32
      %add3A_1746 = vector.broadcast %add3A_1745 : i32 to vector<16xi32>
      %add3A_1747 = arith.addi %add3A_1741, %add3A_1746 : vector<16xi32>
      %add3A_1748 = arith.addi %add3A_1744, %add3A_1747 : vector<16xi32>
      %shift_left3A_1749 = arith.constant 13 : i32
      %shift_left3A_1750 = vector.broadcast %shift_left3A_1749 : i32 to vector<16xi32>
      %shift_left3A_1751 = arith.shli %add3A_1747, %shift_left3A_1750 : vector<16xi32>
      %shift_right_logical3A_1752 = arith.constant 19 : i32
      %shift_right_logical3A_1753 = vector.broadcast %shift_right_logical3A_1752 : i32 to vector<16xi32>
      %shift_right_logical3A_1754 = arith.shrui %add3A_1747, %shift_right_logical3A_1753 : vector<16xi32>
      %or3A_1755 = arith.ori %shift_left3A_1751, %shift_right_logical3A_1754 : vector<16xi32>
      %xor3A_1756 = arith.xori %or3A_1755, %add3A_1748 : vector<16xi32>
      %add3A_1757 = arith.addi %add3A_1748, %xor3A_1756 : vector<16xi32>
      %shift_left3A_1758 = arith.constant 15 : i32
      %shift_left3A_1759 = vector.broadcast %shift_left3A_1758 : i32 to vector<16xi32>
      %shift_left3A_1760 = arith.shli %xor3A_1756, %shift_left3A_1759 : vector<16xi32>
      %shift_right_logical3A_1761 = arith.constant 17 : i32
      %shift_right_logical3A_1762 = vector.broadcast %shift_right_logical3A_1761 : i32 to vector<16xi32>
      %shift_right_logical3A_1763 = arith.shrui %xor3A_1756, %shift_right_logical3A_1762 : vector<16xi32>
      %or3A_1764 = arith.ori %shift_left3A_1760, %shift_right_logical3A_1763 : vector<16xi32>
      %xor3A_1765 = arith.xori %or3A_1764, %add3A_1757 : vector<16xi32>
      %add3A_1766 = arith.addi %add3A_1757, %xor3A_1765 : vector<16xi32>
      %shift_left3A_1767 = arith.constant 26 : i32
      %shift_left3A_1768 = vector.broadcast %shift_left3A_1767 : i32 to vector<16xi32>
      %shift_left3A_1769 = arith.shli %xor3A_1765, %shift_left3A_1768 : vector<16xi32>
      %shift_right_logical3A_1770 = arith.constant 6 : i32
      %shift_right_logical3A_1771 = vector.broadcast %shift_right_logical3A_1770 : i32 to vector<16xi32>
      %shift_right_logical3A_1772 = arith.shrui %xor3A_1765, %shift_right_logical3A_1771 : vector<16xi32>
      %or3A_1773 = arith.ori %shift_left3A_1769, %shift_right_logical3A_1772 : vector<16xi32>
      %xor3A_1774 = arith.xori %or3A_1773, %add3A_1766 : vector<16xi32>
      %add3A_1775 = arith.addi %add3A_1766, %xor3A_1774 : vector<16xi32>
      %shift_left3A_1776 = arith.constant 6 : i32
      %shift_left3A_1777 = vector.broadcast %shift_left3A_1776 : i32 to vector<16xi32>
      %shift_left3A_1778 = arith.shli %xor3A_1774, %shift_left3A_1777 : vector<16xi32>
      %shift_right_logical3A_1779 = arith.constant 26 : i32
      %shift_right_logical3A_1780 = vector.broadcast %shift_right_logical3A_1779 : i32 to vector<16xi32>
      %shift_right_logical3A_1781 = arith.shrui %xor3A_1774, %shift_right_logical3A_1780 : vector<16xi32>
      %or3A_1782 = arith.ori %shift_left3A_1778, %shift_right_logical3A_1781 : vector<16xi32>
      %xor3A_1783 = arith.xori %or3A_1782, %add3A_1775 : vector<16xi32>
      %add3A_1784 = arith.constant 1 : i32
      %add3A_1785 = vector.broadcast %add3A_1784 : i32 to vector<16xi32>
      %add3A_1786 = arith.addi %add3A_1775, %add3A_1785 : vector<16xi32>
      %add3A_1787 = arith.constant 466688987 : i32
      %add3A_1788 = vector.broadcast %add3A_1787 : i32 to vector<16xi32>
      %add3A_1789 = arith.addi %xor3A_1783, %add3A_1788 : vector<16xi32>
      %add3A_1790 = arith.constant 1 : i32
      %add3A_1791 = vector.broadcast %add3A_1790 : i32 to vector<16xi32>
      %add3A_1792 = arith.addi %add3A_1789, %add3A_1791 : vector<16xi32>
      %add3A_1793 = arith.addi %add3A_1786, %add3A_1792 : vector<16xi32>
      %shift_left3A_1794 = arith.constant 17 : i32
      %shift_left3A_1795 = vector.broadcast %shift_left3A_1794 : i32 to vector<16xi32>
      %shift_left3A_1796 = arith.shli %add3A_1792, %shift_left3A_1795 : vector<16xi32>
      %shift_right_logical3A_1797 = arith.constant 15 : i32
      %shift_right_logical3A_1798 = vector.broadcast %shift_right_logical3A_1797 : i32 to vector<16xi32>
      %shift_right_logical3A_1799 = arith.shrui %add3A_1792, %shift_right_logical3A_1798 : vector<16xi32>
      %or3A_1800 = arith.ori %shift_left3A_1796, %shift_right_logical3A_1799 : vector<16xi32>
      %xor3A_1801 = arith.xori %or3A_1800, %add3A_1793 : vector<16xi32>
      %add3A_1802 = arith.addi %add3A_1793, %xor3A_1801 : vector<16xi32>
      %shift_left3A_1803 = arith.constant 29 : i32
      %shift_left3A_1804 = vector.broadcast %shift_left3A_1803 : i32 to vector<16xi32>
      %shift_left3A_1805 = arith.shli %xor3A_1801, %shift_left3A_1804 : vector<16xi32>
      %shift_right_logical3A_1806 = arith.constant 3 : i32
      %shift_right_logical3A_1807 = vector.broadcast %shift_right_logical3A_1806 : i32 to vector<16xi32>
      %shift_right_logical3A_1808 = arith.shrui %xor3A_1801, %shift_right_logical3A_1807 : vector<16xi32>
      %or3A_1809 = arith.ori %shift_left3A_1805, %shift_right_logical3A_1808 : vector<16xi32>
      %xor3A_1810 = arith.xori %or3A_1809, %add3A_1802 : vector<16xi32>
      %add3A_1811 = arith.addi %add3A_1802, %xor3A_1810 : vector<16xi32>
      %shift_left3A_1812 = arith.constant 16 : i32
      %shift_left3A_1813 = vector.broadcast %shift_left3A_1812 : i32 to vector<16xi32>
      %shift_left3A_1814 = arith.shli %xor3A_1810, %shift_left3A_1813 : vector<16xi32>
      %shift_right_logical3A_1815 = arith.constant 16 : i32
      %shift_right_logical3A_1816 = vector.broadcast %shift_right_logical3A_1815 : i32 to vector<16xi32>
      %shift_right_logical3A_1817 = arith.shrui %xor3A_1810, %shift_right_logical3A_1816 : vector<16xi32>
      %or3A_1818 = arith.ori %shift_left3A_1814, %shift_right_logical3A_1817 : vector<16xi32>
      %xor3A_1819 = arith.xori %or3A_1818, %add3A_1811 : vector<16xi32>
      %add3A_1820 = arith.addi %add3A_1811, %xor3A_1819 : vector<16xi32>
      %shift_left3A_1821 = arith.constant 24 : i32
      %shift_left3A_1822 = vector.broadcast %shift_left3A_1821 : i32 to vector<16xi32>
      %shift_left3A_1823 = arith.shli %xor3A_1819, %shift_left3A_1822 : vector<16xi32>
      %shift_right_logical3A_1824 = arith.constant 8 : i32
      %shift_right_logical3A_1825 = vector.broadcast %shift_right_logical3A_1824 : i32 to vector<16xi32>
      %shift_right_logical3A_1826 = arith.shrui %xor3A_1819, %shift_right_logical3A_1825 : vector<16xi32>
      %or3A_1827 = arith.ori %shift_left3A_1823, %shift_right_logical3A_1826 : vector<16xi32>
      %xor3A_1828 = arith.xori %or3A_1827, %add3A_1820 : vector<16xi32>
      %add3A_1829 = arith.constant 466688987 : i32
      %add3A_1830 = vector.broadcast %add3A_1829 : i32 to vector<16xi32>
      %add3A_1831 = arith.addi %add3A_1820, %add3A_1830 : vector<16xi32>
      %add3A_1832 = arith.constant 0 : i32
      %add3A_1833 = vector.broadcast %add3A_1832 : i32 to vector<16xi32>
      %add3A_1834 = arith.addi %xor3A_1828, %add3A_1833 : vector<16xi32>
      %add3A_1835 = arith.constant 2 : i32
      %add3A_1836 = vector.broadcast %add3A_1835 : i32 to vector<16xi32>
      %add3A_1837 = arith.addi %add3A_1834, %add3A_1836 : vector<16xi32>
      %add3A_1838 = arith.addi %add3A_1831, %add3A_1837 : vector<16xi32>
      %shift_left3A_1839 = arith.constant 13 : i32
      %shift_left3A_1840 = vector.broadcast %shift_left3A_1839 : i32 to vector<16xi32>
      %shift_left3A_1841 = arith.shli %add3A_1837, %shift_left3A_1840 : vector<16xi32>
      %shift_right_logical3A_1842 = arith.constant 19 : i32
      %shift_right_logical3A_1843 = vector.broadcast %shift_right_logical3A_1842 : i32 to vector<16xi32>
      %shift_right_logical3A_1844 = arith.shrui %add3A_1837, %shift_right_logical3A_1843 : vector<16xi32>
      %or3A_1845 = arith.ori %shift_left3A_1841, %shift_right_logical3A_1844 : vector<16xi32>
      %xor3A_1846 = arith.xori %or3A_1845, %add3A_1838 : vector<16xi32>
      %add3A_1847 = arith.addi %add3A_1838, %xor3A_1846 : vector<16xi32>
      %shift_left3A_1848 = arith.constant 15 : i32
      %shift_left3A_1849 = vector.broadcast %shift_left3A_1848 : i32 to vector<16xi32>
      %shift_left3A_1850 = arith.shli %xor3A_1846, %shift_left3A_1849 : vector<16xi32>
      %shift_right_logical3A_1851 = arith.constant 17 : i32
      %shift_right_logical3A_1852 = vector.broadcast %shift_right_logical3A_1851 : i32 to vector<16xi32>
      %shift_right_logical3A_1853 = arith.shrui %xor3A_1846, %shift_right_logical3A_1852 : vector<16xi32>
      %or3A_1854 = arith.ori %shift_left3A_1850, %shift_right_logical3A_1853 : vector<16xi32>
      %xor3A_1855 = arith.xori %or3A_1854, %add3A_1847 : vector<16xi32>
      %add3A_1856 = arith.addi %add3A_1847, %xor3A_1855 : vector<16xi32>
      %shift_left3A_1857 = arith.constant 26 : i32
      %shift_left3A_1858 = vector.broadcast %shift_left3A_1857 : i32 to vector<16xi32>
      %shift_left3A_1859 = arith.shli %xor3A_1855, %shift_left3A_1858 : vector<16xi32>
      %shift_right_logical3A_1860 = arith.constant 6 : i32
      %shift_right_logical3A_1861 = vector.broadcast %shift_right_logical3A_1860 : i32 to vector<16xi32>
      %shift_right_logical3A_1862 = arith.shrui %xor3A_1855, %shift_right_logical3A_1861 : vector<16xi32>
      %or3A_1863 = arith.ori %shift_left3A_1859, %shift_right_logical3A_1862 : vector<16xi32>
      %xor3A_1864 = arith.xori %or3A_1863, %add3A_1856 : vector<16xi32>
      %add3A_1865 = arith.addi %add3A_1856, %xor3A_1864 : vector<16xi32>
      %shift_left3A_1866 = arith.constant 6 : i32
      %shift_left3A_1867 = vector.broadcast %shift_left3A_1866 : i32 to vector<16xi32>
      %shift_left3A_1868 = arith.shli %xor3A_1864, %shift_left3A_1867 : vector<16xi32>
      %shift_right_logical3A_1869 = arith.constant 26 : i32
      %shift_right_logical3A_1870 = vector.broadcast %shift_right_logical3A_1869 : i32 to vector<16xi32>
      %shift_right_logical3A_1871 = arith.shrui %xor3A_1864, %shift_right_logical3A_1870 : vector<16xi32>
      %or3A_1872 = arith.ori %shift_left3A_1868, %shift_right_logical3A_1871 : vector<16xi32>
      %xor3A_1873 = arith.xori %or3A_1872, %add3A_1865 : vector<16xi32>
      %add3A_1874 = arith.constant 0 : i32
      %add3A_1875 = vector.broadcast %add3A_1874 : i32 to vector<16xi32>
      %add3A_1876 = arith.addi %add3A_1865, %add3A_1875 : vector<16xi32>
      %add3A_1877 = arith.constant 1 : i32
      %add3A_1878 = vector.broadcast %add3A_1877 : i32 to vector<16xi32>
      %add3A_1879 = arith.addi %xor3A_1873, %add3A_1878 : vector<16xi32>
      %add3A_1880 = arith.constant 3 : i32
      %add3A_1881 = vector.broadcast %add3A_1880 : i32 to vector<16xi32>
      %add3A_1882 = arith.addi %add3A_1879, %add3A_1881 : vector<16xi32>
      %add3A_1883 = arith.addi %add3A_1876, %add3A_1882 : vector<16xi32>
      %shift_left3A_1884 = arith.constant 17 : i32
      %shift_left3A_1885 = vector.broadcast %shift_left3A_1884 : i32 to vector<16xi32>
      %shift_left3A_1886 = arith.shli %add3A_1882, %shift_left3A_1885 : vector<16xi32>
      %shift_right_logical3A_1887 = arith.constant 15 : i32
      %shift_right_logical3A_1888 = vector.broadcast %shift_right_logical3A_1887 : i32 to vector<16xi32>
      %shift_right_logical3A_1889 = arith.shrui %add3A_1882, %shift_right_logical3A_1888 : vector<16xi32>
      %or3A_1890 = arith.ori %shift_left3A_1886, %shift_right_logical3A_1889 : vector<16xi32>
      %xor3A_1891 = arith.xori %or3A_1890, %add3A_1883 : vector<16xi32>
      %add3A_1892 = arith.addi %add3A_1883, %xor3A_1891 : vector<16xi32>
      %shift_left3A_1893 = arith.constant 29 : i32
      %shift_left3A_1894 = vector.broadcast %shift_left3A_1893 : i32 to vector<16xi32>
      %shift_left3A_1895 = arith.shli %xor3A_1891, %shift_left3A_1894 : vector<16xi32>
      %shift_right_logical3A_1896 = arith.constant 3 : i32
      %shift_right_logical3A_1897 = vector.broadcast %shift_right_logical3A_1896 : i32 to vector<16xi32>
      %shift_right_logical3A_1898 = arith.shrui %xor3A_1891, %shift_right_logical3A_1897 : vector<16xi32>
      %or3A_1899 = arith.ori %shift_left3A_1895, %shift_right_logical3A_1898 : vector<16xi32>
      %xor3A_1900 = arith.xori %or3A_1899, %add3A_1892 : vector<16xi32>
      %add3A_1901 = arith.addi %add3A_1892, %xor3A_1900 : vector<16xi32>
      %shift_left3A_1902 = arith.constant 16 : i32
      %shift_left3A_1903 = vector.broadcast %shift_left3A_1902 : i32 to vector<16xi32>
      %shift_left3A_1904 = arith.shli %xor3A_1900, %shift_left3A_1903 : vector<16xi32>
      %shift_right_logical3A_1905 = arith.constant 16 : i32
      %shift_right_logical3A_1906 = vector.broadcast %shift_right_logical3A_1905 : i32 to vector<16xi32>
      %shift_right_logical3A_1907 = arith.shrui %xor3A_1900, %shift_right_logical3A_1906 : vector<16xi32>
      %or3A_1908 = arith.ori %shift_left3A_1904, %shift_right_logical3A_1907 : vector<16xi32>
      %xor3A_1909 = arith.xori %or3A_1908, %add3A_1901 : vector<16xi32>
      %add3A_1910 = arith.addi %add3A_1901, %xor3A_1909 : vector<16xi32>
      %shift_left3A_1911 = arith.constant 24 : i32
      %shift_left3A_1912 = vector.broadcast %shift_left3A_1911 : i32 to vector<16xi32>
      %shift_left3A_1913 = arith.shli %xor3A_1909, %shift_left3A_1912 : vector<16xi32>
      %shift_right_logical3A_1914 = arith.constant 8 : i32
      %shift_right_logical3A_1915 = vector.broadcast %shift_right_logical3A_1914 : i32 to vector<16xi32>
      %shift_right_logical3A_1916 = arith.shrui %xor3A_1909, %shift_right_logical3A_1915 : vector<16xi32>
      %or3A_1917 = arith.ori %shift_left3A_1913, %shift_right_logical3A_1916 : vector<16xi32>
      %xor3A_1918 = arith.xori %or3A_1917, %add3A_1910 : vector<16xi32>
      %add3A_1919 = arith.constant 1 : i32
      %add3A_1920 = vector.broadcast %add3A_1919 : i32 to vector<16xi32>
      %add3A_1921 = arith.addi %add3A_1910, %add3A_1920 : vector<16xi32>
      %add3A_1922 = arith.constant 466688987 : i32
      %add3A_1923 = vector.broadcast %add3A_1922 : i32 to vector<16xi32>
      %add3A_1924 = arith.addi %xor3A_1918, %add3A_1923 : vector<16xi32>
      %add3A_1925 = arith.constant 4 : i32
      %add3A_1926 = vector.broadcast %add3A_1925 : i32 to vector<16xi32>
      %add3A_1927 = arith.addi %add3A_1924, %add3A_1926 : vector<16xi32>
      %add3A_1928 = arith.addi %add3A_1921, %add3A_1927 : vector<16xi32>
      %shift_left3A_1929 = arith.constant 13 : i32
      %shift_left3A_1930 = vector.broadcast %shift_left3A_1929 : i32 to vector<16xi32>
      %shift_left3A_1931 = arith.shli %add3A_1927, %shift_left3A_1930 : vector<16xi32>
      %shift_right_logical3A_1932 = arith.constant 19 : i32
      %shift_right_logical3A_1933 = vector.broadcast %shift_right_logical3A_1932 : i32 to vector<16xi32>
      %shift_right_logical3A_1934 = arith.shrui %add3A_1927, %shift_right_logical3A_1933 : vector<16xi32>
      %or3A_1935 = arith.ori %shift_left3A_1931, %shift_right_logical3A_1934 : vector<16xi32>
      %xor3A_1936 = arith.xori %or3A_1935, %add3A_1928 : vector<16xi32>
      %add3A_1937 = arith.addi %add3A_1928, %xor3A_1936 : vector<16xi32>
      %shift_left3A_1938 = arith.constant 15 : i32
      %shift_left3A_1939 = vector.broadcast %shift_left3A_1938 : i32 to vector<16xi32>
      %shift_left3A_1940 = arith.shli %xor3A_1936, %shift_left3A_1939 : vector<16xi32>
      %shift_right_logical3A_1941 = arith.constant 17 : i32
      %shift_right_logical3A_1942 = vector.broadcast %shift_right_logical3A_1941 : i32 to vector<16xi32>
      %shift_right_logical3A_1943 = arith.shrui %xor3A_1936, %shift_right_logical3A_1942 : vector<16xi32>
      %or3A_1944 = arith.ori %shift_left3A_1940, %shift_right_logical3A_1943 : vector<16xi32>
      %xor3A_1945 = arith.xori %or3A_1944, %add3A_1937 : vector<16xi32>
      %add3A_1946 = arith.addi %add3A_1937, %xor3A_1945 : vector<16xi32>
      %shift_left3A_1947 = arith.constant 26 : i32
      %shift_left3A_1948 = vector.broadcast %shift_left3A_1947 : i32 to vector<16xi32>
      %shift_left3A_1949 = arith.shli %xor3A_1945, %shift_left3A_1948 : vector<16xi32>
      %shift_right_logical3A_1950 = arith.constant 6 : i32
      %shift_right_logical3A_1951 = vector.broadcast %shift_right_logical3A_1950 : i32 to vector<16xi32>
      %shift_right_logical3A_1952 = arith.shrui %xor3A_1945, %shift_right_logical3A_1951 : vector<16xi32>
      %or3A_1953 = arith.ori %shift_left3A_1949, %shift_right_logical3A_1952 : vector<16xi32>
      %xor3A_1954 = arith.xori %or3A_1953, %add3A_1946 : vector<16xi32>
      %add3A_1955 = arith.addi %add3A_1946, %xor3A_1954 : vector<16xi32>
      %shift_left3A_1956 = arith.constant 6 : i32
      %shift_left3A_1957 = vector.broadcast %shift_left3A_1956 : i32 to vector<16xi32>
      %shift_left3A_1958 = arith.shli %xor3A_1954, %shift_left3A_1957 : vector<16xi32>
      %shift_right_logical3A_1959 = arith.constant 26 : i32
      %shift_right_logical3A_1960 = vector.broadcast %shift_right_logical3A_1959 : i32 to vector<16xi32>
      %shift_right_logical3A_1961 = arith.shrui %xor3A_1954, %shift_right_logical3A_1960 : vector<16xi32>
      %or3A_1962 = arith.ori %shift_left3A_1958, %shift_right_logical3A_1961 : vector<16xi32>
      %xor3A_1963 = arith.xori %or3A_1962, %add3A_1955 : vector<16xi32>
      %add3A_1964 = arith.constant 466688987 : i32
      %add3A_1965 = vector.broadcast %add3A_1964 : i32 to vector<16xi32>
      %add3A_1966 = arith.addi %add3A_1955, %add3A_1965 : vector<16xi32>
      %add3A_1967 = arith.constant 0 : i32
      %add3A_1968 = vector.broadcast %add3A_1967 : i32 to vector<16xi32>
      %add3A_1969 = arith.addi %xor3A_1963, %add3A_1968 : vector<16xi32>
      %add3A_1970 = arith.constant 5 : i32
      %add3A_1971 = vector.broadcast %add3A_1970 : i32 to vector<16xi32>
      %add3A_1972 = arith.addi %add3A_1969, %add3A_1971 : vector<16xi32>
      %xor3A_1973 = arith.xori %add3A_1966, %add3A_1972 : vector<16xi32>
      %mul3A_1974 = arith.constant 16 : i32
      %mul3A_1975 = arith.muli %scan3A_12, %mul3A_1974 : i32
      %swap3A_1976 = arith.constant 7 : i32
      %swap3A_1977 = arith.index_cast %swap3A_1976 : i32 to index
      %swap3A_1978 = arith.index_cast %mul3A_1975 : i32 to index
      %swap3A_1979 = tpu.vector_load %arg3[%swap3A_1977, %swap3A_1978] {strides = array<i32>} : memref<8x1024xi32, #tpu.memory_space<vmem>>, vector<1x16xi32>,
      %swap3A_1980 = vector.shape_cast %swap3A_1979 : vector<1x16xi32> to vector<16xi32>
      %swap3A_1981 = vector.shape_cast %xor3A_1973 : vector<16xi32> to vector<1x16xi32>
      tpu.vector_store %arg3[%swap3A_1977, %swap3A_1978], %swap3A_1981 {strides = array<i32>} : memref<8x1024xi32, #tpu.memory_space<vmem>>, vector<1x16xi32>,
      %scan3A_1982 = arith.constant 0 : i32
      scf.yield %scan3A_1982 : i32
    }
    %scan3A_9 = arith.constant 64 : i32
    %mul3A_10 = arith.constant 1024 : i32
    %mul3A_11 = arith.muli %add3A, %mul3A_10 : i32
    "tpu.region"() ({
      %run_scoped3A = tpu.sem_alloc : memref<!tpu.dma_semaphore, #tpu.memory_space<semaphore_mem>>
      %dma_start3A = arith.constant 0 : i32
      %dma_start3A_12 = tpu.memref_slice %arg2[%dma_start3A, %mul3A_11] : memref<8x32768xi32, #tpu.memory_space<hbm>> -> memref<8x1024xi32, #tpu.memory_space<hbm>>
      %dma_start3A_13 = arith.constant 0 : i32
      %dma_start3A_14 = tpu.memref_slice %arg2[%dma_start3A_13, %mul3A_11] : memref<8x32768xi32, #tpu.memory_space<hbm>> -> memref<8x1024xi32, #tpu.memory_space<hbm>>
      tpu.enqueue_dma source(%arg3 : memref<8x1024xi32, #tpu.memory_space<vmem>>) target(%dma_start3A_14 : memref<8x1024xi32, #tpu.memory_space<hbm>>) target_semaphore(%run_scoped3A : memref<!tpu.dma_semaphore, #tpu.memory_space<semaphore_mem>>)
      %dma_wait3A = arith.constant 0 : i32
      %dma_wait3A_15 = tpu.memref_slice %arg2[%dma_wait3A, %mul3A_11] : memref<8x32768xi32, #tpu.memory_space<hbm>> -> memref<8x1024xi32, #tpu.memory_space<hbm>>
      %dma_wait3A_16 = arith.constant 0 : i32
      %dma_wait3A_17 = tpu.memref_slice %arg2[%dma_wait3A_16, %mul3A_11] : memref<8x32768xi32, #tpu.memory_space<hbm>> -> memref<8x1024xi32, #tpu.memory_space<hbm>>
      tpu.wait_dma2 semaphore(%run_scoped3A : memref<!tpu.dma_semaphore, #tpu.memory_space<semaphore_mem>>) src(%arg3 : memref<8x1024xi32, #tpu.memory_space<vmem>>) dst(%dma_wait3A_17 : memref<8x1024xi32, #tpu.memory_space<hbm>>)
      tpu.yield
    }) : () -> ()
    return
  }
}

module attributes {stable_mosaic.version = 14 : i64} {
  func.func @_moe_block(%arg0: i32, %arg1: memref<13x8192xf32, #tpu.memory_space<vmem>>, %arg2: memref<8x8192xi32, #tpu.memory_space<vmem>>, %arg3: memref<96x14xf32, #tpu.memory_space<vmem>>, %arg4: memref<80x8xf32, #tpu.memory_space<vmem>>, %arg5: memref<13x88xf32, #tpu.memory_space<vmem>>, %arg6: memref<13x8192xf32, #tpu.memory_space<vmem>>) attributes {dimension_semantics = [#tpu.dimension_semantics<arbitrary>], iteration_bounds = array<i64: 4>, scalar_prefetch = 0 : i64, scratch_operands = 0 : i64, tpu.core_type = #tpu.core_type<tc>, window_params = [{transform_indices = @transform_0, window_bounds = array<i64: 13, 8192>}, {transform_indices = @transform_1, window_bounds = array<i64: 8, 8192>}, {pipeline_mode = #tpu.pipeline_mode<synchronous>, transform_indices = @transform_2, window_bounds = array<i64: 96, 14>}, {pipeline_mode = #tpu.pipeline_mode<synchronous>, transform_indices = @transform_3, window_bounds = array<i64: 80, 8>}, {pipeline_mode = #tpu.pipeline_mode<synchronous>, transform_indices = @transform_4, window_bounds = array<i64: 13, 88>}, {transform_indices = @transform_5, window_bounds = array<i64: 13, 8192>}]} {
    %get3A = arith.constant 0 : index
    %get3A_0 = arith.constant 0 : index
    %get3A_1 = vector.load %arg1[%get3A, %get3A_0] : memref<13x8192xf32, #tpu.memory_space<vmem>>, vector<13x8192xf32>
    %broadcast_in_dim3A = arith.constant 1.000000e+00 : f32
    %broadcast_in_dim3A_2 = vector.broadcast %broadcast_in_dim3A : f32 to vector<1x8192xf32>
    %concatenate3A = tpu.concatenate %get3A_1, %broadcast_in_dim3A_2 in 0 : vector<13x8192xf32>, vector<1x8192xf32> -> vector<14x8192xf32>
    %get3A_3 = arith.constant 0 : index
    %get3A_4 = arith.constant 0 : index
    %get3A_5 = vector.load %arg3[%get3A_3, %get3A_4] : memref<96x14xf32, #tpu.memory_space<vmem>>, vector<96x14xf32>
    %dot_general3A = arith.constant dense<0.000000e+00> : vector<96x8192xf32>
    %dot_general3A_6 = tpu.matmul %get3A_5, %concatenate3A, %dot_general3A {dimension_numbers = #tpu.dot_dimension_numbers<[1], [0], [0], [1], [0, 0, 1, 1], [], []>, transpose_lhs_hint = false} : vector<96x14xf32>, vector<14x8192xf32>, vector<96x8192xf32> -> vector<96x8192xf32>
    %slice3A = vector.extract_strided_slice %dot_general3A_6 {offsets = [0, 0], sizes = [80, 8192], strides = [1, 1]} : vector<96x8192xf32> to vector<80x8192xf32>
    %max3A = arith.constant 0.000000e+00 : f32
    %max3A_7 = vector.broadcast %max3A : f32 to vector<80x8192xf32>
    %max3A_8 = arith.maximumf %slice3A, %max3A_7 : vector<80x8192xf32>
    %slice3A_9 = vector.extract_strided_slice %dot_general3A_6 {offsets = [80, 0], sizes = [8, 8192], strides = [1, 1]} : vector<96x8192xf32> to vector<8x8192xf32>
    %slice3A_10 = vector.extract_strided_slice %dot_general3A_6 {offsets = [88, 0], sizes = [8, 8192], strides = [1, 1]} : vector<96x8192xf32> to vector<8x8192xf32>
    %get3A_11 = arith.constant 0 : index
    %get3A_12 = arith.constant 0 : index
    %get3A_13 = vector.load %arg2[%get3A_11, %get3A_12] : memref<8x8192xi32, #tpu.memory_space<vmem>>, vector<8x8192xi32>
    %shift_right_logical3A = arith.constant 9 : i32
    %shift_right_logical3A_14 = vector.broadcast %shift_right_logical3A : i32 to vector<8x8192xi32>
    %shift_right_logical3A_15 = arith.shrui %get3A_13, %shift_right_logical3A_14 : vector<8x8192xi32>
    %or3A = arith.constant 1065353216 : i32
    %or3A_16 = vector.broadcast %or3A : i32 to vector<8x8192xi32>
    %or3A_17 = arith.ori %shift_right_logical3A_15, %or3A_16 : vector<8x8192xi32>
    %bitcast_convert_type3A = tpu.bitcast %or3A_17 : vector<8x8192xi32> -> vector<8x8192xf32>
    %sub3A = arith.constant 1.000000e+00 : f32
    %sub3A_18 = vector.broadcast %sub3A : f32 to vector<8x8192xf32>
    %sub3A_19 = arith.subf %bitcast_convert_type3A, %sub3A_18 : vector<8x8192xf32>
    %mul3A = arith.constant 2.000000e+00 : f32
    %mul3A_20 = vector.broadcast %mul3A : f32 to vector<8x8192xf32>
    %mul3A_21 = arith.mulf %sub3A_19, %mul3A_20 : vector<8x8192xf32>
    %add3A = arith.constant -0.99999994 : f32
    %add3A_22 = vector.broadcast %add3A : f32 to vector<8x8192xf32>
    %add3A_23 = arith.addf %mul3A_21, %add3A_22 : vector<8x8192xf32>
    %max3A_24 = arith.constant -0.99999994 : f32
    %max3A_25 = vector.broadcast %max3A_24 : f32 to vector<8x8192xf32>
    %max3A_26 = arith.maximumf %max3A_25, %add3A_23 : vector<8x8192xf32>
    %neg3A = arith.constant 0.000000e+00 : f32
    %neg3A_27 = vector.broadcast %neg3A : f32 to vector<8x8192xf32>
    %neg3A_28 = arith.subf %neg3A_27, %max3A_26 : vector<8x8192xf32>
    %mul3A_29 = arith.mulf %neg3A_28, %max3A_26 : vector<8x8192xf32>
    %log1p3A = math.log1p %mul3A_29 : vector<8x8192xf32>
    %neg3A_30 = arith.constant 0.000000e+00 : f32
    %neg3A_31 = vector.broadcast %neg3A_30 : f32 to vector<8x8192xf32>
    %neg3A_32 = arith.subf %neg3A_31, %log1p3A : vector<8x8192xf32>
    %lt3A = arith.constant 5.000000e+00 : f32
    %lt3A_33 = vector.broadcast %lt3A : f32 to vector<8x8192xf32>
    %lt3A_34 = arith.cmpf olt, %neg3A_32, %lt3A_33 : vector<8x8192xf32>
    %sub3A_35 = arith.constant 2.500000e+00 : f32
    %sub3A_36 = vector.broadcast %sub3A_35 : f32 to vector<8x8192xf32>
    %sub3A_37 = arith.subf %neg3A_32, %sub3A_36 : vector<8x8192xf32>
    %sqrt3A = math.sqrt %neg3A_32 : vector<8x8192xf32>
    %sub3A_38 = arith.constant 3.000000e+00 : f32
    %sub3A_39 = vector.broadcast %sub3A_38 : f32 to vector<8x8192xf32>
    %sub3A_40 = arith.subf %sqrt3A, %sub3A_39 : vector<8x8192xf32>
    %mul3A_41 = arith.constant 2.81022636E-8 : f32
    %mul3A_42 = vector.broadcast %mul3A_41 : f32 to vector<8x8192xf32>
    %mul3A_43 = arith.mulf %mul3A_42, %sub3A_37 : vector<8x8192xf32>
    %add3A_44 = arith.constant 3.43273939E-7 : f32
    %add3A_45 = vector.broadcast %add3A_44 : f32 to vector<8x8192xf32>
    %add3A_46 = arith.addf %mul3A_43, %add3A_45 : vector<8x8192xf32>
    %mul3A_47 = arith.constant -2.00214257E-4 : f32
    %mul3A_48 = vector.broadcast %mul3A_47 : f32 to vector<8x8192xf32>
    %mul3A_49 = arith.mulf %mul3A_48, %sub3A_40 : vector<8x8192xf32>
    %add3A_50 = arith.constant 1.00950558E-4 : f32
    %add3A_51 = vector.broadcast %add3A_50 : f32 to vector<8x8192xf32>
    %add3A_52 = arith.addf %mul3A_49, %add3A_51 : vector<8x8192xf32>
    %mul3A_53 = arith.mulf %add3A_46, %sub3A_37 : vector<8x8192xf32>
    %add3A_54 = arith.constant -3.5233877E-6 : f32
    %add3A_55 = vector.broadcast %add3A_54 : f32 to vector<8x8192xf32>
    %add3A_56 = arith.addf %mul3A_53, %add3A_55 : vector<8x8192xf32>
    %mul3A_57 = arith.mulf %add3A_52, %sub3A_40 : vector<8x8192xf32>
    %add3A_58 = arith.constant 0.00134934322 : f32
    %add3A_59 = vector.broadcast %add3A_58 : f32 to vector<8x8192xf32>
    %add3A_60 = arith.addf %mul3A_57, %add3A_59 : vector<8x8192xf32>
    %mul3A_61 = arith.mulf %add3A_56, %sub3A_37 : vector<8x8192xf32>
    %add3A_62 = arith.constant -4.39150654E-6 : f32
    %add3A_63 = vector.broadcast %add3A_62 : f32 to vector<8x8192xf32>
    %add3A_64 = arith.addf %mul3A_61, %add3A_63 : vector<8x8192xf32>
    %mul3A_65 = arith.mulf %add3A_60, %sub3A_40 : vector<8x8192xf32>
    %add3A_66 = arith.constant -0.00367342844 : f32
    %add3A_67 = vector.broadcast %add3A_66 : f32 to vector<8x8192xf32>
    %add3A_68 = arith.addf %mul3A_65, %add3A_67 : vector<8x8192xf32>
    %mul3A_69 = arith.mulf %add3A_64, %sub3A_37 : vector<8x8192xf32>
    %add3A_70 = arith.constant 2.1858087E-4 : f32
    %add3A_71 = vector.broadcast %add3A_70 : f32 to vector<8x8192xf32>
    %add3A_72 = arith.addf %mul3A_69, %add3A_71 : vector<8x8192xf32>
    %mul3A_73 = arith.mulf %add3A_68, %sub3A_40 : vector<8x8192xf32>
    %add3A_74 = arith.constant 0.00573950773 : f32
    %add3A_75 = vector.broadcast %add3A_74 : f32 to vector<8x8192xf32>
    %add3A_76 = arith.addf %mul3A_73, %add3A_75 : vector<8x8192xf32>
    %mul3A_77 = arith.mulf %add3A_72, %sub3A_37 : vector<8x8192xf32>
    %add3A_78 = arith.constant -0.00125372503 : f32
    %add3A_79 = vector.broadcast %add3A_78 : f32 to vector<8x8192xf32>
    %add3A_80 = arith.addf %mul3A_77, %add3A_79 : vector<8x8192xf32>
    %mul3A_81 = arith.mulf %add3A_76, %sub3A_40 : vector<8x8192xf32>
    %add3A_82 = arith.constant -0.0076224613 : f32
    %add3A_83 = vector.broadcast %add3A_82 : f32 to vector<8x8192xf32>
    %add3A_84 = arith.addf %mul3A_81, %add3A_83 : vector<8x8192xf32>
    %mul3A_85 = arith.mulf %add3A_80, %sub3A_37 : vector<8x8192xf32>
    %add3A_86 = arith.constant -0.00417768164 : f32
    %add3A_87 = vector.broadcast %add3A_86 : f32 to vector<8x8192xf32>
    %add3A_88 = arith.addf %mul3A_85, %add3A_87 : vector<8x8192xf32>
    %mul3A_89 = arith.mulf %add3A_84, %sub3A_40 : vector<8x8192xf32>
    %add3A_90 = arith.constant 0.00943887047 : f32
    %add3A_91 = vector.broadcast %add3A_90 : f32 to vector<8x8192xf32>
    %add3A_92 = arith.addf %mul3A_89, %add3A_91 : vector<8x8192xf32>
    %mul3A_93 = arith.mulf %add3A_88, %sub3A_37 : vector<8x8192xf32>
    %add3A_94 = arith.constant 0.246640727 : f32
    %add3A_95 = vector.broadcast %add3A_94 : f32 to vector<8x8192xf32>
    %add3A_96 = arith.addf %mul3A_93, %add3A_95 : vector<8x8192xf32>
    %mul3A_97 = arith.mulf %add3A_92, %sub3A_40 : vector<8x8192xf32>
    %add3A_98 = arith.constant 1.00167406 : f32
    %add3A_99 = vector.broadcast %add3A_98 : f32 to vector<8x8192xf32>
    %add3A_100 = arith.addf %mul3A_97, %add3A_99 : vector<8x8192xf32>
    %mul3A_101 = arith.mulf %add3A_96, %sub3A_37 : vector<8x8192xf32>
    %add3A_102 = arith.constant 1.50140941 : f32
    %add3A_103 = vector.broadcast %add3A_102 : f32 to vector<8x8192xf32>
    %add3A_104 = arith.addf %mul3A_101, %add3A_103 : vector<8x8192xf32>
    %mul3A_105 = arith.mulf %add3A_100, %sub3A_40 : vector<8x8192xf32>
    %add3A_106 = arith.constant 2.83297682 : f32
    %add3A_107 = vector.broadcast %add3A_106 : f32 to vector<8x8192xf32>
    %add3A_108 = arith.addf %mul3A_105, %add3A_107 : vector<8x8192xf32>
    %select_n3A = arith.select %lt3A_34, %add3A_104, %add3A_108 : vector<8x8192xi1>, vector<8x8192xf32>
    %mul3A_109 = arith.mulf %select_n3A, %max3A_26 : vector<8x8192xf32>
    %mul3A_110 = arith.constant 1.41421354 : f32
    %mul3A_111 = vector.broadcast %mul3A_110 : f32 to vector<8x8192xf32>
    %mul3A_112 = arith.mulf %mul3A_111, %mul3A_109 : vector<8x8192xf32>
    %custom_jvp_call3A = arith.constant 0.000000e+00 : f32
    %max3A_113 = vector.broadcast %custom_jvp_call3A : f32 to vector<8x8192xf32>
    %max3A_114 = arith.maximumf %slice3A_10, %max3A_113 : vector<8x8192xf32>
    %sub3A_115 = vector.broadcast %custom_jvp_call3A : f32 to vector<8x8192xf32>
    %sub3A_116 = arith.subf %slice3A_10, %sub3A_115 : vector<8x8192xf32>
    %ne3A = arith.cmpf one, %sub3A_116, %sub3A_116 : vector<8x8192xf32>
    %add3A_117 = vector.broadcast %custom_jvp_call3A : f32 to vector<8x8192xf32>
    %add3A_118 = arith.addf %slice3A_10, %add3A_117 : vector<8x8192xf32>
    %abs3A = math.absf %sub3A_116 : vector<8x8192xf32>
    %neg3A_119 = arith.constant 0.000000e+00 : f32
    %neg3A_120 = vector.broadcast %neg3A_119 : f32 to vector<8x8192xf32>
    %neg3A_121 = arith.subf %neg3A_120, %abs3A : vector<8x8192xf32>
    %exp3A = math.exp %neg3A_121 : vector<8x8192xf32>
    %log1p3A_122 = math.log1p %exp3A : vector<8x8192xf32>
    %add3A_123 = arith.addf %max3A_114, %log1p3A_122 : vector<8x8192xf32>
    %select_n3A_124 = arith.select %ne3A, %add3A_118, %add3A_123 : vector<8x8192xi1>, vector<8x8192xf32>
    %mul3A_125 = arith.mulf %mul3A_112, %select_n3A_124 : vector<8x8192xf32>
    %add3A_126 = arith.addf %slice3A_9, %mul3A_125 : vector<8x8192xf32>
    %iota3A = tpu.iota {dimensions = array<i32: 0>} : vector<8x8192xi32>
    %reduce_max3A = arith.constant dense<0xFF800000> : vector<8192xf32>
    %reduce_max3A_127 = vector.multi_reduction <maximumf>, %add3A_126, %reduce_max3A [0] : vector<8x8192xf32> to vector<8192xf32>
    %broadcast_in_dim3A_128 = vector.shape_cast %reduce_max3A_127 : vector<8192xf32> to vector<1x8192xf32>
    %eq3A = vector.broadcast %broadcast_in_dim3A_128 : vector<1x8192xf32> to vector<8x8192xf32>
    %eq3A_129 = arith.cmpf oeq, %add3A_126, %eq3A : vector<8x8192xf32>
    %jit3A = arith.constant 8 : i32
    %broadcast_in_dim3A_130 = vector.broadcast %jit3A : i32 to vector<8x8192xi32>
    %select_n3A_131 = arith.select %eq3A_129, %iota3A, %broadcast_in_dim3A_130 : vector<8x8192xi1>, vector<8x8192xi32>
    %reduce_min3A = arith.constant dense<2147483647> : vector<8192xi32>
    %reduce_min3A_132 = vector.multi_reduction <minsi>, %select_n3A_131, %reduce_min3A [0] : vector<8x8192xi32> to vector<8192xi32>
    %broadcast_in_dim3A_133 = vector.shape_cast %reduce_min3A_132 : vector<8192xi32> to vector<1x8192xi32>
    %eq3A_134 = vector.broadcast %broadcast_in_dim3A_133 : vector<1x8192xi32> to vector<8x8192xi32>
    %eq3A_135 = arith.cmpi eq, %iota3A, %eq3A_134 : vector<8x8192xi32>
    %jit3A_136 = arith.constant 0xFF800000 : f32
    %broadcast_in_dim3A_137 = vector.broadcast %jit3A_136 : f32 to vector<8x8192xf32>
    %select_n3A_138 = arith.select %eq3A_135, %broadcast_in_dim3A_137, %add3A_126 : vector<8x8192xi1>, vector<8x8192xf32>
    %reduce_max3A_139 = arith.constant dense<0xFF800000> : vector<8192xf32>
    %reduce_max3A_140 = vector.multi_reduction <maximumf>, %select_n3A_138, %reduce_max3A_139 [0] : vector<8x8192xf32> to vector<8192xf32>
    %broadcast_in_dim3A_141 = vector.shape_cast %reduce_max3A_140 : vector<8192xf32> to vector<1x8192xf32>
    %eq3A_142 = vector.broadcast %broadcast_in_dim3A_141 : vector<1x8192xf32> to vector<8x8192xf32>
    %eq3A_143 = arith.cmpf oeq, %select_n3A_138, %eq3A_142 : vector<8x8192xf32>
    %jit3A_144 = arith.constant 8 : i32
    %broadcast_in_dim3A_145 = vector.broadcast %jit3A_144 : i32 to vector<8x8192xi32>
    %select_n3A_146 = arith.select %eq3A_143, %iota3A, %broadcast_in_dim3A_145 : vector<8x8192xi1>, vector<8x8192xi32>
    %reduce_min3A_147 = arith.constant dense<2147483647> : vector<8192xi32>
    %reduce_min3A_148 = vector.multi_reduction <minsi>, %select_n3A_146, %reduce_min3A_147 [0] : vector<8x8192xi32> to vector<8192xi32>
    %broadcast_in_dim3A_149 = vector.shape_cast %reduce_min3A_148 : vector<8192xi32> to vector<1x8192xi32>
    %eq3A_150 = vector.broadcast %broadcast_in_dim3A_149 : vector<1x8192xi32> to vector<8x8192xi32>
    %eq3A_151 = arith.cmpi eq, %iota3A, %eq3A_150 : vector<8x8192xi32>
    %or3A_152 = arith.ori %eq3A_135, %eq3A_151 : vector<8x8192xi1>
    %sub3A_153 = vector.broadcast %broadcast_in_dim3A_128 : vector<1x8192xf32> to vector<8x8192xf32>
    %sub3A_154 = arith.subf %add3A_126, %sub3A_153 : vector<8x8192xf32>
    %exp3A_155 = math.exp %sub3A_154 : vector<8x8192xf32>
    %jit3A_156 = arith.constant 0.000000e+00 : f32
    %broadcast_in_dim3A_157 = vector.broadcast %jit3A_156 : f32 to vector<8x8192xf32>
    %select_n3A_158 = arith.select %or3A_152, %exp3A_155, %broadcast_in_dim3A_157 : vector<8x8192xi1>, vector<8x8192xf32>
    %reduce_sum3A = arith.constant dense<0.000000e+00> : vector<8192xf32>
    %reduce_sum3A_159 = vector.multi_reduction <add>, %select_n3A_158, %reduce_sum3A [0] : vector<8x8192xf32> to vector<8192xf32>
    %broadcast_in_dim3A_160 = vector.shape_cast %reduce_sum3A_159 : vector<8192xf32> to vector<1x8192xf32>
    %div3A = vector.broadcast %broadcast_in_dim3A_160 : vector<1x8192xf32> to vector<8x8192xf32>
    %div3A_161 = arith.divf %select_n3A_158, %div3A : vector<8x8192xf32>
    %get3A_162 = arith.constant 0 : index
    %get3A_163 = arith.constant 0 : index
    %get3A_164 = vector.load %arg4[%get3A_162, %get3A_163] : memref<80x8xf32, #tpu.memory_space<vmem>>, vector<80x8xf32>
    %dot_general3A_165 = arith.constant dense<0.000000e+00> : vector<80x8192xf32>
    %dot_general3A_166 = tpu.matmul %get3A_164, %div3A_161, %dot_general3A_165 {dimension_numbers = #tpu.dot_dimension_numbers<[1], [0], [0], [1], [0, 0, 1, 1], [], []>, transpose_lhs_hint = false} : vector<80x8xf32>, vector<8x8192xf32>, vector<80x8192xf32> -> vector<80x8192xf32>
    %mul3A_167 = arith.mulf %max3A_8, %dot_general3A_166 : vector<80x8192xf32>
    %concatenate3A_168 = tpu.concatenate %mul3A_167, %div3A_161 in 0 : vector<80x8192xf32>, vector<8x8192xf32> -> vector<88x8192xf32>
    %get3A_169 = arith.constant 0 : index
    %get3A_170 = arith.constant 0 : index
    %get3A_171 = vector.load %arg5[%get3A_169, %get3A_170] : memref<13x88xf32, #tpu.memory_space<vmem>>, vector<13x88xf32>
    %dot_general3A_172 = arith.constant dense<0.000000e+00> : vector<13x8192xf32>
    %dot_general3A_173 = tpu.matmul %get3A_171, %concatenate3A_168, %dot_general3A_172 {dimension_numbers = #tpu.dot_dimension_numbers<[1], [0], [0], [1], [0, 0, 1, 1], [], []>, transpose_lhs_hint = false} : vector<13x88xf32>, vector<88x8192xf32>, vector<13x8192xf32> -> vector<13x8192xf32>
    %swap3A = arith.constant 0 : index
    %swap3A_174 = arith.constant 0 : index
    %swap3A_175 = vector.load %arg6[%swap3A, %swap3A_174] : memref<13x8192xf32, #tpu.memory_space<vmem>>, vector<13x8192xf32>
    tpu.vector_store %arg6[%swap3A, %swap3A_174], %dot_general3A_173 {strides = array<i32>} : memref<13x8192xf32, #tpu.memory_space<vmem>>, vector<13x8192xf32>,
    return
  }
  func.func @transform_0(%arg0: i32) -> (i32, i32) {
    %c0_i32 = arith.constant 0 : i32
    %c0_i32_0 = arith.constant 0 : i32
    return %c0_i32, %arg0 : i32, i32
  }
  func.func @transform_1(%arg0: i32) -> (i32, i32) {
    %c0_i32 = arith.constant 0 : i32
    %c0_i32_0 = arith.constant 0 : i32
    return %c0_i32, %arg0 : i32, i32
  }
  func.func @transform_2(%arg0: i32) -> (i32, i32) {
    %c0_i32 = arith.constant 0 : i32
    %c0_i32_0 = arith.constant 0 : i32
    %c0_i32_1 = arith.constant 0 : i32
    return %c0_i32, %c0_i32_0 : i32, i32
  }
  func.func @transform_3(%arg0: i32) -> (i32, i32) {
    %c0_i32 = arith.constant 0 : i32
    %c0_i32_0 = arith.constant 0 : i32
    %c0_i32_1 = arith.constant 0 : i32
    return %c0_i32, %c0_i32_0 : i32, i32
  }
  func.func @transform_4(%arg0: i32) -> (i32, i32) {
    %c0_i32 = arith.constant 0 : i32
    %c0_i32_0 = arith.constant 0 : i32
    %c0_i32_1 = arith.constant 0 : i32
    return %c0_i32, %c0_i32_0 : i32, i32
  }
  func.func @transform_5(%arg0: i32) -> (i32, i32) {
    %c0_i32 = arith.constant 0 : i32
    %c0_i32_0 = arith.constant 0 : i32
    return %c0_i32, %arg0 : i32, i32
  }
}

</mosaic_0001>

<sc_bundles>
// kernel: _moe.4.cloned.1.call-start
scs
__scs_entry_jumppad:
0x0: {  	(pc) =	sbr.rel $0x88, $3  }
0x1: {  	(tag) =	ssettag $0x0;
	lr =	simm.s32 $0x1  }
0x2: {  	[smem:$0x3F98] =	sst lr;
	_ =	strace $0xD0000000  }
0x3: {  	_ = 	snop  }
0x4: {  	_ = 	snop  }
0x5: {  	_ = 	snop  }
0x6: {  	_ = 	snop  }
0x7: {  	_ = 	snop  }
__scs_overlays_trampoline_lowered:
0x8: {  	[smem:$0x3FA7] =	sst s0  }
0x9: {  	[smem:$0x3FA8] =	sst s1  }
0xa: {  	[smem:$0x3FA9] =	sst s2  }
0xb: {  	[smem:$0x3FAA] =	sst s3  }
0xc: {  	[smem:$0x3FAB] =	sst s4  }
0xd: {  	[smem:$0x3FAC] =	sst s5  }
0xe: {  	[smem:$0x3FAD] =	sst s6  }
0xf: {  	[smem:$0x3FAE] =	sst s7  }
0x10: {  	[smem:$0x3FAF] =	sst s8  }
0x11: {  	[smem:$0x3FB0] =	sst s9;
	s0 =	simm.s32 @!p0 $0x0  }
0x12: {  	s1 =	sld [smem:$0x3F96];
	s0 =	simm.s32 @p0 $0x1  }
0x13: {  	[smem:$0x3FB1] =	sst s0;
	s0 =	simm.s32 @!p1 $0x0  }
0x14: {  	s2 =	sld [smem:$0x3F95];
	s0 =	simm.s32 @p1 $0x1  }
0x15: {  	[smem:$0x3FB2] =	sst s0;
	s0 =	simm.s32 @!p2 $0x0  }
0x16: {  	s3 =	sld [smem:$0x3FDB];
	s0 =	simm.s32 @p2 $0x1  }
0x17: {  	s4 =	simm.s32 $0x1BF5;
	[smem:$0x3FB4] =	sst s0  }
0x18: {  	s0 =	sld [smem:$0x3F97];
	_ =	swait.ge [sflag:s4], $0x0  }
0x19: {  	s7 =	sld [smem:$0x3F98]  }
0x1a: {  	s8 =	sadd.s32 $0xFFFFE003, lr  }
0x1b: {  	s9 =	sadd.s32 $0xFFFFFEF7, lr;
	s5 =	simm.s32 $0xFFFFFFFF;
	p2 =	slt.u32 s8, $0xFFFFF086  }
0x1c: {  	p1 =	slt.u32 s9, $0xF7A;
	s5 =	simm.s32 @!p2 $0x0  }
0x1d: {  	s5 =	simm.s32 @p1 $0x1;
	p0 =	seq.s32 s7, s2  }
0x1e: {  	s7 =	smul.u32 @!p0 $0xF7A, s2;
	p2 =	seq.s32 @!p0 s5, $0x0  }
0x1f: {  	s9 =	smul.u32 $0xF7A, s1;
	s8 =	simm.s32 @!p0 $0x1BF5;
	p2 =	por !p2, p0  }
0x20: {  	[sflag:s8] =	ssyncset.s32 @!p0 $0xFFFFF086;
	s6 =	sadd.s32 @!p0 s3, s7;
	s7 =	simm.s32 @!p0 $0x108  }
0x21: {  	s3 =	sadd.s32 s3, s9;
	s6 =	sadd.s32 @!p0 $0x88, s6;
	s7 =	simm.s32 @p2 $0x1082  }
0x22: {  	[simem:s7], [sflag:s8] =	dma.local @!p0 [hbm:s6], $0xF7A  }
0x23: {  	s9 =	sor.u32 $0xD0000000, s2;
	s6 =	simm.s32 $0x108;
	_ =	swait.ge @!p0 [sflag:s8], $0x0  }
0x24: {  	s3 =	sadd.s32 $0x88, s3;
	s6 =	simm.s32 @!p1 $0x1082;
	[sflag:s4] =	ssyncset.s32 $0xFFFFF086  }
0x25: {  	[simem:s6], [sflag:s4] =	dma.local [hbm:s3], $0xF7A  }
0x26: {  	[smem:$0x3F98] =	sst s1;
	(tag) =	ssettag s2;
	_ =	strace s9  }
0x27: {  	s1 =	sld [smem:$0x3FA8]  }
0x28: {  	s2 =	sld [smem:$0x3FA9]  }
0x29: {  	s4 =	sld [smem:$0x3FAB]  }
0x2a: {  	p0 =	seq.s32 s5, $0x0;
	s5 =	sld [smem:$0x3FAC]  }
0x2b: {  	s6 =	sld [smem:$0x3FAD]  }
0x2c: {  	s7 =	sld [smem:$0x3FAE]  }
0x2d: {  	s3 =	simm.s32 $0x108;
	s8 =	sld [smem:$0x3FAF]  }
0x2e: {  	s3 =	simm.s32 @!p0 $0x1082;
	s9 =	sld [smem:$0x3FB0]  }
0x2f: {  	lr =	sadd.s32 s0, s3;
	s0 =	sld [smem:$0x3FA7]  }
0x30: {  	s3 =	sld [smem:$0x3FAA]  }
0x31: {  	[smem:$0x3FB3] =	sst s10  }
0x32: {  	s10 =	sld [smem:$0x3FB1];
	_ =	sdelay $0x3  }
0x33: {  	p0 =	seq.s32 s10, $0x1;
	s10 =	sld [smem:$0x3FB3];
	_ =	sdelay $0x3  }
0x34: {  	[smem:$0x3FB3] =	sst s10  }
0x35: {  	s10 =	sld [smem:$0x3FB2];
	_ =	sdelay $0x3  }
0x36: {  	p1 =	seq.s32 s10, $0x1;
	s10 =	sld [smem:$0x3FB3];
	_ =	sdelay $0x3  }
0x37: {  	[smem:$0x3FB3] =	sst s10  }
0x38: {  	s10 =	sld [smem:$0x3FB4]  }
0x39: {  	_ = 	snop;
	(pc) =	sbr.ind lr, $3  }
0x3a: {  	_ = 	snop  }
0x3b: {  	_ = 	snop  }
0x3c: {  	p2 =	seq.s32 s10, $0x1;
	s10 =	sld [smem:$0x3FB3]  }
0x3d: {  	_ =	shalt  }
0x3e: {  	_ =	shalt  }
0x3f: {  	_ =	shalt  }
0x40: {  	_ =	shalt  }
0x41: {  	_ =	shalt  }
0x42: {  	_ =	shalt  }
0x43: {  	_ =	shalt  }
0x44: {  	_ =	shalt  }
0x45: {  	_ =	shalt  }
0x46: {  	_ =	shalt  }
0x47: {  	_ =	shalt  }
0x48: {  	_ =	shalt  }
0x49: {  	_ =	shalt  }
0x4a: {  	_ =	shalt  }
0x4b: {  	_ =	shalt  }
0x4c: {  	_ =	shalt  }
0x4d: {  	_ =	shalt  }
0x4e: {  	_ =	shalt  }
0x4f: {  	_ =	shalt  }
0x50: {  	_ =	shalt  }
0x51: {  	_ =	shalt  }
0x52: {  	_ =	shalt  }
0x53: {  	_ =	shalt  }
0x54: {  	_ =	shalt  }
0x55: {  	_ =	shalt  }
0x56: {  	_ =	shalt  }
0x57: {  	_ =	shalt  }
0x58: {  	_ =	shalt  }
0x59: {  	_ =	shalt  }
0x5a: {  	_ =	shalt  }
0x5b: {  	_ =	shalt  }
0x5c: {  	_ =	shalt  }
0x5d: {  	_ =	shalt  }
0x5e: {  	_ =	shalt  }
0x5f: {  	_ =	shalt  }
0x60: {  	_ =	shalt  }
0x61: {  	_ =	shalt  }
0x62: {  	_ =	shalt  }
0x63: {  	_ =	shalt  }
0x64: {  	_ =	shalt  }
0x65: {  	_ =	shalt  }
0x66: {  	_ =	shalt  }
0x67: {  	_ =	shalt  }
0x68: {  	_ =	shalt  }
0x69: {  	_ =	shalt  }
0x6a: {  	_ =	shalt  }
0x6b: {  	_ =	shalt  }
0x6c: {  	_ =	shalt  }
0x6d: {  	_ =	shalt  }
0x6e: {  	_ =	shalt  }
0x6f: {  	_ =	shalt  }
0x70: {  	_ =	shalt  }
0x71: {  	_ =	shalt  }
0x72: {  	_ =	shalt  }
0x73: {  	_ =	shalt  }
0x74: {  	_ =	shalt  }
0x75: {  	_ =	shalt  }
0x76: {  	_ =	shalt  }
0x77: {  	_ =	shalt  }
0x78: {  	_ =	shalt  }
0x79: {  	_ =	shalt  }
0x7a: {  	_ =	shalt  }
0x7b: {  	_ =	shalt  }
0x7c: {  	_ =	shalt  }
0x7d: {  	_ =	shalt  }
0x7e: {  	_ =	shalt  }
0x7f: {  	_ =	shalt  }
0x80: {  	_ =	shalt  }
0x81: {  	_ =	shalt  }
0x82: {  	_ =	shalt  }
0x83: {  	_ =	shalt  }
0x84: {  	_ =	shalt  }
0x85: {  	_ =	shalt  }
0x86: {  	_ =	shalt  }
0x87: {  	_ =	shalt  }
.Lfunc_end0:
.L_simem_size_0:
called_computation_lowered:
.L_overlay_start_0:
0x88: {  	s2 =	sld [smem:$0x3FD9]  }
0x89: {  	s3 =	sld [smem:$0x3FFE];
	_ =	sdelay $0x1  }
0x8a: {  	s1 =	srdreg.scid  }
0x8b: {  	s0 =	sand.u32 $0x1, s1  }
0x8c: {  	s18 =	sshll.u32 s0, $0xA;
	s2 =	sadd.s32 s3, s2  }
0x8d: {  	s2 =	sadd.s32 s2, s18  }
0x8e: {  	[smem:$0x3FBF] =	sst s2  }
0x8f: {  	_ = 	snop  }
0x90: {  	s2 =	sld [smem:$0x3FD0];
	(tm) =	ssettm $0x1  }
0x91: {  	s19 =	sld [smem:$0x3FFB];
	_ =	sdelay $0x3  }
0x92: {  	_ =	strace s19  }
0x93: {  	s3 =	sld [smem:$0x3FFC];
	_ =	sdelay $0x3  }
0x94: {  	_ =	strace s3  }
0x95: {  	s3 =	sld [smem:$0x3FFD];
	_ =	sdelay $0x3  }
0x96: {  	_ =	strace s3  }
0x97: {  	_ =	strace $0x8FFFFFFF  }
0x98: {  	s20 =	sld [smem:$0x3FDB];
	_ =	sdelay $0x1  }
0x99: {  	s4 =	simm.s32 $_scs_section_size  }
0x9a: {  	s5 =	simm.s32 $_size__tile_overlayer_lowered;
	s6 =	simm.s32 $_tile_overlayer_lowered  }
0x9b: {  	s23 =	simm.s32 $0x1BFF;
	s22 =	sshll.u32 s6, $0x1;
	s3 =	sadd.s32 s4, s20  }
0x9c: {  	s7 =	simm.s32 $0x0;
	s21 =	sshll.u32 s5, $0x1;
	s5 =	sadd.s32 s22, s3  }
0x9d: {  	[timem:s7], [sflag:s23] =	dma.local [hbm:s5], s21  }
0x9e: {  	_ =	swait.ge [sflag:s23], s21  }
0x9f: {  	s4 =	ssub.s32 $0x0, s21;
	[sflag:s23] =	ssyncset.done $0x0  }
0xa0: {  	[sflag:s23] =	ssyncadd.s32 s4;
	_ =	sdelay $0x1  }
0xa1: {  	s24 =	simm.s32 $0x1B8B  }
0xa2: {  	_ =	swait.ge [sflag:s24], $0x1  }
0xa3: {  	[sflag:s24] =	ssyncset.done $0x0  }
0xa4: {  	s25 =	simm.s32 $0x1B8E;
	[sflag:s24] =	ssyncadd.s32 $0xFFFFFFFF  }
0xa5: {  	s26 =	simm.s32 $execute0_lowered;
	[smem:$0x3FD2] =	sst s25  }
0xa6: {  	s4 =	sshll.u32 s26, $0x1;
	_ =	strace $0x80000046;
	[dreg:$0x1] =	wrdreg $0xFFFFFFFF  }
0xa7: {  	s28 =	simm.s32 $_size_execute0_lowered;
	s3 =	sadd.s32 s3, s4;
	[dreg:$0x0] =	wrdreg $0x0  }
0xa8: {  	s4 =	sshll.u32 s28, $0x1;
	[dreg:$0x2] =	wrdreg s3  }
0xa9: {  	[dreg:$0x3] =	wrdreg s4  }
0xaa: {  	[dreg:$0x4] =	wrdreg $0xC0  }
0xab: {  	_ =	task [dreg:s7], $0x5FFFF  }
0xac: {  	[dreg:$0x1] =	wrdreg $0xFFFFFFFF  }
0xad: {  	[dreg:$0x0] =	wrdreg $0x60  }
0xae: {  	[dreg:$0x2] =	wrdreg s2  }
0xaf: {  	[dreg:$0x3] =	wrdreg $0x9  }
0xb0: {  	_ =	task.clear_ibuf [dreg:s7], $0x4FFFF;
	_ =	strace $0x90000046  }
0xb1: {  	s29 =	simm.s32 $0x9;
	_ =	strace $0x80000048  }
0xb2: {  	_ =	swait.ge [sflag:s29], $0x1  }
0xb3: {  	[sflag:s29] =	ssyncadd.s32 $0xFFFFFFFF  }
0xb4: {  	_ =	strace $0x90000048  }
0xb5: {  	_ =	sfence  }
0xb6: {  	s30 =	sld [smem:$0x0];
	_ =	sdelay $0x2  }
0xb7: {  	s31 =	sshll.u32 s1, $0xD;
	s1 =	sshrl.u32 s1, $0x2  }
0xb8: {  	s3 =	sand.u32 $0x4000, s31;
	s1 =	sadd.s32 s1, s30  }
0xb9: {  	s0 =	sor.u32 s3, s0;
	s1 =	sshll.u32 s1, $0x11  }
0xba: {  	s0 =	sor.u32 s1, s0  }
0xbb: {  	s0 =	sadd.s32 $0x8F2B, s0  }
0xbc: {  	[sflag:s0] =	ssyncadd.remote.s32 $0x1  }
0xbd: {  	_ =	sfence.sel $0xFFFF  }
0xbe: {  	[dreg:$0x0] =	wrdreg $0xFFFFFFFF;
	(pc) =	sbr.abs _section_cstart, $3  }
0xbf: {  	[dreg:$0x1] =	wrdreg $0xFFFFFFFF  }
0xc0: {  	_ =	task.clear_ibuf [dreg:s7], $0x2FFFF;
	_ =	strace $0x9FFFFFFF  }
0xc1: {  	(tm) =	ssettm $0x7FFFFFFF  }
tec
execute0_lowered:
.L_overlay_start_1:
0x0: {  	(tag) =	ssettag $0x1  }
0x1: {  	s4 =	rddreg [dreg:$0x0]  }
0x2: {  	s0 =	rddreg [dreg:$0x1];
	s3 =	srdreg.scid  }
0x3: {  	s2 =	simm.s32 $0x0;
	s1 =	stileid.u32;
	s3 =	sand.u32 $0x1, s3  }
0x4: {  	s6 =	sshll.u32 s1, $0xB;
	[smem:$0x7FF] =	sst s2;
	s5 =	ssub.s32 $0x2, s3  }
0x5: {  	s3 =	sshll.u32 s3, $0xA;
	_ =	strace $0x80000047;
	s7 =	sshrl.u32 s5, $0x1  }
0x6: {  	v0 =	vlaneseq.u32;
	s3 =	sor.u32 s3, s6;
	s6 =	simm.s32 $0x1;
	s5 =	ssub.s32 s5, s7  }
0x7: {  	v0 =	vmul.u32 $0x8, v0;
	s4 =	sadd.s32 s4, s3;
	s7 =	simm.s32 $0x0;
	s5 =	smax.u32 s5, $0x1  }
.LBB2_1:
0x8: {  	s8 =	sadd.s32 $0x0, s3  }
0x9: {  	v1 =	vmov s8  }
0xa: {  	v1 =	vshll.u32 v1, $0x3  }
0xb: {  	v2 =	vor.u32 v0, v1;
	v1 =	vshrl.u32 v1, $0x13  }
0xc: {  	v3 =	vor.u32 $0x1, v2;
	v4 =	vor.u32 $0x2, v2;
	v5 =	vor.u32 $0x3, v2  }
0xd: {  	v6 =	vor.u32 $0x4, v2;
	v7 =	vor.u32 $0x5, v2;
	v8 =	vor.u32 $0x6, v2  }
0xe: {  	v9 =	vor.u32 $0x7, v2;
	v2 =	vadd.s32 $0x8, v2;
	v10 =	vshll.u32 v3, $0xD  }
0xf: {  	v11 =	vshll.u32 v4, $0xD;
	v12 =	vshll.u32 v5, $0xD;
	v13 =	vshll.u32 v6, $0xD  }
0x10: {  	v14 =	vshll.u32 v7, $0xD;
	v15 =	vshll.u32 v8, $0xD;
	v16 =	vshll.u32 v9, $0xD  }
0x11: {  	v17 =	vshrl.u32 v2, $0x13;
	v18 =	vshll.u32 v2, $0xD;
	v10 =	vor.u32 v1, v10  }
0x12: {  	v11 =	vor.u32 v1, v11;
	v12 =	vor.u32 v1, v12;
	v13 =	vor.u32 v1, v13  }
0x13: {  	v14 =	vor.u32 v1, v14;
	v15 =	vor.u32 v1, v15;
	v1 =	vor.u32 v1, v16  }
0x14: {  	v16 =	vor.u32 v17, v18;
	v10 =	vxor.u32 v3, v10;
	v11 =	vxor.u32 v4, v11  }
0x15: {  	v12 =	vxor.u32 v5, v12;
	v13 =	vxor.u32 v6, v13;
	v14 =	vxor.u32 v7, v14  }
0x16: {  	v15 =	vxor.u32 v8, v15;
	v1 =	vxor.u32 v9, v1;
	v16 =	vxor.u32 v2, v16  }
0x17: {  	v3 =	vadd.s32 v3, v10;
	v4 =	vadd.s32 v4, v11;
	v5 =	vadd.s32 v5, v12  }
0x18: {  	v6 =	vadd.s32 v6, v13;
	v7 =	vadd.s32 v7, v14;
	v8 =	vadd.s32 v8, v15  }
0x19: {  	v9 =	vadd.s32 v9, v1;
	v2 =	vadd.s32 v2, v16;
	v17 =	vshrl.u32 v10, $0x11  }
0x1a: {  	v10 =	vshll.u32 v10, $0xF;
	v18 =	vshrl.u32 v11, $0x11;
	v11 =	vshll.u32 v11, $0xF  }
0x1b: {  	v19 =	vshrl.u32 v12, $0x11;
	v12 =	vshll.u32 v12, $0xF;
	v20 =	vshrl.u32 v13, $0x11  }
0x1c: {  	v13 =	vshll.u32 v13, $0xF;
	v21 =	vshrl.u32 v14, $0x11;
	v14 =	vshll.u32 v14, $0xF  }
0x1d: {  	v22 =	vshrl.u32 v15, $0x11;
	v15 =	vshll.u32 v15, $0xF;
	v23 =	vshrl.u32 v1, $0x11  }
0x1e: {  	v1 =	vshll.u32 v1, $0xF;
	v24 =	vshrl.u32 v16, $0x11;
	v16 =	vshll.u32 v16, $0xF  }
0x1f: {  	v10 =	vor.u32 v17, v10;
	v11 =	vor.u32 v18, v11;
	v12 =	vor.u32 v19, v12  }
0x20: {  	v13 =	vor.u32 v20, v13;
	v14 =	vor.u32 v21, v14;
	v15 =	vor.u32 v22, v15  }
0x21: {  	v1 =	vor.u32 v23, v1;
	v16 =	vor.u32 v24, v16;
	v10 =	vxor.u32 v3, v10  }
0x22: {  	v11 =	vxor.u32 v4, v11;
	v12 =	vxor.u32 v5, v12;
	v13 =	vxor.u32 v6, v13  }
0x23: {  	v14 =	vxor.u32 v7, v14;
	v15 =	vxor.u32 v8, v15;
	v1 =	vxor.u32 v9, v1  }
0x24: {  	v16 =	vxor.u32 v2, v16;
	v3 =	vadd.s32 v3, v10;
	v4 =	vadd.s32 v4, v11  }
0x25: {  	v5 =	vadd.s32 v5, v12;
	v6 =	vadd.s32 v6, v13;
	v7 =	vadd.s32 v7, v14  }
0x26: {  	v8 =	vadd.s32 v8, v15;
	v9 =	vadd.s32 v9, v1;
	v17 =	vshrl.u32 v10, $0x6  }
0x27: {  	v10 =	vshll.u32 v10, $0x1A;
	v2 =	vadd.s32 v2, v16;
	v18 =	vshrl.u32 v11, $0x6  }
0x28: {  	v11 =	vshll.u32 v11, $0x1A;
	v19 =	vshrl.u32 v12, $0x6;
	v12 =	vshll.u32 v12, $0x1A  }
0x29: {  	v49 =	vshrl.u32 v13, $0x6;
	v13 =	vshll.u32 v13, $0x1A;
	v50 =	vshrl.u32 v14, $0x6  }
0x2a: {  	v14 =	vshll.u32 v14, $0x1A;
	v51 =	vshrl.u32 v15, $0x6;
	v15 =	vshll.u32 v15, $0x1A  }
0x2b: {  	v52 =	vshrl.u32 v1, $0x6;
	v1 =	vshll.u32 v1, $0x1A;
	v10 =	vor.u32 v17, v10  }
0x2c: {  	v17 =	vshrl.u32 v16, $0x6;
	v16 =	vshll.u32 v16, $0x1A;
	v11 =	vor.u32 v18, v11  }
0x2d: {  	v12 =	vor.u32 v19, v12;
	v13 =	vor.u32 v49, v13;
	v14 =	vor.u32 v50, v14  }
0x2e: {  	v15 =	vor.u32 v51, v15;
	v1 =	vor.u32 v52, v1;
	v10 =	vxor.u32 v3, v10  }
0x2f: {  	v11 =	vxor.u32 v4, v11;
	v16 =	vor.u32 v17, v16;
	v12 =	vxor.u32 v5, v12  }
0x30: {  	v13 =	vxor.u32 v6, v13;
	v14 =	vxor.u32 v7, v14;
	v15 =	vxor.u32 v8, v15  }
0x31: {  	v1 =	vxor.u32 v9, v1;
	v16 =	vxor.u32 v2, v16;
	v3 =	vadd.s32 v3, v10  }
0x32: {  	v4 =	vadd.s32 v4, v11;
	v5 =	vadd.s32 v5, v12;
	v6 =	vadd.s32 v6, v13  }
0x33: {  	v7 =	vadd.s32 v7, v14;
	v8 =	vadd.s32 v8, v15;
	v17 =	vshrl.u32 v10, $0x1A  }
0x34: {  	v9 =	vadd.s32 v9, v1;
	v10 =	vshll.u32 v10, $0x6;
	v18 =	vshrl.u32 v11, $0x1A  }
0x35: {  	v11 =	vshll.u32 v11, $0x6;
	v19 =	vshrl.u32 v12, $0x1A;
	v12 =	vshll.u32 v12, $0x6  }
0x36: {  	v53 =	vshrl.u32 v13, $0x1A;
	v13 =	vshll.u32 v13, $0x6;
	v54 =	vshrl.u32 v14, $0x1A  }
0x37: {  	v14 =	vshll.u32 v14, $0x6;
	v55 =	vshrl.u32 v15, $0x1A;
	v15 =	vshll.u32 v15, $0x6  }
0x38: {  	v56 =	vshrl.u32 v1, $0x1A;
	v1 =	vshll.u32 v1, $0x6;
	v2 =	vadd.s32 v2, v16  }
0x39: {  	v57 =	vshrl.u32 v16, $0x1A;
	v16 =	vshll.u32 v16, $0x6;
	v10 =	vor.u32 v17, v10  }
0x3a: {  	v11 =	vor.u32 v18, v11;
	v12 =	vor.u32 v19, v12;
	v13 =	vor.u32 v53, v13  }
0x3b: {  	v14 =	vor.u32 v54, v14;
	v15 =	vor.u32 v55, v15;
	v1 =	vor.u32 v56, v1  }
0x3c: {  	v10 =	vxor.u32 v3, v10;
	v16 =	vor.u32 v57, v16;
	v11 =	vxor.u32 v4, v11  }
0x3d: {  	v12 =	vxor.u32 v5, v12;
	v13 =	vxor.u32 v6, v13;
	v14 =	vxor.u32 v7, v14  }
0x3e: {  	v15 =	vxor.u32 v8, v15;
	v1 =	vxor.u32 v9, v1;
	v10 =	vadd.s32 $0x1BD11BDC, v10  }
0x3f: {  	v11 =	vadd.s32 $0x1BD11BDC, v11;
	v16 =	vxor.u32 v2, v16;
	v12 =	vadd.s32 $0x1BD11BDC, v12  }
0x40: {  	v13 =	vadd.s32 $0x1BD11BDC, v13;
	v14 =	vadd.s32 $0x1BD11BDC, v14;
	v15 =	vadd.s32 $0x1BD11BDC, v15  }
0x41: {  	v1 =	vadd.s32 $0x1BD11BDC, v1;
	v16 =	vadd.s32 $0x1BD11BDC, v16;
	v3 =	vadd.s32 v10, v3  }
0x42: {  	v17 =	vshrl.u32 v10, $0xF;
	v10 =	vshll.u32 v10, $0x11;
	v4 =	vadd.s32 v11, v4  }
0x43: {  	v18 =	vshrl.u32 v11, $0xF;
	v11 =	vshll.u32 v11, $0x11;
	v5 =	vadd.s32 v12, v5  }
0x44: {  	v19 =	vshrl.u32 v12, $0xF;
	v12 =	vshll.u32 v12, $0x11;
	v6 =	vadd.s32 v13, v6  }
0x45: {  	v58 =	vshrl.u32 v13, $0xF;
	v13 =	vshll.u32 v13, $0x11;
	v7 =	vadd.s32 v14, v7  }
0x46: {  	v59 =	vshrl.u32 v14, $0xF;
	v14 =	vshll.u32 v14, $0x11;
	v8 =	vadd.s32 v15, v8  }
0x47: {  	v60 =	vshrl.u32 v15, $0xF;
	v15 =	vshll.u32 v15, $0x11;
	v9 =	vadd.s32 v1, v9  }
0x48: {  	v61 =	vshrl.u32 v1, $0xF;
	v1 =	vshll.u32 v1, $0x11;
	v2 =	vadd.s32 v16, v2  }
0x49: {  	v62 =	vshrl.u32 v16, $0xF;
	v16 =	vshll.u32 v16, $0x11;
	v3 =	vadd.s32 $0x1, v3  }
0x4a: {  	v10 =	vor.u32 v17, v10;
	v4 =	vadd.s32 $0x1, v4;
	v11 =	vor.u32 v18, v11  }
0x4b: {  	v5 =	vadd.s32 $0x1, v5;
	v12 =	vor.u32 v19, v12;
	v6 =	vadd.s32 $0x1, v6  }
0x4c: {  	v13 =	vor.u32 v58, v13;
	v7 =	vadd.s32 $0x1, v7;
	v14 =	vor.u32 v59, v14  }
0x4d: {  	v8 =	vadd.s32 $0x1, v8;
	v15 =	vor.u32 v60, v15;
	v9 =	vadd.s32 $0x1, v9  }
0x4e: {  	v1 =	vor.u32 v61, v1;
	v2 =	vadd.s32 $0x1, v2;
	v10 =	vxor.u32 v3, v10  }
0x4f: {  	v11 =	vxor.u32 v4, v11;
	v16 =	vor.u32 v62, v16;
	v12 =	vxor.u32 v5, v12  }
0x50: {  	v13 =	vxor.u32 v6, v13;
	v14 =	vxor.u32 v7, v14;
	v15 =	vxor.u32 v8, v15  }
0x51: {  	v1 =	vxor.u32 v9, v1;
	v16 =	vxor.u32 v2, v16;
	v3 =	vadd.s32 v3, v10  }
0x52: {  	v4 =	vadd.s32 v4, v11;
	v5 =	vadd.s32 v5, v12;
	v6 =	vadd.s32 v6, v13  }
0x53: {  	v7 =	vadd.s32 v7, v14;
	v8 =	vadd.s32 v8, v15;
	v17 =	vshrl.u32 v10, $0x3  }
0x54: {  	v9 =	vadd.s32 v9, v1;
	v10 =	vshll.u32 v10, $0x1D;
	v18 =	vshrl.u32 v11, $0x3  }
0x55: {  	v11 =	vshll.u32 v11, $0x1D;
	v19 =	vshrl.u32 v12, $0x3;
	v12 =	vshll.u32 v12, $0x1D  }
0x56: {  	v63 =	vshrl.u32 v13, $0x3;
	v13 =	vshll.u32 v13, $0x1D;
	v28 =	vshrl.u32 v14, $0x3  }
0x57: {  	v14 =	vshll.u32 v14, $0x1D;
	v29 =	vshrl.u32 v15, $0x3;
	v15 =	vshll.u32 v15, $0x1D  }
0x58: {  	v30 =	vshrl.u32 v1, $0x3;
	v1 =	vshll.u32 v1, $0x1D;
	v2 =	vadd.s32 v2, v16  }
0x59: {  	v31 =	vshrl.u32 v16, $0x3;
	v16 =	vshll.u32 v16, $0x1D;
	v10 =	vor.u32 v17, v10  }
0x5a: {  	v11 =	vor.u32 v18, v11;
	v12 =	vor.u32 v19, v12;
	v13 =	vor.u32 v63, v13  }
0x5b: {  	v14 =	vor.u32 v28, v14;
	v15 =	vor.u32 v29, v15;
	v1 =	vor.u32 v30, v1  }
0x5c: {  	v10 =	vxor.u32 v3, v10;
	v16 =	vor.u32 v31, v16;
	v11 =	vxor.u32 v4, v11  }
0x5d: {  	v12 =	vxor.u32 v5, v12;
	v13 =	vxor.u32 v6, v13;
	v14 =	vxor.u32 v7, v14  }
0x5e: {  	v15 =	vxor.u32 v8, v15;
	v1 =	vxor.u32 v9, v1;
	v3 =	vadd.s32 v3, v10  }
0x5f: {  	v4 =	vadd.s32 v4, v11;
	v16 =	vxor.u32 v2, v16;
	v5 =	vadd.s32 v5, v12  }
0x60: {  	v6 =	vadd.s32 v6, v13;
	v7 =	vadd.s32 v7, v14;
	v8 =	vadd.s32 v8, v15  }
0x61: {  	v9 =	vadd.s32 v9, v1;
	v17 =	vshrl.u32 v10, $0x10;
	v10 =	vshll.u32 v10, $0x10  }
0x62: {  	v18 =	vshrl.u32 v11, $0x10;
	v11 =	vshll.u32 v11, $0x10;
	v19 =	vshrl.u32 v12, $0x10  }
0x63: {  	v12 =	vshll.u32 v12, $0x10;
	v32 =	vshrl.u32 v13, $0x10;
	v13 =	vshll.u32 v13, $0x10  }
0x64: {  	v33 =	vshrl.u32 v14, $0x10;
	v14 =	vshll.u32 v14, $0x10;
	v34 =	vshrl.u32 v15, $0x10  }
0x65: {  	v15 =	vshll.u32 v15, $0x10;
	v35 =	vshrl.u32 v1, $0x10;
	v1 =	vshll.u32 v1, $0x10  }
0x66: {  	v2 =	vadd.s32 v2, v16;
	v36 =	vshrl.u32 v16, $0x10;
	v10 =	vor.u32 v17, v10  }
0x67: {  	v11 =	vor.u32 v18, v11;
	v16 =	vshll.u32 v16, $0x10;
	v12 =	vor.u32 v19, v12  }
0x68: {  	v13 =	vor.u32 v32, v13;
	v14 =	vor.u32 v33, v14;
	v15 =	vor.u32 v34, v15  }
0x69: {  	v1 =	vor.u32 v35, v1;
	v16 =	vor.u32 v36, v16;
	v10 =	vxor.u32 v3, v10  }
0x6a: {  	v11 =	vxor.u32 v4, v11;
	v12 =	vxor.u32 v5, v12;
	v13 =	vxor.u32 v6, v13  }
0x6b: {  	v14 =	vxor.u32 v7, v14;
	v15 =	vxor.u32 v8, v15;
	v1 =	vxor.u32 v9, v1  }
0x6c: {  	v3 =	vadd.s32 v3, v10;
	v16 =	vxor.u32 v2, v16;
	v4 =	vadd.s32 v4, v11  }
0x6d: {  	v5 =	vadd.s32 v5, v12;
	v6 =	vadd.s32 v6, v13;
	v7 =	vadd.s32 v7, v14  }
0x6e: {  	v8 =	vadd.s32 v8, v15;
	v9 =	vadd.s32 v9, v1;
	v17 =	vshrl.u32 v10, $0x8  }
0x6f: {  	v10 =	vshll.u32 v10, $0x18;
	v18 =	vshrl.u32 v11, $0x8;
	v11 =	vshll.u32 v11, $0x18  }
0x70: {  	v19 =	vshrl.u32 v12, $0x8;
	v12 =	vshll.u32 v12, $0x18;
	v37 =	vshrl.u32 v13, $0x8  }
0x71: {  	v13 =	vshll.u32 v13, $0x18;
	v38 =	vshrl.u32 v14, $0x8;
	v14 =	vshll.u32 v14, $0x18  }
0x72: {  	v39 =	vshrl.u32 v15, $0x8;
	v15 =	vshll.u32 v15, $0x18;
	v40 =	vshrl.u32 v1, $0x8  }
0x73: {  	v1 =	vshll.u32 v1, $0x18;
	v2 =	vadd.s32 v2, v16;
	v10 =	vor.u32 v17, v10  }
0x74: {  	v17 =	vshrl.u32 v16, $0x8;
	v16 =	vshll.u32 v16, $0x18;
	v11 =	vor.u32 v18, v11  }
0x75: {  	v12 =	vor.u32 v19, v12;
	v13 =	vor.u32 v37, v13;
	v14 =	vor.u32 v38, v14  }
0x76: {  	v15 =	vor.u32 v39, v15;
	v1 =	vor.u32 v40, v1;
	v10 =	vxor.u32 v3, v10  }
0x77: {  	v11 =	vxor.u32 v4, v11;
	v16 =	vor.u32 v17, v16;
	v12 =	vxor.u32 v5, v12  }
0x78: {  	v13 =	vxor.u32 v6, v13;
	v14 =	vxor.u32 v7, v14;
	v15 =	vxor.u32 v8, v15  }
0x79: {  	v1 =	vxor.u32 v9, v1;
	v16 =	vxor.u32 v2, v16;
	v10 =	vadd.s32 $0x2, v10  }
0x7a: {  	v11 =	vadd.s32 $0x2, v11;
	v12 =	vadd.s32 $0x2, v12;
	v13 =	vadd.s32 $0x2, v13  }
0x7b: {  	v14 =	vadd.s32 $0x2, v14;
	v15 =	vadd.s32 $0x2, v15;
	v1 =	vadd.s32 $0x2, v1  }
0x7c: {  	v3 =	vadd.s32 v10, v3;
	v16 =	vadd.s32 $0x2, v16;
	v17 =	vshrl.u32 v10, $0x13  }
0x7d: {  	v10 =	vshll.u32 v10, $0xD;
	v4 =	vadd.s32 v11, v4;
	v18 =	vshrl.u32 v11, $0x13  }
0x7e: {  	v11 =	vshll.u32 v11, $0xD;
	v5 =	vadd.s32 v12, v5;
	v19 =	vshrl.u32 v12, $0x13  }
0x7f: {  	v12 =	vshll.u32 v12, $0xD;
	v6 =	vadd.s32 v13, v6;
	v41 =	vshrl.u32 v13, $0x13  }
0x80: {  	v13 =	vshll.u32 v13, $0xD;
	v7 =	vadd.s32 v14, v7;
	v42 =	vshrl.u32 v14, $0x13  }
0x81: {  	v14 =	vshll.u32 v14, $0xD;
	v8 =	vadd.s32 v15, v8;
	v43 =	vshrl.u32 v15, $0x13  }
0x82: {  	v15 =	vshll.u32 v15, $0xD;
	v9 =	vadd.s32 v1, v9;
	v44 =	vshrl.u32 v1, $0x13  }
0x83: {  	v1 =	vshll.u32 v1, $0xD;
	v2 =	vadd.s32 v16, v2;
	v3 =	vadd.s32 $0x1BD11BDB, v3  }
0x84: {  	v45 =	vshrl.u32 v16, $0x13;
	v16 =	vshll.u32 v16, $0xD;
	v10 =	vor.u32 v17, v10  }
0x85: {  	v4 =	vadd.s32 $0x1BD11BDB, v4;
	v11 =	vor.u32 v18, v11;
	v5 =	vadd.s32 $0x1BD11BDB, v5  }
0x86: {  	v12 =	vor.u32 v19, v12;
	v6 =	vadd.s32 $0x1BD11BDB, v6;
	v13 =	vor.u32 v41, v13  }
0x87: {  	v7 =	vadd.s32 $0x1BD11BDB, v7;
	v14 =	vor.u32 v42, v14;
	v8 =	vadd.s32 $0x1BD11BDB, v8  }
0x88: {  	v15 =	vor.u32 v43, v15;
	v9 =	vadd.s32 $0x1BD11BDB, v9;
	v1 =	vor.u32 v44, v1  }
0x89: {  	v2 =	vadd.s32 $0x1BD11BDB, v2;
	v16 =	vor.u32 v45, v16;
	v10 =	vxor.u32 v3, v10  }
0x8a: {  	v11 =	vxor.u32 v4, v11;
	v12 =	vxor.u32 v5, v12;
	v13 =	vxor.u32 v6, v13  }
0x8b: {  	v14 =	vxor.u32 v7, v14;
	v15 =	vxor.u32 v8, v15;
	v1 =	vxor.u32 v9, v1  }
0x8c: {  	v3 =	vadd.s32 v3, v10;
	v16 =	vxor.u32 v2, v16;
	v4 =	vadd.s32 v4, v11  }
0x8d: {  	v5 =	vadd.s32 v5, v12;
	v6 =	vadd.s32 v6, v13;
	v7 =	vadd.s32 v7, v14  }
0x8e: {  	v8 =	vadd.s32 v8, v15;
	v9 =	vadd.s32 v9, v1;
	v17 =	vshrl.u32 v10, $0x11  }
0x8f: {  	v10 =	vshll.u32 v10, $0xF;
	v18 =	vshrl.u32 v11, $0x11;
	v11 =	vshll.u32 v11, $0xF  }
0x90: {  	v19 =	vshrl.u32 v12, $0x11;
	v12 =	vshll.u32 v12, $0xF;
	v46 =	vshrl.u32 v13, $0x11  }
0x91: {  	v13 =	vshll.u32 v13, $0xF;
	v47 =	vshrl.u32 v14, $0x11;
	v14 =	vshll.u32 v14, $0xF  }
0x92: {  	v48 =	vshrl.u32 v15, $0x11;
	v15 =	vshll.u32 v15, $0xF;
	v49 =	vshrl.u32 v1, $0x11  }
0x93: {  	v1 =	vshll.u32 v1, $0xF;
	v2 =	vadd.s32 v2, v16;
	v10 =	vor.u32 v17, v10  }
0x94: {  	v17 =	vshrl.u32 v16, $0x11;
	v16 =	vshll.u32 v16, $0xF;
	v11 =	vor.u32 v18, v11  }
0x95: {  	v12 =	vor.u32 v19, v12;
	v13 =	vor.u32 v46, v13;
	v14 =	vor.u32 v47, v14  }
0x96: {  	v15 =	vor.u32 v48, v15;
	v1 =	vor.u32 v49, v1;
	v10 =	vxor.u32 v3, v10  }
0x97: {  	v11 =	vxor.u32 v4, v11;
	v16 =	vor.u32 v17, v16;
	v12 =	vxor.u32 v5, v12  }
0x98: {  	v13 =	vxor.u32 v6, v13;
	v14 =	vxor.u32 v7, v14;
	v15 =	vxor.u32 v8, v15  }
0x99: {  	v1 =	vxor.u32 v9, v1;
	v16 =	vxor.u32 v2, v16;
	v3 =	vadd.s32 v3, v10  }
0x9a: {  	v4 =	vadd.s32 v4, v11;
	v5 =	vadd.s32 v5, v12;
	v6 =	vadd.s32 v6, v13  }
0x9b: {  	v7 =	vadd.s32 v7, v14;
	v8 =	vadd.s32 v8, v15;
	v17 =	vshrl.u32 v10, $0x6  }
0x9c: {  	v9 =	vadd.s32 v9, v1;
	v10 =	vshll.u32 v10, $0x1A;
	v18 =	vshrl.u32 v11, $0x6  }
0x9d: {  	v11 =	vshll.u32 v11, $0x1A;
	v19 =	vshrl.u32 v12, $0x6;
	v12 =	vshll.u32 v12, $0x1A  }
0x9e: {  	v50 =	vshrl.u32 v13, $0x6;
	v13 =	vshll.u32 v13, $0x1A;
	v51 =	vshrl.u32 v14, $0x6  }
0x9f: {  	v14 =	vshll.u32 v14, $0x1A;
	v52 =	vshrl.u32 v15, $0x6;
	v15 =	vshll.u32 v15, $0x1A  }
0xa0: {  	v53 =	vshrl.u32 v1, $0x6;
	v1 =	vshll.u32 v1, $0x1A;
	v2 =	vadd.s32 v2, v16  }
0xa1: {  	v54 =	vshrl.u32 v16, $0x6;
	v16 =	vshll.u32 v16, $0x1A;
	v10 =	vor.u32 v17, v10  }
0xa2: {  	v11 =	vor.u32 v18, v11;
	v12 =	vor.u32 v19, v12;
	v13 =	vor.u32 v50, v13  }
0xa3: {  	v14 =	vor.u32 v51, v14;
	v15 =	vor.u32 v52, v15;
	v1 =	vor.u32 v53, v1  }
0xa4: {  	v10 =	vxor.u32 v3, v10;
	v16 =	vor.u32 v54, v16;
	v11 =	vxor.u32 v4, v11  }
0xa5: {  	v12 =	vxor.u32 v5, v12;
	v13 =	vxor.u32 v6, v13;
	v14 =	vxor.u32 v7, v14  }
0xa6: {  	v15 =	vxor.u32 v8, v15;
	v1 =	vxor.u32 v9, v1;
	v3 =	vadd.s32 v3, v10  }
0xa7: {  	v4 =	vadd.s32 v4, v11;
	v16 =	vxor.u32 v2, v16;
	v5 =	vadd.s32 v5, v12  }
0xa8: {  	v6 =	vadd.s32 v6, v13;
	v7 =	vadd.s32 v7, v14;
	v8 =	vadd.s32 v8, v15  }
0xa9: {  	v9 =	vadd.s32 v9, v1;
	v17 =	vshrl.u32 v10, $0x1A;
	v10 =	vshll.u32 v10, $0x6  }
0xaa: {  	v18 =	vshrl.u32 v11, $0x1A;
	v11 =	vshll.u32 v11, $0x6;
	v19 =	vshrl.u32 v12, $0x1A  }
0xab: {  	v12 =	vshll.u32 v12, $0x6;
	v55 =	vshrl.u32 v13, $0x1A;
	v13 =	vshll.u32 v13, $0x6  }
0xac: {  	v56 =	vshrl.u32 v14, $0x1A;
	v14 =	vshll.u32 v14, $0x6;
	v57 =	vshrl.u32 v15, $0x1A  }
0xad: {  	v15 =	vshll.u32 v15, $0x6;
	v58 =	vshrl.u32 v1, $0x1A;
	v1 =	vshll.u32 v1, $0x6  }
0xae: {  	v2 =	vadd.s32 v2, v16;
	v59 =	vshrl.u32 v16, $0x1A;
	v10 =	vor.u32 v17, v10  }
0xaf: {  	v11 =	vor.u32 v18, v11;
	v16 =	vshll.u32 v16, $0x6;
	v12 =	vor.u32 v19, v12  }
0xb0: {  	v13 =	vor.u32 v55, v13;
	v14 =	vor.u32 v56, v14;
	v15 =	vor.u32 v57, v15  }
0xb1: {  	v1 =	vor.u32 v58, v1;
	v16 =	vor.u32 v59, v16;
	v10 =	vxor.u32 v3, v10  }
0xb2: {  	v11 =	vxor.u32 v4, v11;
	v12 =	vxor.u32 v5, v12;
	v13 =	vxor.u32 v6, v13  }
0xb3: {  	v14 =	vxor.u32 v7, v14;
	v15 =	vxor.u32 v8, v15;
	v1 =	vxor.u32 v9, v1  }
0xb4: {  	v10 =	vadd.s32 $0x4, v10;
	v16 =	vxor.u32 v2, v16;
	v11 =	vadd.s32 $0x4, v11  }
0xb5: {  	v12 =	vadd.s32 $0x4, v12;
	v13 =	vadd.s32 $0x4, v13;
	v14 =	vadd.s32 $0x4, v14  }
0xb6: {  	v15 =	vadd.s32 $0x4, v15;
	v1 =	vadd.s32 $0x4, v1;
	v3 =	vadd.s32 v3, v10  }
0xb7: {  	v4 =	vadd.s32 v4, v11;
	v16 =	vadd.s32 $0x4, v16;
	v5 =	vadd.s32 v5, v12  }
0xb8: {  	v6 =	vadd.s32 v6, v13;
	v7 =	vadd.s32 v7, v14;
	v8 =	vadd.s32 v8, v15  }
0xb9: {  	v9 =	vadd.s32 v9, v1;
	v17 =	vshrl.u32 v10, $0xF;
	v10 =	vshll.u32 v10, $0x11  }
0xba: {  	v18 =	vshrl.u32 v11, $0xF;
	v11 =	vshll.u32 v11, $0x11;
	v19 =	vshrl.u32 v12, $0xF  }
0xbb: {  	v12 =	vshll.u32 v12, $0x11;
	v60 =	vshrl.u32 v13, $0xF;
	v13 =	vshll.u32 v13, $0x11  }
0xbc: {  	v61 =	vshrl.u32 v14, $0xF;
	v14 =	vshll.u32 v14, $0x11;
	v62 =	vshrl.u32 v15, $0xF  }
0xbd: {  	v15 =	vshll.u32 v15, $0x11;
	v63 =	vshrl.u32 v1, $0xF;
	v1 =	vshll.u32 v1, $0x11  }
0xbe: {  	v2 =	vadd.s32 v2, v16;
	v28 =	vshrl.u32 v16, $0xF;
	v10 =	vor.u32 v17, v10  }
0xbf: {  	v11 =	vor.u32 v18, v11;
	v16 =	vshll.u32 v16, $0x11;
	v12 =	vor.u32 v19, v12  }
0xc0: {  	v13 =	vor.u32 v60, v13;
	v14 =	vor.u32 v61, v14;
	v15 =	vor.u32 v62, v15  }
0xc1: {  	v1 =	vor.u32 v63, v1;
	v16 =	vor.u32 v28, v16;
	v10 =	vxor.u32 v3, v10  }
0xc2: {  	v11 =	vxor.u32 v4, v11;
	v12 =	vxor.u32 v5, v12;
	v13 =	vxor.u32 v6, v13  }
0xc3: {  	v14 =	vxor.u32 v7, v14;
	v15 =	vxor.u32 v8, v15;
	v1 =	vxor.u32 v9, v1  }
0xc4: {  	v3 =	vadd.s32 v3, v10;
	v16 =	vxor.u32 v2, v16;
	v4 =	vadd.s32 v4, v11  }
0xc5: {  	v5 =	vadd.s32 v5, v12;
	v6 =	vadd.s32 v6, v13;
	v7 =	vadd.s32 v7, v14  }
0xc6: {  	v8 =	vadd.s32 v8, v15;
	v9 =	vadd.s32 v9, v1;
	v17 =	vshrl.u32 v10, $0x3  }
0xc7: {  	v10 =	vshll.u32 v10, $0x1D;
	v18 =	vshrl.u32 v11, $0x3;
	v11 =	vshll.u32 v11, $0x1D  }
0xc8: {  	v19 =	vshrl.u32 v12, $0x3;
	v12 =	vshll.u32 v12, $0x1D;
	v29 =	vshrl.u32 v13, $0x3  }
0xc9: {  	v13 =	vshll.u32 v13, $0x1D;
	v30 =	vshrl.u32 v14, $0x3;
	v14 =	vshll.u32 v14, $0x1D  }
0xca: {  	v31 =	vshrl.u32 v15, $0x3;
	v15 =	vshll.u32 v15, $0x1D;
	v32 =	vshrl.u32 v1, $0x3  }
0xcb: {  	v1 =	vshll.u32 v1, $0x1D;
	v2 =	vadd.s32 v2, v16;
	v10 =	vor.u32 v17, v10  }
0xcc: {  	v17 =	vshrl.u32 v16, $0x3;
	v16 =	vshll.u32 v16, $0x1D;
	v11 =	vor.u32 v18, v11  }
0xcd: {  	v12 =	vor.u32 v19, v12;
	v13 =	vor.u32 v29, v13;
	v14 =	vor.u32 v30, v14  }
0xce: {  	v15 =	vor.u32 v31, v15;
	v1 =	vor.u32 v32, v1;
	v10 =	vxor.u32 v3, v10  }
0xcf: {  	v11 =	vxor.u32 v4, v11;
	v16 =	vor.u32 v17, v16;
	v12 =	vxor.u32 v5, v12  }
0xd0: {  	v13 =	vxor.u32 v6, v13;
	v14 =	vxor.u32 v7, v14;
	v15 =	vxor.u32 v8, v15  }
0xd1: {  	v1 =	vxor.u32 v9, v1;
	v16 =	vxor.u32 v2, v16;
	v3 =	vadd.s32 v3, v10  }
0xd2: {  	v4 =	vadd.s32 v4, v11;
	v5 =	vadd.s32 v5, v12;
	v6 =	vadd.s32 v6, v13  }
0xd3: {  	v7 =	vadd.s32 v7, v14;
	v8 =	vadd.s32 v8, v15;
	v17 =	vshrl.u32 v10, $0x10  }
0xd4: {  	v9 =	vadd.s32 v9, v1;
	v10 =	vshll.u32 v10, $0x10;
	v18 =	vshrl.u32 v11, $0x10  }
0xd5: {  	v11 =	vshll.u32 v11, $0x10;
	v19 =	vshrl.u32 v12, $0x10;
	v12 =	vshll.u32 v12, $0x10  }
0xd6: {  	v33 =	vshrl.u32 v13, $0x10;
	v13 =	vshll.u32 v13, $0x10;
	v34 =	vshrl.u32 v14, $0x10  }
0xd7: {  	v14 =	vshll.u32 v14, $0x10;
	v35 =	vshrl.u32 v15, $0x10;
	v15 =	vshll.u32 v15, $0x10  }
0xd8: {  	v36 =	vshrl.u32 v1, $0x10;
	v1 =	vshll.u32 v1, $0x10;
	v2 =	vadd.s32 v2, v16  }
0xd9: {  	v37 =	vshrl.u32 v16, $0x10;
	v16 =	vshll.u32 v16, $0x10;
	v10 =	vor.u32 v17, v10  }
0xda: {  	v11 =	vor.u32 v18, v11;
	v12 =	vor.u32 v19, v12;
	v13 =	vor.u32 v33, v13  }
0xdb: {  	v14 =	vor.u32 v34, v14;
	v15 =	vor.u32 v35, v15;
	v1 =	vor.u32 v36, v1  }
0xdc: {  	v10 =	vxor.u32 v3, v10;
	v16 =	vor.u32 v37, v16;
	v11 =	vxor.u32 v4, v11  }
0xdd: {  	v12 =	vxor.u32 v5, v12;
	v13 =	vxor.u32 v6, v13;
	v14 =	vxor.u32 v7, v14  }
0xde: {  	v15 =	vxor.u32 v8, v15;
	v1 =	vxor.u32 v9, v1;
	v3 =	vadd.s32 v3, v10  }
0xdf: {  	v4 =	vadd.s32 v4, v11;
	v16 =	vxor.u32 v2, v16;
	v5 =	vadd.s32 v5, v12  }
0xe0: {  	v6 =	vadd.s32 v6, v13;
	v7 =	vadd.s32 v7, v14;
	v8 =	vadd.s32 v8, v15  }
0xe1: {  	v9 =	vadd.s32 v9, v1;
	v17 =	vshrl.u32 v10, $0x8;
	v10 =	vshll.u32 v10, $0x18  }
0xe2: {  	v18 =	vshrl.u32 v11, $0x8;
	v11 =	vshll.u32 v11, $0x18;
	v19 =	vshrl.u32 v12, $0x8  }
0xe3: {  	v12 =	vshll.u32 v12, $0x18;
	v38 =	vshrl.u32 v13, $0x8;
	v13 =	vshll.u32 v13, $0x18  }
0xe4: {  	v39 =	vshrl.u32 v14, $0x8;
	v14 =	vshll.u32 v14, $0x18;
	v40 =	vshrl.u32 v15, $0x8  }
0xe5: {  	v15 =	vshll.u32 v15, $0x18;
	v41 =	vshrl.u32 v1, $0x8;
	v1 =	vshll.u32 v1, $0x18  }
0xe6: {  	v2 =	vadd.s32 v2, v16;
	v42 =	vshrl.u32 v16, $0x8;
	v10 =	vor.u32 v17, v10  }
0xe7: {  	v11 =	vor.u32 v18, v11;
	v16 =	vshll.u32 v16, $0x18;
	v12 =	vor.u32 v19, v12  }
0xe8: {  	v13 =	vor.u32 v38, v13;
	v14 =	vor.u32 v39, v14;
	v15 =	vor.u32 v40, v15  }
0xe9: {  	v1 =	vor.u32 v41, v1;
	v16 =	vor.u32 v42, v16;
	v10 =	vxor.u32 v3, v10  }
0xea: {  	v11 =	vxor.u32 v4, v11;
	v12 =	vxor.u32 v5, v12;
	v13 =	vxor.u32 v6, v13  }
0xeb: {  	v14 =	vxor.u32 v7, v14;
	v15 =	vxor.u32 v8, v15;
	v1 =	vxor.u32 v9, v1  }
0xec: {  	v10 =	vadd.s32 $0x1BD11BDF, v10;
	v16 =	vxor.u32 v2, v16;
	v11 =	vadd.s32 $0x1BD11BDF, v11  }
0xed: {  	v12 =	vadd.s32 $0x1BD11BDF, v12;
	v13 =	vadd.s32 $0x1BD11BDF, v13;
	v14 =	vadd.s32 $0x1BD11BDF, v14  }
0xee: {  	v15 =	vadd.s32 $0x1BD11BDF, v15;
	v1 =	vadd.s32 $0x1BD11BDF, v1;
	v3 =	vadd.s32 v10, v3  }
0xef: {  	v17 =	vshrl.u32 v10, $0x13;
	v16 =	vadd.s32 $0x1BD11BDF, v16;
	v10 =	vshll.u32 v10, $0xD  }
0xf0: {  	v4 =	vadd.s32 v11, v4;
	v18 =	vshrl.u32 v11, $0x13;
	v11 =	vshll.u32 v11, $0xD  }
0xf1: {  	v5 =	vadd.s32 v12, v5;
	v19 =	vshrl.u32 v12, $0x13;
	v12 =	vshll.u32 v12, $0xD  }
0xf2: {  	v6 =	vadd.s32 v13, v6;
	v43 =	vshrl.u32 v13, $0x13;
	v13 =	vshll.u32 v13, $0xD  }
0xf3: {  	v7 =	vadd.s32 v14, v7;
	v44 =	vshrl.u32 v14, $0x13;
	v14 =	vshll.u32 v14, $0xD  }
0xf4: {  	v8 =	vadd.s32 v15, v8;
	v45 =	vshrl.u32 v15, $0x13;
	v15 =	vshll.u32 v15, $0xD  }
0xf5: {  	v9 =	vadd.s32 v1, v9;
	v46 =	vshrl.u32 v1, $0x13;
	v1 =	vshll.u32 v1, $0xD  }
0xf6: {  	v2 =	vadd.s32 v16, v2;
	v47 =	vshrl.u32 v16, $0x13;
	v3 =	vadd.s32 $0x1, v3  }
0xf7: {  	v10 =	vor.u32 v17, v10;
	v16 =	vshll.u32 v16, $0xD;
	v4 =	vadd.s32 $0x1, v4  }
0xf8: {  	v11 =	vor.u32 v18, v11;
	v5 =	vadd.s32 $0x1, v5;
	v12 =	vor.u32 v19, v12  }
0xf9: {  	v6 =	vadd.s32 $0x1, v6;
	v13 =	vor.u32 v43, v13;
	v7 =	vadd.s32 $0x1, v7  }
0xfa: {  	v14 =	vor.u32 v44, v14;
	v8 =	vadd.s32 $0x1, v8;
	v15 =	vor.u32 v45, v15  }
0xfb: {  	v9 =	vadd.s32 $0x1, v9;
	v1 =	vor.u32 v46, v1;
	v10 =	vxor.u32 v3, v10  }
0xfc: {  	v2 =	vadd.s32 $0x1, v2;
	v16 =	vor.u32 v47, v16;
	v11 =	vxor.u32 v4, v11  }
0xfd: {  	v12 =	vxor.u32 v5, v12;
	v13 =	vxor.u32 v6, v13;
	v14 =	vxor.u32 v7, v14  }
0xfe: {  	v15 =	vxor.u32 v8, v15;
	v1 =	vxor.u32 v9, v1;
	v3 =	vadd.s32 v3, v10  }
0xff: {  	v4 =	vadd.s32 v4, v11;
	v16 =	vxor.u32 v2, v16;
	v5 =	vadd.s32 v5, v12  }
0x100: {  	v6 =	vadd.s32 v6, v13;
	v7 =	vadd.s32 v7, v14;
	v8 =	vadd.s32 v8, v15  }
0x101: {  	v9 =	vadd.s32 v9, v1;
	v17 =	vshrl.u32 v10, $0x11;
	v10 =	vshll.u32 v10, $0xF  }
0x102: {  	v18 =	vshrl.u32 v11, $0x11;
	v11 =	vshll.u32 v11, $0xF;
	v19 =	vshrl.u32 v12, $0x11  }
0x103: {  	v12 =	vshll.u32 v12, $0xF;
	v48 =	vshrl.u32 v13, $0x11;
	v13 =	vshll.u32 v13, $0xF  }
0x104: {  	v49 =	vshrl.u32 v14, $0x11;
	v14 =	vshll.u32 v14, $0xF;
	v50 =	vshrl.u32 v15, $0x11  }
0x105: {  	v15 =	vshll.u32 v15, $0xF;
	v51 =	vshrl.u32 v1, $0x11;
	v1 =	vshll.u32 v1, $0xF  }
0x106: {  	v2 =	vadd.s32 v2, v16;
	v52 =	vshrl.u32 v16, $0x11;
	v10 =	vor.u32 v17, v10  }
0x107: {  	v11 =	vor.u32 v18, v11;
	v16 =	vshll.u32 v16, $0xF;
	v12 =	vor.u32 v19, v12  }
0x108: {  	v13 =	vor.u32 v48, v13;
	v14 =	vor.u32 v49, v14;
	v15 =	vor.u32 v50, v15  }
0x109: {  	v1 =	vor.u32 v51, v1;
	v16 =	vor.u32 v52, v16;
	v10 =	vxor.u32 v3, v10  }
0x10a: {  	v11 =	vxor.u32 v4, v11;
	v12 =	vxor.u32 v5, v12;
	v13 =	vxor.u32 v6, v13  }
0x10b: {  	v14 =	vxor.u32 v7, v14;
	v15 =	vxor.u32 v8, v15;
	v1 =	vxor.u32 v9, v1  }
0x10c: {  	v3 =	vadd.s32 v3, v10;
	v16 =	vxor.u32 v2, v16;
	v4 =	vadd.s32 v4, v11  }
0x10d: {  	v5 =	vadd.s32 v5, v12;
	v6 =	vadd.s32 v6, v13;
	v7 =	vadd.s32 v7, v14  }
0x10e: {  	v8 =	vadd.s32 v8, v15;
	v9 =	vadd.s32 v9, v1;
	v17 =	vshrl.u32 v10, $0x6  }
0x10f: {  	v10 =	vshll.u32 v10, $0x1A;
	v18 =	vshrl.u32 v11, $0x6;
	v11 =	vshll.u32 v11, $0x1A  }
0x110: {  	v19 =	vshrl.u32 v12, $0x6;
	v12 =	vshll.u32 v12, $0x1A;
	v53 =	vshrl.u32 v13, $0x6  }
0x111: {  	v13 =	vshll.u32 v13, $0x1A;
	v54 =	vshrl.u32 v14, $0x6;
	v14 =	vshll.u32 v14, $0x1A  }
0x112: {  	v55 =	vshrl.u32 v15, $0x6;
	v15 =	vshll.u32 v15, $0x1A;
	v56 =	vshrl.u32 v1, $0x6  }
0x113: {  	v1 =	vshll.u32 v1, $0x1A;
	v2 =	vadd.s32 v2, v16;
	v10 =	vor.u32 v17, v10  }
0x114: {  	v17 =	vshrl.u32 v16, $0x6;
	v16 =	vshll.u32 v16, $0x1A;
	v11 =	vor.u32 v18, v11  }
0x115: {  	v12 =	vor.u32 v19, v12;
	v13 =	vor.u32 v53, v13;
	v14 =	vor.u32 v54, v14  }
0x116: {  	v15 =	vor.u32 v55, v15;
	v1 =	vor.u32 v56, v1;
	v10 =	vxor.u32 v3, v10  }
0x117: {  	v11 =	vxor.u32 v4, v11;
	v16 =	vor.u32 v17, v16;
	v12 =	vxor.u32 v5, v12  }
0x118: {  	v13 =	vxor.u32 v6, v13;
	v14 =	vxor.u32 v7, v14;
	v15 =	vxor.u32 v8, v15  }
0x119: {  	v1 =	vxor.u32 v9, v1;
	v16 =	vxor.u32 v2, v16;
	v3 =	vadd.s32 v3, v10  }
0x11a: {  	v4 =	vadd.s32 v4, v11;
	v5 =	vadd.s32 v5, v12;
	v6 =	vadd.s32 v6, v13  }
0x11b: {  	v17 =	vadd.s32 v7, v14;
	v18 =	vadd.s32 v8, v15;
	v7 =	vshrl.u32 v10, $0x1A  }
0x11c: {  	v9 =	vadd.s32 v9, v1;
	v8 =	vshrl.u32 v11, $0x1A;
	v57 =	vshrl.u32 v13, $0x1A  }
0x11d: {  	v13 =	vshll.u32 v13, $0x6;
	v58 =	vshrl.u32 v14, $0x1A;
	v14 =	vshll.u32 v14, $0x6  }
0x11e: {  	v59 =	vshrl.u32 v15, $0x1A;
	v15 =	vshll.u32 v15, $0x6;
	v60 =	vshrl.u32 v1, $0x1A  }
0x11f: {  	v1 =	vshll.u32 v1, $0x6;
	v19 =	vadd.s32 v2, v16;
	v2 =	vshll.u32 v10, $0x6  }
0x120: {  	v10 =	vshll.u32 v11, $0x6;
	v11 =	vshrl.u32 v12, $0x1A;
	v12 =	vshll.u32 v12, $0x6  }
0x121: {  	v61 =	vshrl.u32 v16, $0x1A;
	v16 =	vshll.u32 v16, $0x6;
	v25 =	vadd.s32 $0x1BD11BDB, v3  }
0x122: {  	v26 =	vadd.s32 $0x1BD11BDB, v4;
	v27 =	vadd.s32 $0x1BD11BDB, v5;
	v28 =	vadd.s32 $0x1BD11BDB, v6  }
0x123: {  	v29 =	vadd.s32 $0x1BD11BDB, v17;
	v30 =	vadd.s32 $0x1BD11BDB, v18;
	v1 =	vor.u32 v60, v1  }
0x124: {  	v31 =	vor.u32 v7, v2;
	v2 =	vor.u32 v8, v10;
	v10 =	vadd.s32 $0x1BD11BDB, v9  }
0x125: {  	s29 =	sadd.s32 $0x10, s3;
	v7 =	vor.u32 v11, v12;
	v8 =	vor.u32 v57, v13;
	v11 =	vor.u32 v58, v14  }
0x126: {  	v12 =	vor.u32 v61, v16;
	v1 =	vxor.u32 v9, v1;
	v9 =	vmov s29  }
0x127: {  	v2 =	vxor.u32 v4, v2;
	v4 =	vor.u32 v59, v15;
	v5 =	vxor.u32 v5, v7  }
0x128: {  	v1 =	vadd.s32 $0x5, v1;
	v9 =	vshll.u32 v9, $0x3;
	v2 =	vadd.s32 $0x5, v2  }
0x129: {  	v4 =	vxor.u32 v18, v4;
	v7 =	vxor.u32 v26, v2;
	v2 =	vadd.s32 $0x5, v5  }
0x12a: {  	v5 =	vxor.u32 v6, v8;
	v6 =	vxor.u32 v17, v11;
	v4 =	vadd.s32 $0x5, v4  }
0x12b: {  	v8 =	vxor.u32 v27, v2;
	v2 =	vadd.s32 $0x5, v5;
	v5 =	vadd.s32 $0x5, v6  }
0x12c: {  	v6 =	vxor.u32 v28, v2;
	v2 =	vxor.u32 v29, v5;
	v5 =	vxor.u32 v3, v31  }
0x12d: {  	v3 =	vxor.u32 v30, v4;
	v4 =	vxor.u32 v10, v1;
	v1 =	vxor.u32 v19, v12  }
0x12e: {  	v10 =	vadd.s32 $0x1BD11BDB, v19;
	v5 =	vadd.s32 $0x5, v5;
	v1 =	vadd.s32 $0x5, v1  }
0x12f: {  	v5 =	vxor.u32 v25, v5;
	v1 =	vxor.u32 v10, v1;
	v10 =	vor.u32 v0, v9  }
0x130: {  	v9 =	vshrl.u32 v9, $0x13;
	v11 =	vor.u32 $0x1, v10;
	v12 =	vor.u32 $0x2, v10  }
0x131: {  	v13 =	vor.u32 $0x3, v10;
	v14 =	vor.u32 $0x4, v10;
	v15 =	vor.u32 $0x5, v10  }
0x132: {  	v16 =	vor.u32 $0x6, v10;
	v17 =	vor.u32 $0x7, v10;
	v10 =	vadd.s32 $0x8, v10  }
0x133: {  	v18 =	vshll.u32 v11, $0xD;
	v19 =	vshll.u32 v12, $0xD;
	v62 =	vshll.u32 v13, $0xD  }
0x134: {  	v63 =	vshll.u32 v14, $0xD;
	v28 =	vshll.u32 v15, $0xD;
	v29 =	vshll.u32 v16, $0xD  }
0x135: {  	v30 =	vshll.u32 v17, $0xD;
	v31 =	vshrl.u32 v10, $0x13;
	v32 =	vshll.u32 v10, $0xD  }
0x136: {  	v18 =	vor.u32 v9, v18;
	v19 =	vor.u32 v9, v19;
	v20 =	vor.u32 v9, v62  }
0x137: {  	v21 =	vor.u32 v9, v63;
	v22 =	vor.u32 v9, v28;
	v23 =	vor.u32 v9, v29  }
0x138: {  	v9 =	vor.u32 v9, v30;
	v33 =	vor.u32 v31, v32;
	v18 =	vxor.u32 v11, v18  }
0x139: {  	v19 =	vxor.u32 v12, v19;
	v20 =	vxor.u32 v13, v20;
	v21 =	vxor.u32 v14, v21  }
0x13a: {  	v22 =	vxor.u32 v15, v22;
	v23 =	vxor.u32 v16, v23;
	v9 =	vxor.u32 v17, v9  }
0x13b: {  	v24 =	vxor.u32 v10, v33;
	v11 =	vadd.s32 v11, v18;
	v12 =	vadd.s32 v12, v19  }
0x13c: {  	v13 =	vadd.s32 v13, v20;
	v14 =	vadd.s32 v14, v21;
	v15 =	vadd.s32 v15, v22  }
0x13d: {  	v16 =	vadd.s32 v16, v23;
	v17 =	vadd.s32 v17, v9;
	v10 =	vadd.s32 v10, v24  }
0x13e: {  	v34 =	vshrl.u32 v18, $0x11;
	v18 =	vshll.u32 v18, $0xF;
	v35 =	vshrl.u32 v19, $0x11  }
0x13f: {  	v19 =	vshll.u32 v19, $0xF;
	v36 =	vshrl.u32 v20, $0x11;
	v20 =	vshll.u32 v20, $0xF  }
0x140: {  	v37 =	vshrl.u32 v21, $0x11;
	v21 =	vshll.u32 v21, $0xF;
	v38 =	vshrl.u32 v22, $0x11  }
0x141: {  	v22 =	vshll.u32 v22, $0xF;
	v39 =	vshrl.u32 v23, $0x11;
	v23 =	vshll.u32 v23, $0xF  }
0x142: {  	v40 =	vshrl.u32 v9, $0x11;
	v9 =	vshll.u32 v9, $0xF;
	v41 =	vshrl.u32 v24, $0x11  }
0x143: {  	v24 =	vshll.u32 v24, $0xF;
	v18 =	vor.u32 v34, v18;
	v19 =	vor.u32 v35, v19  }
0x144: {  	v20 =	vor.u32 v36, v20;
	v21 =	vor.u32 v37, v21;
	v22 =	vor.u32 v38, v22  }
0x145: {  	v23 =	vor.u32 v39, v23;
	v9 =	vor.u32 v40, v9;
	v24 =	vor.u32 v41, v24  }
0x146: {  	v18 =	vxor.u32 v11, v18;
	v19 =	vxor.u32 v12, v19;
	v20 =	vxor.u32 v13, v20  }
0x147: {  	v21 =	vxor.u32 v14, v21;
	v22 =	vxor.u32 v15, v22;
	v23 =	vxor.u32 v16, v23  }
0x148: {  	v9 =	vxor.u32 v17, v9;
	v24 =	vxor.u32 v10, v24;
	v11 =	vadd.s32 v11, v18  }
0x149: {  	v12 =	vadd.s32 v12, v19;
	v13 =	vadd.s32 v13, v20;
	v14 =	vadd.s32 v14, v21  }
0x14a: {  	v15 =	vadd.s32 v15, v22;
	v16 =	vadd.s32 v16, v23;
	v17 =	vadd.s32 v17, v9  }
0x14b: {  	v42 =	vshrl.u32 v18, $0x6;
	v18 =	vshll.u32 v18, $0x1A;
	v10 =	vadd.s32 v10, v24  }
0x14c: {  	v43 =	vshrl.u32 v19, $0x6;
	v19 =	vshll.u32 v19, $0x1A;
	v44 =	vshrl.u32 v20, $0x6  }
0x14d: {  	v20 =	vshll.u32 v20, $0x1A;
	v45 =	vshrl.u32 v21, $0x6;
	v21 =	vshll.u32 v21, $0x1A  }
0x14e: {  	v46 =	vshrl.u32 v22, $0x6;
	v22 =	vshll.u32 v22, $0x1A;
	v47 =	vshrl.u32 v23, $0x6  }
0x14f: {  	v23 =	vshll.u32 v23, $0x1A;
	v48 =	vshrl.u32 v9, $0x6;
	v9 =	vshll.u32 v9, $0x1A  }
0x150: {  	v49 =	vshrl.u32 v24, $0x6;
	v24 =	vshll.u32 v24, $0x1A;
	v18 =	vor.u32 v42, v18  }
0x151: {  	v19 =	vor.u32 v43, v19;
	v20 =	vor.u32 v44, v20;
	v21 =	vor.u32 v45, v21  }
0x152: {  	v22 =	vor.u32 v46, v22;
	v23 =	vor.u32 v47, v23;
	v9 =	vor.u32 v48, v9  }
0x153: {  	v24 =	vor.u32 v49, v24;
	v18 =	vxor.u32 v11, v18;
	v19 =	vxor.u32 v12, v19  }
0x154: {  	v20 =	vxor.u32 v13, v20;
	v21 =	vxor.u32 v14, v21;
	v22 =	vxor.u32 v15, v22  }
0x155: {  	v23 =	vxor.u32 v16, v23;
	v9 =	vxor.u32 v17, v9;
	v24 =	vxor.u32 v10, v24  }
0x156: {  	v11 =	vadd.s32 v11, v18;
	v12 =	vadd.s32 v12, v19;
	v13 =	vadd.s32 v13, v20  }
0x157: {  	v14 =	vadd.s32 v14, v21;
	v15 =	vadd.s32 v15, v22;
	v16 =	vadd.s32 v16, v23  }
0x158: {  	v50 =	vshrl.u32 v18, $0x1A;
	v17 =	vadd.s32 v17, v9;
	v10 =	vadd.s32 v10, v24  }
0x159: {  	v18 =	vshll.u32 v18, $0x6;
	v51 =	vshrl.u32 v19, $0x1A;
	v19 =	vshll.u32 v19, $0x6  }
0x15a: {  	v52 =	vshrl.u32 v20, $0x1A;
	v20 =	vshll.u32 v20, $0x6;
	v53 =	vshrl.u32 v21, $0x1A  }
0x15b: {  	v21 =	vshll.u32 v21, $0x6;
	v54 =	vshrl.u32 v22, $0x1A;
	v22 =	vshll.u32 v22, $0x6  }
0x15c: {  	v55 =	vshrl.u32 v23, $0x1A;
	v23 =	vshll.u32 v23, $0x6;
	v56 =	vshrl.u32 v9, $0x1A  }
0x15d: {  	v9 =	vshll.u32 v9, $0x6;
	v57 =	vshrl.u32 v24, $0x1A;
	v24 =	vshll.u32 v24, $0x6  }
0x15e: {  	v18 =	vor.u32 v50, v18;
	v19 =	vor.u32 v51, v19;
	v20 =	vor.u32 v52, v20  }
0x15f: {  	v21 =	vor.u32 v53, v21;
	v22 =	vor.u32 v54, v22;
	v23 =	vor.u32 v55, v23  }
0x160: {  	v9 =	vor.u32 v56, v9;
	v24 =	vor.u32 v57, v24;
	v18 =	vxor.u32 v11, v18  }
0x161: {  	v19 =	vxor.u32 v12, v19;
	v20 =	vxor.u32 v13, v20;
	v21 =	vxor.u32 v14, v21  }
0x162: {  	v22 =	vxor.u32 v15, v22;
	v23 =	vxor.u32 v16, v23;
	v9 =	vxor.u32 v17, v9  }
0x163: {  	v24 =	vxor.u32 v10, v24;
	v18 =	vadd.s32 $0x1BD11BDC, v18;
	v19 =	vadd.s32 $0x1BD11BDC, v19  }
0x164: {  	v20 =	vadd.s32 $0x1BD11BDC, v20;
	v21 =	vadd.s32 $0x1BD11BDC, v21;
	v22 =	vadd.s32 $0x1BD11BDC, v22  }
0x165: {  	v23 =	vadd.s32 $0x1BD11BDC, v23;
	v9 =	vadd.s32 $0x1BD11BDC, v9;
	v24 =	vadd.s32 $0x1BD11BDC, v24  }
0x166: {  	v11 =	vadd.s32 v18, v11;
	v58 =	vshrl.u32 v18, $0xF;
	v18 =	vshll.u32 v18, $0x11  }
0x167: {  	v12 =	vadd.s32 v19, v12;
	v59 =	vshrl.u32 v19, $0xF;
	v19 =	vshll.u32 v19, $0x11  }
0x168: {  	v13 =	vadd.s32 v20, v13;
	v60 =	vshrl.u32 v20, $0xF;
	v20 =	vshll.u32 v20, $0x11  }
0x169: {  	v14 =	vadd.s32 v21, v14;
	v61 =	vshrl.u32 v21, $0xF;
	v21 =	vshll.u32 v21, $0x11  }
0x16a: {  	v15 =	vadd.s32 v22, v15;
	v62 =	vshrl.u32 v22, $0xF;
	v22 =	vshll.u32 v22, $0x11  }
0x16b: {  	v16 =	vadd.s32 v23, v16;
	v63 =	vshrl.u32 v23, $0xF;
	v23 =	vshll.u32 v23, $0x11  }
0x16c: {  	v17 =	vadd.s32 v9, v17;
	v33 =	vshrl.u32 v9, $0xF;
	v9 =	vshll.u32 v9, $0x11  }
0x16d: {  	v10 =	vadd.s32 v24, v10;
	v34 =	vshrl.u32 v24, $0xF;
	v24 =	vshll.u32 v24, $0x11  }
0x16e: {  	v18 =	vor.u32 v58, v18;
	v19 =	vor.u32 v59, v19;
	v11 =	vadd.s32 $0x1, v11  }
0x16f: {  	v12 =	vadd.s32 $0x1, v12;
	v13 =	vadd.s32 $0x1, v13;
	v20 =	vor.u32 v60, v20  }
0x170: {  	v14 =	vadd.s32 $0x1, v14;
	v21 =	vor.u32 v61, v21;
	v15 =	vadd.s32 $0x1, v15  }
0x171: {  	v22 =	vor.u32 v62, v22;
	v16 =	vadd.s32 $0x1, v16;
	v23 =	vor.u32 v63, v23  }
0x172: {  	v17 =	vadd.s32 $0x1, v17;
	v9 =	vor.u32 v33, v9;
	v10 =	vadd.s32 $0x1, v10  }
0x173: {  	v24 =	vor.u32 v34, v24;
	v18 =	vxor.u32 v11, v18;
	v19 =	vxor.u32 v12, v19  }
0x174: {  	v20 =	vxor.u32 v13, v20;
	v21 =	vxor.u32 v14, v21;
	v22 =	vxor.u32 v15, v22  }
0x175: {  	v23 =	vxor.u32 v16, v23;
	v9 =	vxor.u32 v17, v9;
	v24 =	vxor.u32 v10, v24  }
0x176: {  	v11 =	vadd.s32 v11, v18;
	v12 =	vadd.s32 v12, v19;
	v13 =	vadd.s32 v13, v20  }
0x177: {  	v14 =	vadd.s32 v14, v21;
	v15 =	vadd.s32 v15, v22;
	v16 =	vadd.s32 v16, v23  }
0x178: {  	v35 =	vshrl.u32 v18, $0x3;
	v17 =	vadd.s32 v17, v9;
	v10 =	vadd.s32 v10, v24  }
0x179: {  	v18 =	vshll.u32 v18, $0x1D;
	v36 =	vshrl.u32 v19, $0x3;
	v19 =	vshll.u32 v19, $0x1D  }
0x17a: {  	v37 =	vshrl.u32 v20, $0x3;
	v20 =	vshll.u32 v20, $0x1D;
	v38 =	vshrl.u32 v21, $0x3  }
0x17b: {  	v21 =	vshll.u32 v21, $0x1D;
	v39 =	vshrl.u32 v22, $0x3;
	v22 =	vshll.u32 v22, $0x1D  }
0x17c: {  	v40 =	vshrl.u32 v23, $0x3;
	v23 =	vshll.u32 v23, $0x1D;
	v41 =	vshrl.u32 v9, $0x3  }
0x17d: {  	v9 =	vshll.u32 v9, $0x1D;
	v42 =	vshrl.u32 v24, $0x3;
	v24 =	vshll.u32 v24, $0x1D  }
0x17e: {  	v18 =	vor.u32 v35, v18;
	v19 =	vor.u32 v36, v19;
	v20 =	vor.u32 v37, v20  }
0x17f: {  	v21 =	vor.u32 v38, v21;
	v22 =	vor.u32 v39, v22;
	v23 =	vor.u32 v40, v23  }
0x180: {  	v9 =	vor.u32 v41, v9;
	v24 =	vor.u32 v42, v24;
	v18 =	vxor.u32 v11, v18  }
0x181: {  	v19 =	vxor.u32 v12, v19;
	v20 =	vxor.u32 v13, v20;
	v21 =	vxor.u32 v14, v21  }
0x182: {  	v22 =	vxor.u32 v15, v22;
	v23 =	vxor.u32 v16, v23;
	v9 =	vxor.u32 v17, v9  }
0x183: {  	v24 =	vxor.u32 v10, v24;
	v11 =	vadd.s32 v11, v18;
	v12 =	vadd.s32 v12, v19  }
0x184: {  	v13 =	vadd.s32 v13, v20;
	v14 =	vadd.s32 v14, v21;
	v15 =	vadd.s32 v15, v22  }
0x185: {  	v16 =	vadd.s32 v16, v23;
	v17 =	vadd.s32 v17, v9;
	v10 =	vadd.s32 v10, v24  }
0x186: {  	v43 =	vshrl.u32 v18, $0x10;
	v18 =	vshll.u32 v18, $0x10;
	v44 =	vshrl.u32 v19, $0x10  }
0x187: {  	v19 =	vshll.u32 v19, $0x10;
	v45 =	vshrl.u32 v20, $0x10;
	v20 =	vshll.u32 v20, $0x10  }
0x188: {  	v46 =	vshrl.u32 v21, $0x10;
	v21 =	vshll.u32 v21, $0x10;
	v47 =	vshrl.u32 v22, $0x10  }
0x189: {  	v22 =	vshll.u32 v22, $0x10;
	v48 =	vshrl.u32 v23, $0x10;
	v23 =	vshll.u32 v23, $0x10  }
0x18a: {  	v49 =	vshrl.u32 v9, $0x10;
	v9 =	vshll.u32 v9, $0x10;
	v50 =	vshrl.u32 v24, $0x10  }
0x18b: {  	v24 =	vshll.u32 v24, $0x10;
	v18 =	vor.u32 v43, v18;
	v19 =	vor.u32 v44, v19  }
0x18c: {  	v20 =	vor.u32 v45, v20;
	v21 =	vor.u32 v46, v21;
	v22 =	vor.u32 v47, v22  }
0x18d: {  	v23 =	vor.u32 v48, v23;
	v9 =	vor.u32 v49, v9;
	v24 =	vor.u32 v50, v24  }
0x18e: {  	v18 =	vxor.u32 v11, v18;
	v19 =	vxor.u32 v12, v19;
	v20 =	vxor.u32 v13, v20  }
0x18f: {  	v21 =	vxor.u32 v14, v21;
	v22 =	vxor.u32 v15, v22;
	v23 =	vxor.u32 v16, v23  }
0x190: {  	v9 =	vxor.u32 v17, v9;
	v24 =	vxor.u32 v10, v24;
	v11 =	vadd.s32 v11, v18  }
0x191: {  	v12 =	vadd.s32 v12, v19;
	v13 =	vadd.s32 v13, v20;
	v14 =	vadd.s32 v14, v21  }
0x192: {  	v15 =	vadd.s32 v15, v22;
	v16 =	vadd.s32 v16, v23;
	v17 =	vadd.s32 v17, v9  }
0x193: {  	v51 =	vshrl.u32 v18, $0x8;
	v18 =	vshll.u32 v18, $0x18;
	v10 =	vadd.s32 v10, v24  }
0x194: {  	v52 =	vshrl.u32 v19, $0x8;
	v19 =	vshll.u32 v19, $0x18;
	v53 =	vshrl.u32 v20, $0x8  }
0x195: {  	v20 =	vshll.u32 v20, $0x18;
	v54 =	vshrl.u32 v21, $0x8;
	v21 =	vshll.u32 v21, $0x18  }
0x196: {  	v55 =	vshrl.u32 v22, $0x8;
	v22 =	vshll.u32 v22, $0x18;
	v56 =	vshrl.u32 v23, $0x8  }
0x197: {  	v23 =	vshll.u32 v23, $0x18;
	v57 =	vshrl.u32 v9, $0x8;
	v9 =	vshll.u32 v9, $0x18  }
0x198: {  	v58 =	vshrl.u32 v24, $0x8;
	v24 =	vshll.u32 v24, $0x18;
	v18 =	vor.u32 v51, v18  }
0x199: {  	v19 =	vor.u32 v52, v19;
	v20 =	vor.u32 v53, v20;
	v21 =	vor.u32 v54, v21  }
0x19a: {  	v22 =	vor.u32 v55, v22;
	v23 =	vor.u32 v56, v23;
	v9 =	vor.u32 v57, v9  }
0x19b: {  	v24 =	vor.u32 v58, v24;
	v18 =	vxor.u32 v11, v18;
	v19 =	vxor.u32 v12, v19  }
0x19c: {  	v20 =	vxor.u32 v13, v20;
	v21 =	vxor.u32 v14, v21;
	v22 =	vxor.u32 v15, v22  }
0x19d: {  	v23 =	vxor.u32 v16, v23;
	v9 =	vxor.u32 v17, v9;
	v24 =	vxor.u32 v10, v24  }
0x19e: {  	v18 =	vadd.s32 $0x2, v18;
	v19 =	vadd.s32 $0x2, v19;
	v20 =	vadd.s32 $0x2, v20  }
0x19f: {  	v21 =	vadd.s32 $0x2, v21;
	v22 =	vadd.s32 $0x2, v22;
	v23 =	vadd.s32 $0x2, v23  }
0x1a0: {  	v9 =	vadd.s32 $0x2, v9;
	v24 =	vadd.s32 $0x2, v24;
	v11 =	vadd.s32 v18, v11  }
0x1a1: {  	v59 =	vshrl.u32 v18, $0x13;
	v18 =	vshll.u32 v18, $0xD;
	v12 =	vadd.s32 v19, v12  }
0x1a2: {  	v60 =	vshrl.u32 v19, $0x13;
	v19 =	vshll.u32 v19, $0xD;
	v13 =	vadd.s32 v20, v13  }
0x1a3: {  	v61 =	vshrl.u32 v20, $0x13;
	v20 =	vshll.u32 v20, $0xD;
	v14 =	vadd.s32 v21, v14  }
0x1a4: {  	v62 =	vshrl.u32 v21, $0x13;
	v21 =	vshll.u32 v21, $0xD;
	v15 =	vadd.s32 v22, v15  }
0x1a5: {  	v63 =	vshrl.u32 v22, $0x13;
	v22 =	vshll.u32 v22, $0xD;
	v16 =	vadd.s32 v23, v16  }
0x1a6: {  	v33 =	vshrl.u32 v23, $0x13;
	v23 =	vshll.u32 v23, $0xD;
	v17 =	vadd.s32 v9, v17  }
0x1a7: {  	v34 =	vshrl.u32 v9, $0x13;
	v9 =	vshll.u32 v9, $0xD;
	v10 =	vadd.s32 v24, v10  }
0x1a8: {  	v35 =	vshrl.u32 v24, $0x13;
	v24 =	vshll.u32 v24, $0xD;
	v18 =	vor.u32 v59, v18  }
0x1a9: {  	v11 =	vadd.s32 $0x1BD11BDB, v11;
	v19 =	vor.u32 v60, v19;
	v12 =	vadd.s32 $0x1BD11BDB, v12  }
0x1aa: {  	v13 =	vadd.s32 $0x1BD11BDB, v13;
	v20 =	vor.u32 v61, v20;
	v14 =	vadd.s32 $0x1BD11BDB, v14  }
0x1ab: {  	v21 =	vor.u32 v62, v21;
	v15 =	vadd.s32 $0x1BD11BDB, v15;
	v22 =	vor.u32 v63, v22  }
0x1ac: {  	v16 =	vadd.s32 $0x1BD11BDB, v16;
	v23 =	vor.u32 v33, v23;
	v17 =	vadd.s32 $0x1BD11BDB, v17  }
0x1ad: {  	v9 =	vor.u32 v34, v9;
	v10 =	vadd.s32 $0x1BD11BDB, v10;
	v24 =	vor.u32 v35, v24  }
0x1ae: {  	v18 =	vxor.u32 v11, v18;
	v19 =	vxor.u32 v12, v19;
	v20 =	vxor.u32 v13, v20  }
0x1af: {  	v21 =	vxor.u32 v14, v21;
	v22 =	vxor.u32 v15, v22;
	v23 =	vxor.u32 v16, v23  }
0x1b0: {  	v9 =	vxor.u32 v17, v9;
	v24 =	vxor.u32 v10, v24;
	v11 =	vadd.s32 v11, v18  }
0x1b1: {  	v12 =	vadd.s32 v12, v19;
	v13 =	vadd.s32 v13, v20;
	v14 =	vadd.s32 v14, v21  }
0x1b2: {  	v15 =	vadd.s32 v15, v22;
	v16 =	vadd.s32 v16, v23;
	v17 =	vadd.s32 v17, v9  }
0x1b3: {  	v36 =	vshrl.u32 v18, $0x11;
	v18 =	vshll.u32 v18, $0xF;
	v10 =	vadd.s32 v10, v24  }
0x1b4: {  	v37 =	vshrl.u32 v19, $0x11;
	v19 =	vshll.u32 v19, $0xF;
	v38 =	vshrl.u32 v20, $0x11  }
0x1b5: {  	v20 =	vshll.u32 v20, $0xF;
	v39 =	vshrl.u32 v21, $0x11;
	v21 =	vshll.u32 v21, $0xF  }
0x1b6: {  	v40 =	vshrl.u32 v22, $0x11;
	v22 =	vshll.u32 v22, $0xF;
	v41 =	vshrl.u32 v23, $0x11  }
0x1b7: {  	v23 =	vshll.u32 v23, $0xF;
	v42 =	vshrl.u32 v9, $0x11;
	v9 =	vshll.u32 v9, $0xF  }
0x1b8: {  	v43 =	vshrl.u32 v24, $0x11;
	v24 =	vshll.u32 v24, $0xF;
	v18 =	vor.u32 v36, v18  }
0x1b9: {  	v19 =	vor.u32 v37, v19;
	v20 =	vor.u32 v38, v20;
	v21 =	vor.u32 v39, v21  }
0x1ba: {  	v22 =	vor.u32 v40, v22;
	v23 =	vor.u32 v41, v23;
	v9 =	vor.u32 v42, v9  }
0x1bb: {  	v24 =	vor.u32 v43, v24;
	v18 =	vxor.u32 v11, v18;
	v19 =	vxor.u32 v12, v19  }
0x1bc: {  	v20 =	vxor.u32 v13, v20;
	v21 =	vxor.u32 v14, v21;
	v22 =	vxor.u32 v15, v22  }
0x1bd: {  	v23 =	vxor.u32 v16, v23;
	v9 =	vxor.u32 v17, v9;
	v24 =	vxor.u32 v10, v24  }
0x1be: {  	v11 =	vadd.s32 v11, v18;
	v12 =	vadd.s32 v12, v19;
	v13 =	vadd.s32 v13, v20  }
0x1bf: {  	v14 =	vadd.s32 v14, v21;
	v15 =	vadd.s32 v15, v22;
	v16 =	vadd.s32 v16, v23  }
0x1c0: {  	v44 =	vshrl.u32 v18, $0x6;
	v17 =	vadd.s32 v17, v9;
	v10 =	vadd.s32 v10, v24  }
0x1c1: {  	v18 =	vshll.u32 v18, $0x1A;
	v45 =	vshrl.u32 v19, $0x6;
	v19 =	vshll.u32 v19, $0x1A  }
0x1c2: {  	v46 =	vshrl.u32 v20, $0x6;
	v20 =	vshll.u32 v20, $0x1A;
	v47 =	vshrl.u32 v21, $0x6  }
0x1c3: {  	v21 =	vshll.u32 v21, $0x1A;
	v48 =	vshrl.u32 v22, $0x6;
	v22 =	vshll.u32 v22, $0x1A  }
0x1c4: {  	v49 =	vshrl.u32 v23, $0x6;
	v23 =	vshll.u32 v23, $0x1A;
	v50 =	vshrl.u32 v9, $0x6  }
0x1c5: {  	v9 =	vshll.u32 v9, $0x1A;
	v51 =	vshrl.u32 v24, $0x6;
	v24 =	vshll.u32 v24, $0x1A  }
0x1c6: {  	v18 =	vor.u32 v44, v18;
	v19 =	vor.u32 v45, v19;
	v20 =	vor.u32 v46, v20  }
0x1c7: {  	v21 =	vor.u32 v47, v21;
	v22 =	vor.u32 v48, v22;
	v23 =	vor.u32 v49, v23  }
0x1c8: {  	v9 =	vor.u32 v50, v9;
	v24 =	vor.u32 v51, v24;
	v18 =	vxor.u32 v11, v18  }
0x1c9: {  	v19 =	vxor.u32 v12, v19;
	v20 =	vxor.u32 v13, v20;
	v21 =	vxor.u32 v14, v21  }
0x1ca: {  	v22 =	vxor.u32 v15, v22;
	v23 =	vxor.u32 v16, v23;
	v9 =	vxor.u32 v17, v9  }
0x1cb: {  	v24 =	vxor.u32 v10, v24;
	v11 =	vadd.s32 v11, v18;
	v12 =	vadd.s32 v12, v19  }
0x1cc: {  	v13 =	vadd.s32 v13, v20;
	v14 =	vadd.s32 v14, v21;
	v15 =	vadd.s32 v15, v22  }
0x1cd: {  	v16 =	vadd.s32 v16, v23;
	v17 =	vadd.s32 v17, v9;
	v10 =	vadd.s32 v10, v24  }
0x1ce: {  	v52 =	vshrl.u32 v18, $0x1A;
	v18 =	vshll.u32 v18, $0x6;
	v53 =	vshrl.u32 v19, $0x1A  }
0x1cf: {  	v19 =	vshll.u32 v19, $0x6;
	v54 =	vshrl.u32 v20, $0x1A;
	v20 =	vshll.u32 v20, $0x6  }
0x1d0: {  	v55 =	vshrl.u32 v21, $0x1A;
	v21 =	vshll.u32 v21, $0x6;
	v56 =	vshrl.u32 v22, $0x1A  }
0x1d1: {  	v22 =	vshll.u32 v22, $0x6;
	v57 =	vshrl.u32 v23, $0x1A;
	v23 =	vshll.u32 v23, $0x6  }
0x1d2: {  	v58 =	vshrl.u32 v9, $0x1A;
	v9 =	vshll.u32 v9, $0x6;
	v59 =	vshrl.u32 v24, $0x1A  }
0x1d3: {  	v24 =	vshll.u32 v24, $0x6;
	v18 =	vor.u32 v52, v18;
	v19 =	vor.u32 v53, v19  }
0x1d4: {  	v20 =	vor.u32 v54, v20;
	v21 =	vor.u32 v55, v21;
	v22 =	vor.u32 v56, v22  }
0x1d5: {  	v23 =	vor.u32 v57, v23;
	v9 =	vor.u32 v58, v9;
	v24 =	vor.u32 v59, v24  }
0x1d6: {  	v18 =	vxor.u32 v11, v18;
	v19 =	vxor.u32 v12, v19;
	v20 =	vxor.u32 v13, v20  }
0x1d7: {  	v21 =	vxor.u32 v14, v21;
	v22 =	vxor.u32 v15, v22;
	v23 =	vxor.u32 v16, v23  }
0x1d8: {  	v9 =	vxor.u32 v17, v9;
	v24 =	vxor.u32 v10, v24;
	v18 =	vadd.s32 $0x4, v18  }
0x1d9: {  	v19 =	vadd.s32 $0x4, v19;
	v20 =	vadd.s32 $0x4, v20;
	v21 =	vadd.s32 $0x4, v21  }
0x1da: {  	v22 =	vadd.s32 $0x4, v22;
	v23 =	vadd.s32 $0x4, v23;
	v9 =	vadd.s32 $0x4, v9  }
0x1db: {  	v24 =	vadd.s32 $0x4, v24;
	v11 =	vadd.s32 v11, v18;
	v12 =	vadd.s32 v12, v19  }
0x1dc: {  	v13 =	vadd.s32 v13, v20;
	v14 =	vadd.s32 v14, v21;
	v15 =	vadd.s32 v15, v22  }
0x1dd: {  	v16 =	vadd.s32 v16, v23;
	v17 =	vadd.s32 v17, v9;
	v10 =	vadd.s32 v10, v24  }
0x1de: {  	v60 =	vshrl.u32 v18, $0xF;
	v18 =	vshll.u32 v18, $0x11;
	v61 =	vshrl.u32 v19, $0xF  }
0x1df: {  	v19 =	vshll.u32 v19, $0x11;
	v62 =	vshrl.u32 v20, $0xF;
	v20 =	vshll.u32 v20, $0x11  }
0x1e0: {  	v63 =	vshrl.u32 v21, $0xF;
	v21 =	vshll.u32 v21, $0x11;
	v33 =	vshrl.u32 v22, $0xF  }
0x1e1: {  	v22 =	vshll.u32 v22, $0x11;
	v34 =	vshrl.u32 v23, $0xF;
	v23 =	vshll.u32 v23, $0x11  }
0x1e2: {  	v35 =	vshrl.u32 v9, $0xF;
	v9 =	vshll.u32 v9, $0x11;
	v36 =	vshrl.u32 v24, $0xF  }
0x1e3: {  	v24 =	vshll.u32 v24, $0x11;
	v18 =	vor.u32 v60, v18;
	v19 =	vor.u32 v61, v19  }
0x1e4: {  	v20 =	vor.u32 v62, v20;
	v21 =	vor.u32 v63, v21;
	v22 =	vor.u32 v33, v22  }
0x1e5: {  	v23 =	vor.u32 v34, v23;
	v9 =	vor.u32 v35, v9;
	v24 =	vor.u32 v36, v24  }
0x1e6: {  	v18 =	vxor.u32 v11, v18;
	v19 =	vxor.u32 v12, v19;
	v20 =	vxor.u32 v13, v20  }
0x1e7: {  	v21 =	vxor.u32 v14, v21;
	v22 =	vxor.u32 v15, v22;
	v23 =	vxor.u32 v16, v23  }
0x1e8: {  	v9 =	vxor.u32 v17, v9;
	v24 =	vxor.u32 v10, v24;
	v11 =	vadd.s32 v11, v18  }
0x1e9: {  	v12 =	vadd.s32 v12, v19;
	v13 =	vadd.s32 v13, v20;
	v14 =	vadd.s32 v14, v21  }
0x1ea: {  	v15 =	vadd.s32 v15, v22;
	v16 =	vadd.s32 v16, v23;
	v17 =	vadd.s32 v17, v9  }
0x1eb: {  	v37 =	vshrl.u32 v18, $0x3;
	v18 =	vshll.u32 v18, $0x1D;
	v10 =	vadd.s32 v10, v24  }
0x1ec: {  	v38 =	vshrl.u32 v19, $0x3;
	v19 =	vshll.u32 v19, $0x1D;
	v39 =	vshrl.u32 v20, $0x3  }
0x1ed: {  	v20 =	vshll.u32 v20, $0x1D;
	v40 =	vshrl.u32 v21, $0x3;
	v21 =	vshll.u32 v21, $0x1D  }
0x1ee: {  	v41 =	vshrl.u32 v22, $0x3;
	v22 =	vshll.u32 v22, $0x1D;
	v42 =	vshrl.u32 v23, $0x3  }
0x1ef: {  	v23 =	vshll.u32 v23, $0x1D;
	v43 =	vshrl.u32 v9, $0x3;
	v9 =	vshll.u32 v9, $0x1D  }
0x1f0: {  	v44 =	vshrl.u32 v24, $0x3;
	v24 =	vshll.u32 v24, $0x1D;
	v18 =	vor.u32 v37, v18  }
0x1f1: {  	v19 =	vor.u32 v38, v19;
	v20 =	vor.u32 v39, v20;
	v21 =	vor.u32 v40, v21  }
0x1f2: {  	v22 =	vor.u32 v41, v22;
	v23 =	vor.u32 v42, v23;
	v9 =	vor.u32 v43, v9  }
0x1f3: {  	v24 =	vor.u32 v44, v24;
	v18 =	vxor.u32 v11, v18;
	v19 =	vxor.u32 v12, v19  }
0x1f4: {  	v20 =	vxor.u32 v13, v20;
	v21 =	vxor.u32 v14, v21;
	v22 =	vxor.u32 v15, v22  }
0x1f5: {  	v23 =	vxor.u32 v16, v23;
	v9 =	vxor.u32 v17, v9;
	v24 =	vxor.u32 v10, v24  }
0x1f6: {  	v11 =	vadd.s32 v11, v18;
	v12 =	vadd.s32 v12, v19;
	v13 =	vadd.s32 v13, v20  }
0x1f7: {  	v45 =	vadd.s32 v14, v21;
	v46 =	vadd.s32 v15, v22;
	v47 =	vadd.s32 v16, v23  }
0x1f8: {  	v14 =	vshrl.u32 v18, $0x10;
	v17 =	vadd.s32 v17, v9;
	v48 =	vadd.s32 v10, v24  }
0x1f9: {  	v10 =	vshll.u32 v18, $0x10;
	v15 =	vshrl.u32 v19, $0x10;
	v16 =	vshll.u32 v19, $0x10  }
0x1fa: {  	v18 =	vshrl.u32 v20, $0x10;
	v19 =	vshll.u32 v20, $0x10;
	v49 =	vshrl.u32 v21, $0x10  }
0x1fb: {  	v21 =	vshll.u32 v21, $0x10;
	v50 =	vshrl.u32 v22, $0x10;
	v22 =	vshll.u32 v22, $0x10  }
0x1fc: {  	v51 =	vshrl.u32 v23, $0x10;
	v23 =	vshll.u32 v23, $0x10;
	v10 =	vor.u32 v14, v10  }
0x1fd: {  	v14 =	vshrl.u32 v9, $0x10;
	v9 =	vshll.u32 v9, $0x10;
	v15 =	vor.u32 v15, v16  }
0x1fe: {  	v16 =	vshrl.u32 v24, $0x10;
	v24 =	vshll.u32 v24, $0x10;
	v18 =	vor.u32 v18, v19  }
0x1ff: {  	v19 =	vor.u32 v49, v21;
	v52 =	vor.u32 v50, v22;
	v53 =	vor.u32 v51, v23  }
0x200: {  	v54 =	vxor.u32 v11, v10;
	v9 =	vor.u32 v14, v9;
	v10 =	vor.u32 v16, v24  }
0x201: {  	v55 =	vxor.u32 v12, v15;
	v18 =	vxor.u32 v13, v18;
	v19 =	vxor.u32 v45, v19  }
0x202: {  	v20 =	vxor.u32 v46, v52;
	v21 =	vxor.u32 v47, v53;
	v56 =	vxor.u32 v17, v9  }
0x203: {  	s30 =	sand.u32 $0x70, s2;
	s9 =	sand.u32 $0x1C00, s2;
	v16 =	vadd.s32 v11, v54;
	v14 =	vadd.s32 v12, v55;
	v57 =	vxor.u32 v48, v10  }
0x204: {  	s8 =	sor.u32 s30, s9;
	v15 =	vadd.s32 v13, v18;
	v13 =	vadd.s32 v45, v19;
	v12 =	vadd.s32 v46, v20  }
0x205: {  	[tilespmem:s8+$0x80] =	vst v7;
	v11 =	vadd.s32 v47, v21;
	v7 =	vshrl.u32 v54, $0x8;
	v58 =	vshrl.u32 v55, $0x8  }
0x206: {  	[tilespmem:s8+$0x100] =	vst v8;
	v8 =	vshll.u32 v55, $0x18;
	v59 =	vshrl.u32 v18, $0x8;
	v18 =	vshll.u32 v18, $0x18  }
0x207: {  	[tilespmem:s8+$0x180] =	vst v6;
	v6 =	vshrl.u32 v19, $0x8;
	v19 =	vshll.u32 v19, $0x18;
	v60 =	vshrl.u32 v20, $0x8  }
0x208: {  	v20 =	vshll.u32 v20, $0x18;
	v61 =	vshrl.u32 v21, $0x8;
	v21 =	vshll.u32 v21, $0x18  }
0x209: {  	[tilespmem:s8+$0x280] =	vst v3;
	v10 =	vadd.s32 v17, v56;
	v9 =	vadd.s32 v48, v57;
	v17 =	vshll.u32 v54, $0x18  }
0x20a: {  	[tilespmem:s8+$0x300] =	vst v4;
	v62 =	vshrl.u32 v56, $0x8;
	v24 =	vshll.u32 v56, $0x18;
	v63 =	vshrl.u32 v57, $0x8  }
0x20b: {  	s31 =	sor.u32 s2, s2;
	[tilespmem:s8+$0x0] =	vst v5;
	v3 =	vor.u32 v58, v8;
	v4 =	vor.u32 v6, v19;
	v5 =	vor.u32 v60, v20  }
0x20c: {  	s9 =	sor.u32 $0x380, s31;
	[tilespmem:s8+$0x200] =	vst v2;
	v8 =	vor.u32 v61, v21;
	v2 =	vor.u32 v7, v17;
	v17 =	vshll.u32 v57, $0x18  }
0x20d: {  	s10 =	simm.s32 $0x20;
	s8 =	simm.s32 $0x10;
	[tilespmem:s9+$0x0] =	vst v1;
	s9 =	simm.s32 $0x0;
	v7 =	vor.u32 v59, v18;
	v1 =	vor.u32 v62, v24;
	v6 =	vor.u32 v63, v17  }
.LBB2_2:
0x20e: {  	p0 =	sne.s32 s10, $0x3F0;
	v2 =	vxor.u32 v16, v2;
	v3 =	vxor.u32 v14, v3;
	v7 =	vxor.u32 v15, v7  }
0x20f: {  	v4 =	vxor.u32 v13, v4;
	v5 =	vxor.u32 v12, v5;
	v8 =	vxor.u32 v11, v8  }
0x210: {  	v1 =	vxor.u32 v10, v1;
	v6 =	vxor.u32 v9, v6;
	v2 =	vadd.s32 $0x1BD11BDF, v2  }
0x211: {  	v3 =	vadd.s32 $0x1BD11BDF, v3;
	v7 =	vadd.s32 $0x1BD11BDF, v7;
	v4 =	vadd.s32 $0x1BD11BDF, v4  }
0x212: {  	v5 =	vadd.s32 $0x1BD11BDF, v5;
	v8 =	vadd.s32 $0x1BD11BDF, v8;
	v1 =	vadd.s32 $0x1BD11BDF, v1  }
0x213: {  	v6 =	vadd.s32 $0x1BD11BDF, v6;
	v16 =	vadd.s32 v2, v16;
	v17 =	vshrl.u32 v2, $0x13  }
0x214: {  	v2 =	vshll.u32 v2, $0xD;
	v14 =	vadd.s32 v3, v14;
	v18 =	vshrl.u32 v3, $0x13  }
0x215: {  	v3 =	vshll.u32 v3, $0xD;
	v15 =	vadd.s32 v7, v15;
	v19 =	vshrl.u32 v7, $0x13  }
0x216: {  	v7 =	vshll.u32 v7, $0xD;
	v13 =	vadd.s32 v4, v13;
	v20 =	vshrl.u32 v4, $0x13  }
0x217: {  	v4 =	vshll.u32 v4, $0xD;
	v12 =	vadd.s32 v5, v12;
	v21 =	vshrl.u32 v5, $0x13  }
0x218: {  	v5 =	vshll.u32 v5, $0xD;
	v11 =	vadd.s32 v8, v11;
	v22 =	vshrl.u32 v8, $0x13  }
0x219: {  	v8 =	vshll.u32 v8, $0xD;
	v10 =	vadd.s32 v1, v10;
	v23 =	vshrl.u32 v1, $0x13  }
0x21a: {  	v1 =	vshll.u32 v1, $0xD;
	v9 =	vadd.s32 v6, v9;
	v24 =	vshrl.u32 v6, $0x13  }
0x21b: {  	v6 =	vshll.u32 v6, $0xD;
	v16 =	vadd.s32 $0x1, v16;
	v2 =	vor.u32 v17, v2  }
0x21c: {  	v14 =	vadd.s32 $0x1, v14;
	v3 =	vor.u32 v18, v3;
	v15 =	vadd.s32 $0x1, v15  }
0x21d: {  	v7 =	vor.u32 v19, v7;
	v13 =	vadd.s32 $0x1, v13;
	v4 =	vor.u32 v20, v4  }
0x21e: {  	v12 =	vadd.s32 $0x1, v12;
	v5 =	vor.u32 v21, v5;
	v11 =	vadd.s32 $0x1, v11  }
0x21f: {  	v8 =	vor.u32 v22, v8;
	v10 =	vadd.s32 $0x1, v10;
	v1 =	vor.u32 v23, v1  }
0x220: {  	v9 =	vadd.s32 $0x1, v9;
	v6 =	vor.u32 v24, v6;
	v2 =	vxor.u32 v16, v2  }
0x221: {  	v3 =	vxor.u32 v14, v3;
	v7 =	vxor.u32 v15, v7;
	v4 =	vxor.u32 v13, v4  }
0x222: {  	v5 =	vxor.u32 v12, v5;
	v8 =	vxor.u32 v11, v8;
	v1 =	vxor.u32 v10, v1  }
0x223: {  	v6 =	vxor.u32 v9, v6;
	v16 =	vadd.s32 v16, v2;
	v14 =	vadd.s32 v14, v3  }
0x224: {  	v15 =	vadd.s32 v15, v7;
	v13 =	vadd.s32 v13, v4;
	v12 =	vadd.s32 v12, v5  }
0x225: {  	v11 =	vadd.s32 v11, v8;
	v10 =	vadd.s32 v10, v1;
	v9 =	vadd.s32 v9, v6  }
0x226: {  	v17 =	vshrl.u32 v2, $0x11;
	v2 =	vshll.u32 v2, $0xF;
	v18 =	vshrl.u32 v3, $0x11  }
0x227: {  	v3 =	vshll.u32 v3, $0xF;
	v19 =	vshrl.u32 v7, $0x11;
	v7 =	vshll.u32 v7, $0xF  }
0x228: {  	v20 =	vshrl.u32 v4, $0x11;
	v4 =	vshll.u32 v4, $0xF;
	v21 =	vshrl.u32 v5, $0x11  }
0x229: {  	v5 =	vshll.u32 v5, $0xF;
	v22 =	vshrl.u32 v8, $0x11;
	v8 =	vshll.u32 v8, $0xF  }
0x22a: {  	v23 =	vshrl.u32 v1, $0x11;
	v1 =	vshll.u32 v1, $0xF;
	v24 =	vshrl.u32 v6, $0x11  }
0x22b: {  	v6 =	vshll.u32 v6, $0xF;
	v2 =	vor.u32 v17, v2;
	v3 =	vor.u32 v18, v3  }
0x22c: {  	v7 =	vor.u32 v19, v7;
	v4 =	vor.u32 v20, v4;
	v5 =	vor.u32 v21, v5  }
0x22d: {  	v8 =	vor.u32 v22, v8;
	v1 =	vor.u32 v23, v1;
	v6 =	vor.u32 v24, v6  }
0x22e: {  	v2 =	vxor.u32 v16, v2;
	v3 =	vxor.u32 v14, v3;
	v7 =	vxor.u32 v15, v7  }
0x22f: {  	v4 =	vxor.u32 v13, v4;
	v5 =	vxor.u32 v12, v5;
	v8 =	vxor.u32 v11, v8  }
0x230: {  	v1 =	vxor.u32 v10, v1;
	v6 =	vxor.u32 v9, v6;
	v16 =	vadd.s32 v16, v2  }
0x231: {  	v14 =	vadd.s32 v14, v3;
	v15 =	vadd.s32 v15, v7;
	v13 =	vadd.s32 v13, v4  }
0x232: {  	v12 =	vadd.s32 v12, v5;
	v11 =	vadd.s32 v11, v8;
	v10 =	vadd.s32 v10, v1  }
0x233: {  	v17 =	vshrl.u32 v2, $0x6;
	v2 =	vshll.u32 v2, $0x1A;
	v9 =	vadd.s32 v9, v6  }
0x234: {  	v18 =	vshrl.u32 v3, $0x6;
	v3 =	vshll.u32 v3, $0x1A;
	v19 =	vshrl.u32 v7, $0x6  }
0x235: {  	v7 =	vshll.u32 v7, $0x1A;
	v20 =	vshrl.u32 v4, $0x6;
	v4 =	vshll.u32 v4, $0x1A  }
0x236: {  	v21 =	vshrl.u32 v5, $0x6;
	v5 =	vshll.u32 v5, $0x1A;
	v22 =	vshrl.u32 v8, $0x6  }
0x237: {  	v8 =	vshll.u32 v8, $0x1A;
	v23 =	vshrl.u32 v1, $0x6;
	v1 =	vshll.u32 v1, $0x1A  }
0x238: {  	v2 =	vor.u32 v17, v2;
	v17 =	vshrl.u32 v6, $0x6;
	v6 =	vshll.u32 v6, $0x1A  }
0x239: {  	v3 =	vor.u32 v18, v3;
	v7 =	vor.u32 v19, v7;
	v4 =	vor.u32 v20, v4  }
0x23a: {  	v5 =	vor.u32 v21, v5;
	v8 =	vor.u32 v22, v8;
	v1 =	vor.u32 v23, v1  }
0x23b: {  	v2 =	vxor.u32 v16, v2;
	v3 =	vxor.u32 v14, v3;
	v6 =	vor.u32 v17, v6  }
0x23c: {  	v7 =	vxor.u32 v15, v7;
	v4 =	vxor.u32 v13, v4;
	v5 =	vxor.u32 v12, v5  }
0x23d: {  	v8 =	vxor.u32 v11, v8;
	v1 =	vxor.u32 v10, v1;
	v6 =	vxor.u32 v9, v6  }
0x23e: {  	v16 =	vadd.s32 v16, v2;
	v14 =	vadd.s32 v14, v3;
	v15 =	vadd.s32 v15, v7  }
0x23f: {  	v13 =	vadd.s32 v13, v4;
	v12 =	vadd.s32 v12, v5;
	v11 =	vadd.s32 v11, v8  }
0x240: {  	v17 =	vshrl.u32 v2, $0x1A;
	v10 =	vadd.s32 v10, v1;
	v9 =	vadd.s32 v9, v6  }
0x241: {  	v2 =	vshll.u32 v2, $0x6;
	v18 =	vshrl.u32 v3, $0x1A;
	v3 =	vshll.u32 v3, $0x6  }
0x242: {  	v19 =	vshrl.u32 v7, $0x1A;
	v7 =	vshll.u32 v7, $0x6;
	v20 =	vshrl.u32 v4, $0x1A  }
0x243: {  	v4 =	vshll.u32 v4, $0x6;
	v21 =	vshrl.u32 v5, $0x1A;
	v5 =	vshll.u32 v5, $0x6  }
0x244: {  	v22 =	vshrl.u32 v8, $0x1A;
	v8 =	vshll.u32 v8, $0x6;
	v23 =	vshrl.u32 v1, $0x1A  }
0x245: {  	v1 =	vshll.u32 v1, $0x6;
	v24 =	vshrl.u32 v6, $0x1A;
	v6 =	vshll.u32 v6, $0x6  }
0x246: {  	v25 =	vadd.s32 $0x1BD11BDB, v16;
	v26 =	vadd.s32 $0x1BD11BDB, v14;
	v27 =	vadd.s32 $0x1BD11BDB, v15  }
0x247: {  	v28 =	vadd.s32 $0x1BD11BDB, v13;
	v29 =	vadd.s32 $0x1BD11BDB, v12;
	v30 =	vadd.s32 $0x1BD11BDB, v11  }
0x248: {  	v2 =	vor.u32 v17, v2;
	v3 =	vor.u32 v18, v3;
	v17 =	vadd.s32 $0x1BD11BDB, v10  }
0x249: {  	v7 =	vor.u32 v19, v7;
	v4 =	vor.u32 v20, v4;
	v5 =	vor.u32 v21, v5  }
0x24a: {  	s9 =	sadd.s32 $0x80, s9;
	v8 =	vor.u32 v22, v8;
	v1 =	vor.u32 v23, v1;
	v3 =	vxor.u32 v14, v3  }
0x24b: {  	s11 =	sand.u32 $0x70, s8;
	s12 =	sand.u32 $0x1C00, s9;
	v7 =	vxor.u32 v15, v7;
	v6 =	vor.u32 v24, v6;
	v3 =	vadd.s32 $0x5, v3  }
0x24c: {  	s11 =	sor.u32 s11, s12;
	v4 =	vxor.u32 v13, v4;
	v7 =	vadd.s32 $0x5, v7;
	v3 =	vxor.u32 v26, v3  }
0x24d: {  	v5 =	vxor.u32 v12, v5;
	v4 =	vadd.s32 $0x5, v4;
	[tilespmem:s11+$0x80] =	vst v3;
	v3 =	vxor.u32 v27, v7  }
0x24e: {  	[tilespmem:s11+$0x100] =	vst v3;
	v3 =	vxor.u32 v28, v4;
	v4 =	vadd.s32 $0x5, v5;
	v5 =	vxor.u32 v11, v8  }
0x24f: {  	v1 =	vxor.u32 v10, v1;
	[tilespmem:s11+$0x180] =	vst v3;
	v3 =	vxor.u32 v29, v4;
	v4 =	vadd.s32 $0x5, v5  }
0x250: {  	v2 =	vxor.u32 v16, v2;
	v1 =	vadd.s32 $0x5, v1;
	[tilespmem:s11+$0x200] =	vst v3;
	v3 =	vxor.u32 v30, v4  }
0x251: {  	v2 =	vadd.s32 $0x5, v2;
	v1 =	vxor.u32 v17, v1;
	[tilespmem:s11+$0x280] =	vst v3;
	v3 =	vxor.u32 v9, v6  }
0x252: {  	s13 =	sor.u32 s9, s8;
	s8 =	smov.u32 s10;
	s12 =	sadd.s32 s10, s3;
	v2 =	vxor.u32 v25, v2;
	[tilespmem:s11+$0x300] =	vst v1;
	v1 =	vadd.s32 $0x1BD11BDB, v9;
	v3 =	vadd.s32 $0x5, v3  }
0x253: {  	v4 =	vmov s12;
	[tilespmem:s11+$0x0] =	vst v2;
	v1 =	vxor.u32 v1, v3;
	s11 =	sor.u32 $0x380, s13  }
0x254: {  	v2 =	vshll.u32 v4, $0x3;
	[tilespmem:s11+$0x0] =	vst v1  }
0x255: {  	v1 =	vor.u32 v0, v2  }
0x256: {  	v2 =	vshrl.u32 v2, $0x13;
	v3 =	vor.u32 $0x1, v1;
	v4 =	vor.u32 $0x2, v1  }
0x257: {  	v5 =	vor.u32 $0x3, v1;
	v6 =	vor.u32 $0x4, v1;
	v7 =	vor.u32 $0x5, v1  }
0x258: {  	v8 =	vor.u32 $0x6, v1;
	v9 =	vor.u32 $0x7, v1;
	v1 =	vadd.s32 $0x8, v1  }
0x259: {  	v10 =	vshll.u32 v3, $0xD;
	v11 =	vshll.u32 v4, $0xD;
	v12 =	vshll.u32 v5, $0xD  }
0x25a: {  	v13 =	vshll.u32 v6, $0xD;
	v14 =	vshll.u32 v7, $0xD;
	v15 =	vshll.u32 v8, $0xD  }
0x25b: {  	v16 =	vshll.u32 v9, $0xD;
	v17 =	vshrl.u32 v1, $0x13;
	v18 =	vshll.u32 v1, $0xD  }
0x25c: {  	v10 =	vor.u32 v2, v10;
	v11 =	vor.u32 v2, v11;
	v12 =	vor.u32 v2, v12  }
0x25d: {  	v13 =	vor.u32 v2, v13;
	v14 =	vor.u32 v2, v14;
	v15 =	vor.u32 v2, v15  }
0x25e: {  	v2 =	vor.u32 v2, v16;
	v16 =	vor.u32 v17, v18;
	v10 =	vxor.u32 v3, v10  }
0x25f: {  	v11 =	vxor.u32 v4, v11;
	v12 =	vxor.u32 v5, v12;
	v13 =	vxor.u32 v6, v13  }
0x260: {  	v14 =	vxor.u32 v7, v14;
	v15 =	vxor.u32 v8, v15;
	v2 =	vxor.u32 v9, v2  }
0x261: {  	v16 =	vxor.u32 v1, v16;
	v3 =	vadd.s32 v3, v10;
	v4 =	vadd.s32 v4, v11  }
0x262: {  	v5 =	vadd.s32 v5, v12;
	v6 =	vadd.s32 v6, v13;
	v7 =	vadd.s32 v7, v14  }
0x263: {  	v8 =	vadd.s32 v8, v15;
	v9 =	vadd.s32 v9, v2;
	v1 =	vadd.s32 v1, v16  }
0x264: {  	v17 =	vshrl.u32 v10, $0x11;
	v10 =	vshll.u32 v10, $0xF;
	v18 =	vshrl.u32 v11, $0x11  }
0x265: {  	v11 =	vshll.u32 v11, $0xF;
	v19 =	vshrl.u32 v12, $0x11;
	v12 =	vshll.u32 v12, $0xF  }
0x266: {  	v20 =	vshrl.u32 v13, $0x11;
	v13 =	vshll.u32 v13, $0xF;
	v21 =	vshrl.u32 v14, $0x11  }
0x267: {  	v14 =	vshll.u32 v14, $0xF;
	v22 =	vshrl.u32 v15, $0x11;
	v15 =	vshll.u32 v15, $0xF  }
0x268: {  	v23 =	vshrl.u32 v2, $0x11;
	v2 =	vshll.u32 v2, $0xF;
	v24 =	vshrl.u32 v16, $0x11  }
0x269: {  	v16 =	vshll.u32 v16, $0xF;
	v10 =	vor.u32 v17, v10;
	v11 =	vor.u32 v18, v11  }
0x26a: {  	v12 =	vor.u32 v19, v12;
	v13 =	vor.u32 v20, v13;
	v14 =	vor.u32 v21, v14  }
0x26b: {  	v15 =	vor.u32 v22, v15;
	v2 =	vor.u32 v23, v2;
	v16 =	vor.u32 v24, v16  }
0x26c: {  	v10 =	vxor.u32 v3, v10;
	v11 =	vxor.u32 v4, v11;
	v12 =	vxor.u32 v5, v12  }
0x26d: {  	v13 =	vxor.u32 v6, v13;
	v14 =	vxor.u32 v7, v14;
	v15 =	vxor.u32 v8, v15  }
0x26e: {  	v2 =	vxor.u32 v9, v2;
	v16 =	vxor.u32 v1, v16;
	v3 =	vadd.s32 v3, v10  }
0x26f: {  	v4 =	vadd.s32 v4, v11;
	v5 =	vadd.s32 v5, v12;
	v6 =	vadd.s32 v6, v13  }
0x270: {  	v7 =	vadd.s32 v7, v14;
	v8 =	vadd.s32 v8, v15;
	v9 =	vadd.s32 v9, v2  }
0x271: {  	v17 =	vshrl.u32 v10, $0x6;
	v10 =	vshll.u32 v10, $0x1A;
	v1 =	vadd.s32 v1, v16  }
0x272: {  	v18 =	vshrl.u32 v11, $0x6;
	v11 =	vshll.u32 v11, $0x1A;
	v19 =	vshrl.u32 v12, $0x6  }
0x273: {  	v12 =	vshll.u32 v12, $0x1A;
	v20 =	vshrl.u32 v13, $0x6;
	v13 =	vshll.u32 v13, $0x1A  }
0x274: {  	v21 =	vshrl.u32 v14, $0x6;
	v14 =	vshll.u32 v14, $0x1A;
	v22 =	vshrl.u32 v15, $0x6  }
0x275: {  	v15 =	vshll.u32 v15, $0x1A;
	v23 =	vshrl.u32 v2, $0x6;
	v2 =	vshll.u32 v2, $0x1A  }
0x276: {  	v10 =	vor.u32 v17, v10;
	v17 =	vshrl.u32 v16, $0x6;
	v16 =	vshll.u32 v16, $0x1A  }
0x277: {  	v11 =	vor.u32 v18, v11;
	v12 =	vor.u32 v19, v12;
	v13 =	vor.u32 v20, v13  }
0x278: {  	v14 =	vor.u32 v21, v14;
	v15 =	vor.u32 v22, v15;
	v2 =	vor.u32 v23, v2  }
0x279: {  	v10 =	vxor.u32 v3, v10;
	v11 =	vxor.u32 v4, v11;
	v16 =	vor.u32 v17, v16  }
0x27a: {  	v12 =	vxor.u32 v5, v12;
	v13 =	vxor.u32 v6, v13;
	v14 =	vxor.u32 v7, v14  }
0x27b: {  	v15 =	vxor.u32 v8, v15;
	v2 =	vxor.u32 v9, v2;
	v16 =	vxor.u32 v1, v16  }
0x27c: {  	v3 =	vadd.s32 v3, v10;
	v4 =	vadd.s32 v4, v11;
	v5 =	vadd.s32 v5, v12  }
0x27d: {  	v6 =	vadd.s32 v6, v13;
	v7 =	vadd.s32 v7, v14;
	v8 =	vadd.s32 v8, v15  }
0x27e: {  	v17 =	vshrl.u32 v10, $0x1A;
	v9 =	vadd.s32 v9, v2;
	v1 =	vadd.s32 v1, v16  }
0x27f: {  	v10 =	vshll.u32 v10, $0x6;
	v18 =	vshrl.u32 v11, $0x1A;
	v11 =	vshll.u32 v11, $0x6  }
0x280: {  	v19 =	vshrl.u32 v12, $0x1A;
	v12 =	vshll.u32 v12, $0x6;
	v20 =	vshrl.u32 v13, $0x1A  }
0x281: {  	v13 =	vshll.u32 v13, $0x6;
	v21 =	vshrl.u32 v14, $0x1A;
	v14 =	vshll.u32 v14, $0x6  }
0x282: {  	v22 =	vshrl.u32 v15, $0x1A;
	v15 =	vshll.u32 v15, $0x6;
	v23 =	vshrl.u32 v2, $0x1A  }
0x283: {  	v2 =	vshll.u32 v2, $0x6;
	v24 =	vshrl.u32 v16, $0x1A;
	v16 =	vshll.u32 v16, $0x6  }
0x284: {  	v10 =	vor.u32 v17, v10;
	v11 =	vor.u32 v18, v11;
	v12 =	vor.u32 v19, v12  }
0x285: {  	v13 =	vor.u32 v20, v13;
	v14 =	vor.u32 v21, v14;
	v15 =	vor.u32 v22, v15  }
0x286: {  	v2 =	vor.u32 v23, v2;
	v10 =	vxor.u32 v3, v10;
	v16 =	vor.u32 v24, v16  }
0x287: {  	v11 =	vxor.u32 v4, v11;
	v12 =	vxor.u32 v5, v12;
	v13 =	vxor.u32 v6, v13  }
0x288: {  	v14 =	vxor.u32 v7, v14;
	v15 =	vxor.u32 v8, v15;
	v2 =	vxor.u32 v9, v2  }
0x289: {  	v10 =	vadd.s32 $0x1BD11BDC, v10;
	v11 =	vadd.s32 $0x1BD11BDC, v11;
	v16 =	vxor.u32 v1, v16  }
0x28a: {  	v12 =	vadd.s32 $0x1BD11BDC, v12;
	v13 =	vadd.s32 $0x1BD11BDC, v13;
	v14 =	vadd.s32 $0x1BD11BDC, v14  }
0x28b: {  	v15 =	vadd.s32 $0x1BD11BDC, v15;
	v2 =	vadd.s32 $0x1BD11BDC, v2;
	v16 =	vadd.s32 $0x1BD11BDC, v16  }
0x28c: {  	v3 =	vadd.s32 v10, v3;
	v17 =	vshrl.u32 v10, $0xF;
	v10 =	vshll.u32 v10, $0x11  }
0x28d: {  	v4 =	vadd.s32 v11, v4;
	v18 =	vshrl.u32 v11, $0xF;
	v11 =	vshll.u32 v11, $0x11  }
0x28e: {  	v5 =	vadd.s32 v12, v5;
	v19 =	vshrl.u32 v12, $0xF;
	v12 =	vshll.u32 v12, $0x11  }
0x28f: {  	v6 =	vadd.s32 v13, v6;
	v20 =	vshrl.u32 v13, $0xF;
	v13 =	vshll.u32 v13, $0x11  }
0x290: {  	v7 =	vadd.s32 v14, v7;
	v21 =	vshrl.u32 v14, $0xF;
	v14 =	vshll.u32 v14, $0x11  }
0x291: {  	v8 =	vadd.s32 v15, v8;
	v22 =	vshrl.u32 v15, $0xF;
	v15 =	vshll.u32 v15, $0x11  }
0x292: {  	v9 =	vadd.s32 v2, v9;
	v23 =	vshrl.u32 v2, $0xF;
	v2 =	vshll.u32 v2, $0x11  }
0x293: {  	v1 =	vadd.s32 v16, v1;
	v24 =	vshrl.u32 v16, $0xF;
	v16 =	vshll.u32 v16, $0x11  }
0x294: {  	v3 =	vadd.s32 $0x1, v3;
	v10 =	vor.u32 v17, v10;
	v4 =	vadd.s32 $0x1, v4  }
0x295: {  	v11 =	vor.u32 v18, v11;
	v5 =	vadd.s32 $0x1, v5;
	v12 =	vor.u32 v19, v12  }
0x296: {  	v6 =	vadd.s32 $0x1, v6;
	v13 =	vor.u32 v20, v13;
	v7 =	vadd.s32 $0x1, v7  }
0x297: {  	v14 =	vor.u32 v21, v14;
	v8 =	vadd.s32 $0x1, v8;
	v15 =	vor.u32 v22, v15  }
0x298: {  	v9 =	vadd.s32 $0x1, v9;
	v2 =	vor.u32 v23, v2;
	v1 =	vadd.s32 $0x1, v1  }
0x299: {  	v10 =	vxor.u32 v3, v10;
	v11 =	vxor.u32 v4, v11;
	v16 =	vor.u32 v24, v16  }
0x29a: {  	v12 =	vxor.u32 v5, v12;
	v13 =	vxor.u32 v6, v13;
	v14 =	vxor.u32 v7, v14  }
0x29b: {  	v15 =	vxor.u32 v8, v15;
	v2 =	vxor.u32 v9, v2;
	v16 =	vxor.u32 v1, v16  }
0x29c: {  	v3 =	vadd.s32 v3, v10;
	v4 =	vadd.s32 v4, v11;
	v5 =	vadd.s32 v5, v12  }
0x29d: {  	v6 =	vadd.s32 v6, v13;
	v7 =	vadd.s32 v7, v14;
	v8 =	vadd.s32 v8, v15  }
0x29e: {  	v17 =	vshrl.u32 v10, $0x3;
	v9 =	vadd.s32 v9, v2;
	v1 =	vadd.s32 v1, v16  }
0x29f: {  	v10 =	vshll.u32 v10, $0x1D;
	v18 =	vshrl.u32 v11, $0x3;
	v11 =	vshll.u32 v11, $0x1D  }
0x2a0: {  	v19 =	vshrl.u32 v12, $0x3;
	v12 =	vshll.u32 v12, $0x1D;
	v20 =	vshrl.u32 v13, $0x3  }
0x2a1: {  	v13 =	vshll.u32 v13, $0x1D;
	v21 =	vshrl.u32 v14, $0x3;
	v14 =	vshll.u32 v14, $0x1D  }
0x2a2: {  	v22 =	vshrl.u32 v15, $0x3;
	v15 =	vshll.u32 v15, $0x1D;
	v23 =	vshrl.u32 v2, $0x3  }
0x2a3: {  	v2 =	vshll.u32 v2, $0x1D;
	v24 =	vshrl.u32 v16, $0x3;
	v16 =	vshll.u32 v16, $0x1D  }
0x2a4: {  	v10 =	vor.u32 v17, v10;
	v11 =	vor.u32 v18, v11;
	v12 =	vor.u32 v19, v12  }
0x2a5: {  	v13 =	vor.u32 v20, v13;
	v14 =	vor.u32 v21, v14;
	v15 =	vor.u32 v22, v15  }
0x2a6: {  	v2 =	vor.u32 v23, v2;
	v10 =	vxor.u32 v3, v10;
	v16 =	vor.u32 v24, v16  }
0x2a7: {  	v11 =	vxor.u32 v4, v11;
	v12 =	vxor.u32 v5, v12;
	v13 =	vxor.u32 v6, v13  }
0x2a8: {  	v14 =	vxor.u32 v7, v14;
	v15 =	vxor.u32 v8, v15;
	v2 =	vxor.u32 v9, v2  }
0x2a9: {  	v3 =	vadd.s32 v3, v10;
	v4 =	vadd.s32 v4, v11;
	v16 =	vxor.u32 v1, v16  }
0x2aa: {  	v5 =	vadd.s32 v5, v12;
	v6 =	vadd.s32 v6, v13;
	v7 =	vadd.s32 v7, v14  }
0x2ab: {  	v8 =	vadd.s32 v8, v15;
	v9 =	vadd.s32 v9, v2;
	v1 =	vadd.s32 v1, v16  }
0x2ac: {  	v17 =	vshrl.u32 v10, $0x10;
	v10 =	vshll.u32 v10, $0x10;
	v18 =	vshrl.u32 v11, $0x10  }
0x2ad: {  	v11 =	vshll.u32 v11, $0x10;
	v19 =	vshrl.u32 v12, $0x10;
	v12 =	vshll.u32 v12, $0x10  }
0x2ae: {  	v20 =	vshrl.u32 v13, $0x10;
	v13 =	vshll.u32 v13, $0x10;
	v21 =	vshrl.u32 v14, $0x10  }
0x2af: {  	v14 =	vshll.u32 v14, $0x10;
	v22 =	vshrl.u32 v15, $0x10;
	v15 =	vshll.u32 v15, $0x10  }
0x2b0: {  	v23 =	vshrl.u32 v2, $0x10;
	v2 =	vshll.u32 v2, $0x10;
	v24 =	vshrl.u32 v16, $0x10  }
0x2b1: {  	v10 =	vor.u32 v17, v10;
	v11 =	vor.u32 v18, v11;
	v16 =	vshll.u32 v16, $0x10  }
0x2b2: {  	v12 =	vor.u32 v19, v12;
	v13 =	vor.u32 v20, v13;
	v14 =	vor.u32 v21, v14  }
0x2b3: {  	v15 =	vor.u32 v22, v15;
	v2 =	vor.u32 v23, v2;
	v16 =	vor.u32 v24, v16  }
0x2b4: {  	v10 =	vxor.u32 v3, v10;
	v11 =	vxor.u32 v4, v11;
	v12 =	vxor.u32 v5, v12  }
0x2b5: {  	v13 =	vxor.u32 v6, v13;
	v14 =	vxor.u32 v7, v14;
	v15 =	vxor.u32 v8, v15  }
0x2b6: {  	v2 =	vxor.u32 v9, v2;
	v3 =	vadd.s32 v3, v10;
	v16 =	vxor.u32 v1, v16  }
0x2b7: {  	v4 =	vadd.s32 v4, v11;
	v5 =	vadd.s32 v5, v12;
	v6 =	vadd.s32 v6, v13  }
0x2b8: {  	v7 =	vadd.s32 v7, v14;
	v8 =	vadd.s32 v8, v15;
	v9 =	vadd.s32 v9, v2  }
0x2b9: {  	v17 =	vshrl.u32 v10, $0x8;
	v10 =	vshll.u32 v10, $0x18;
	v1 =	vadd.s32 v1, v16  }
0x2ba: {  	v18 =	vshrl.u32 v11, $0x8;
	v11 =	vshll.u32 v11, $0x18;
	v19 =	vshrl.u32 v12, $0x8  }
0x2bb: {  	v12 =	vshll.u32 v12, $0x18;
	v20 =	vshrl.u32 v13, $0x8;
	v13 =	vshll.u32 v13, $0x18  }
0x2bc: {  	v21 =	vshrl.u32 v14, $0x8;
	v14 =	vshll.u32 v14, $0x18;
	v22 =	vshrl.u32 v15, $0x8  }
0x2bd: {  	v15 =	vshll.u32 v15, $0x18;
	v23 =	vshrl.u32 v2, $0x8;
	v2 =	vshll.u32 v2, $0x18  }
0x2be: {  	v10 =	vor.u32 v17, v10;
	v17 =	vshrl.u32 v16, $0x8;
	v16 =	vshll.u32 v16, $0x18  }
0x2bf: {  	v11 =	vor.u32 v18, v11;
	v12 =	vor.u32 v19, v12;
	v13 =	vor.u32 v20, v13  }
0x2c0: {  	v14 =	vor.u32 v21, v14;
	v15 =	vor.u32 v22, v15;
	v2 =	vor.u32 v23, v2  }
0x2c1: {  	v10 =	vxor.u32 v3, v10;
	v11 =	vxor.u32 v4, v11;
	v16 =	vor.u32 v17, v16  }
0x2c2: {  	v12 =	vxor.u32 v5, v12;
	v13 =	vxor.u32 v6, v13;
	v14 =	vxor.u32 v7, v14  }
0x2c3: {  	v15 =	vxor.u32 v8, v15;
	v2 =	vxor.u32 v9, v2;
	v16 =	vxor.u32 v1, v16  }
0x2c4: {  	v10 =	vadd.s32 $0x2, v10;
	v11 =	vadd.s32 $0x2, v11;
	v12 =	vadd.s32 $0x2, v12  }
0x2c5: {  	v13 =	vadd.s32 $0x2, v13;
	v14 =	vadd.s32 $0x2, v14;
	v15 =	vadd.s32 $0x2, v15  }
0x2c6: {  	v2 =	vadd.s32 $0x2, v2;
	v3 =	vadd.s32 v10, v3;
	v16 =	vadd.s32 $0x2, v16  }
0x2c7: {  	v17 =	vshrl.u32 v10, $0x13;
	v10 =	vshll.u32 v10, $0xD;
	v4 =	vadd.s32 v11, v4  }
0x2c8: {  	v18 =	vshrl.u32 v11, $0x13;
	v11 =	vshll.u32 v11, $0xD;
	v5 =	vadd.s32 v12, v5  }
0x2c9: {  	v19 =	vshrl.u32 v12, $0x13;
	v12 =	vshll.u32 v12, $0xD;
	v6 =	vadd.s32 v13, v6  }
0x2ca: {  	v20 =	vshrl.u32 v13, $0x13;
	v13 =	vshll.u32 v13, $0xD;
	v7 =	vadd.s32 v14, v7  }
0x2cb: {  	v21 =	vshrl.u32 v14, $0x13;
	v14 =	vshll.u32 v14, $0xD;
	v8 =	vadd.s32 v15, v8  }
0x2cc: {  	v22 =	vshrl.u32 v15, $0x13;
	v15 =	vshll.u32 v15, $0xD;
	v9 =	vadd.s32 v2, v9  }
0x2cd: {  	v23 =	vshrl.u32 v2, $0x13;
	v2 =	vshll.u32 v2, $0xD;
	v1 =	vadd.s32 v16, v1  }
0x2ce: {  	v3 =	vadd.s32 $0x1BD11BDB, v3;
	v24 =	vshrl.u32 v16, $0x13;
	v16 =	vshll.u32 v16, $0xD  }
0x2cf: {  	v10 =	vor.u32 v17, v10;
	v4 =	vadd.s32 $0x1BD11BDB, v4;
	v11 =	vor.u32 v18, v11  }
0x2d0: {  	v5 =	vadd.s32 $0x1BD11BDB, v5;
	v12 =	vor.u32 v19, v12;
	v6 =	vadd.s32 $0x1BD11BDB, v6  }
0x2d1: {  	v13 =	vor.u32 v20, v13;
	v7 =	vadd.s32 $0x1BD11BDB, v7;
	v14 =	vor.u32 v21, v14  }
0x2d2: {  	v8 =	vadd.s32 $0x1BD11BDB, v8;
	v15 =	vor.u32 v22, v15;
	v9 =	vadd.s32 $0x1BD11BDB, v9  }
0x2d3: {  	v2 =	vor.u32 v23, v2;
	v1 =	vadd.s32 $0x1BD11BDB, v1;
	v16 =	vor.u32 v24, v16  }
0x2d4: {  	v10 =	vxor.u32 v3, v10;
	v11 =	vxor.u32 v4, v11;
	v12 =	vxor.u32 v5, v12  }
0x2d5: {  	v13 =	vxor.u32 v6, v13;
	v14 =	vxor.u32 v7, v14;
	v15 =	vxor.u32 v8, v15  }
0x2d6: {  	v2 =	vxor.u32 v9, v2;
	v3 =	vadd.s32 v3, v10;
	v16 =	vxor.u32 v1, v16  }
0x2d7: {  	v4 =	vadd.s32 v4, v11;
	v5 =	vadd.s32 v5, v12;
	v6 =	vadd.s32 v6, v13  }
0x2d8: {  	v7 =	vadd.s32 v7, v14;
	v8 =	vadd.s32 v8, v15;
	v9 =	vadd.s32 v9, v2  }
0x2d9: {  	v17 =	vshrl.u32 v10, $0x11;
	v10 =	vshll.u32 v10, $0xF;
	v1 =	vadd.s32 v1, v16  }
0x2da: {  	v18 =	vshrl.u32 v11, $0x11;
	v11 =	vshll.u32 v11, $0xF;
	v19 =	vshrl.u32 v12, $0x11  }
0x2db: {  	v12 =	vshll.u32 v12, $0xF;
	v20 =	vshrl.u32 v13, $0x11;
	v13 =	vshll.u32 v13, $0xF  }
0x2dc: {  	v21 =	vshrl.u32 v14, $0x11;
	v14 =	vshll.u32 v14, $0xF;
	v22 =	vshrl.u32 v15, $0x11  }
0x2dd: {  	v15 =	vshll.u32 v15, $0xF;
	v23 =	vshrl.u32 v2, $0x11;
	v2 =	vshll.u32 v2, $0xF  }
0x2de: {  	v10 =	vor.u32 v17, v10;
	v17 =	vshrl.u32 v16, $0x11;
	v16 =	vshll.u32 v16, $0xF  }
0x2df: {  	v11 =	vor.u32 v18, v11;
	v12 =	vor.u32 v19, v12;
	v13 =	vor.u32 v20, v13  }
0x2e0: {  	v14 =	vor.u32 v21, v14;
	v15 =	vor.u32 v22, v15;
	v2 =	vor.u32 v23, v2  }
0x2e1: {  	v10 =	vxor.u32 v3, v10;
	v11 =	vxor.u32 v4, v11;
	v16 =	vor.u32 v17, v16  }
0x2e2: {  	v12 =	vxor.u32 v5, v12;
	v13 =	vxor.u32 v6, v13;
	v14 =	vxor.u32 v7, v14  }
0x2e3: {  	v15 =	vxor.u32 v8, v15;
	v2 =	vxor.u32 v9, v2;
	v16 =	vxor.u32 v1, v16  }
0x2e4: {  	v3 =	vadd.s32 v3, v10;
	v4 =	vadd.s32 v4, v11;
	v5 =	vadd.s32 v5, v12  }
0x2e5: {  	v6 =	vadd.s32 v6, v13;
	v7 =	vadd.s32 v7, v14;
	v8 =	vadd.s32 v8, v15  }
0x2e6: {  	v17 =	vshrl.u32 v10, $0x6;
	v9 =	vadd.s32 v9, v2;
	v1 =	vadd.s32 v1, v16  }
0x2e7: {  	v10 =	vshll.u32 v10, $0x1A;
	v18 =	vshrl.u32 v11, $0x6;
	v11 =	vshll.u32 v11, $0x1A  }
0x2e8: {  	v19 =	vshrl.u32 v12, $0x6;
	v12 =	vshll.u32 v12, $0x1A;
	v20 =	vshrl.u32 v13, $0x6  }
0x2e9: {  	v13 =	vshll.u32 v13, $0x1A;
	v21 =	vshrl.u32 v14, $0x6;
	v14 =	vshll.u32 v14, $0x1A  }
0x2ea: {  	v22 =	vshrl.u32 v15, $0x6;
	v15 =	vshll.u32 v15, $0x1A;
	v23 =	vshrl.u32 v2, $0x6  }
0x2eb: {  	v2 =	vshll.u32 v2, $0x1A;
	v24 =	vshrl.u32 v16, $0x6;
	v16 =	vshll.u32 v16, $0x1A  }
0x2ec: {  	v10 =	vor.u32 v17, v10;
	v11 =	vor.u32 v18, v11;
	v12 =	vor.u32 v19, v12  }
0x2ed: {  	v13 =	vor.u32 v20, v13;
	v14 =	vor.u32 v21, v14;
	v15 =	vor.u32 v22, v15  }
0x2ee: {  	v2 =	vor.u32 v23, v2;
	v10 =	vxor.u32 v3, v10;
	v16 =	vor.u32 v24, v16  }
0x2ef: {  	v11 =	vxor.u32 v4, v11;
	v12 =	vxor.u32 v5, v12;
	v13 =	vxor.u32 v6, v13  }
0x2f0: {  	v14 =	vxor.u32 v7, v14;
	v15 =	vxor.u32 v8, v15;
	v2 =	vxor.u32 v9, v2  }
0x2f1: {  	v3 =	vadd.s32 v3, v10;
	v4 =	vadd.s32 v4, v11;
	v16 =	vxor.u32 v1, v16  }
0x2f2: {  	v5 =	vadd.s32 v5, v12;
	v6 =	vadd.s32 v6, v13;
	v7 =	vadd.s32 v7, v14  }
0x2f3: {  	v8 =	vadd.s32 v8, v15;
	v9 =	vadd.s32 v9, v2;
	v1 =	vadd.s32 v1, v16  }
0x2f4: {  	v17 =	vshrl.u32 v10, $0x1A;
	v10 =	vshll.u32 v10, $0x6;
	v18 =	vshrl.u32 v11, $0x1A  }
0x2f5: {  	v11 =	vshll.u32 v11, $0x6;
	v19 =	vshrl.u32 v12, $0x1A;
	v12 =	vshll.u32 v12, $0x6  }
0x2f6: {  	v20 =	vshrl.u32 v13, $0x1A;
	v13 =	vshll.u32 v13, $0x6;
	v21 =	vshrl.u32 v14, $0x1A  }
0x2f7: {  	v14 =	vshll.u32 v14, $0x6;
	v22 =	vshrl.u32 v15, $0x1A;
	v15 =	vshll.u32 v15, $0x6  }
0x2f8: {  	v23 =	vshrl.u32 v2, $0x1A;
	v2 =	vshll.u32 v2, $0x6;
	v24 =	vshrl.u32 v16, $0x1A  }
0x2f9: {  	v10 =	vor.u32 v17, v10;
	v11 =	vor.u32 v18, v11;
	v16 =	vshll.u32 v16, $0x6  }
0x2fa: {  	v12 =	vor.u32 v19, v12;
	v13 =	vor.u32 v20, v13;
	v14 =	vor.u32 v21, v14  }
0x2fb: {  	v15 =	vor.u32 v22, v15;
	v2 =	vor.u32 v23, v2;
	v16 =	vor.u32 v24, v16  }
0x2fc: {  	v10 =	vxor.u32 v3, v10;
	v11 =	vxor.u32 v4, v11;
	v12 =	vxor.u32 v5, v12  }
0x2fd: {  	v13 =	vxor.u32 v6, v13;
	v14 =	vxor.u32 v7, v14;
	v15 =	vxor.u32 v8, v15  }
0x2fe: {  	v2 =	vxor.u32 v9, v2;
	v10 =	vadd.s32 $0x4, v10;
	v16 =	vxor.u32 v1, v16  }
0x2ff: {  	v11 =	vadd.s32 $0x4, v11;
	v12 =	vadd.s32 $0x4, v12;
	v13 =	vadd.s32 $0x4, v13  }
0x300: {  	v14 =	vadd.s32 $0x4, v14;
	v15 =	vadd.s32 $0x4, v15;
	v2 =	vadd.s32 $0x4, v2  }
0x301: {  	v3 =	vadd.s32 v3, v10;
	v4 =	vadd.s32 v4, v11;
	v16 =	vadd.s32 $0x4, v16  }
0x302: {  	v5 =	vadd.s32 v5, v12;
	v6 =	vadd.s32 v6, v13;
	v7 =	vadd.s32 v7, v14  }
0x303: {  	v8 =	vadd.s32 v8, v15;
	v9 =	vadd.s32 v9, v2;
	v1 =	vadd.s32 v1, v16  }
0x304: {  	v17 =	vshrl.u32 v10, $0xF;
	v10 =	vshll.u32 v10, $0x11;
	v18 =	vshrl.u32 v11, $0xF  }
0x305: {  	v11 =	vshll.u32 v11, $0x11;
	v19 =	vshrl.u32 v12, $0xF;
	v12 =	vshll.u32 v12, $0x11  }
0x306: {  	v20 =	vshrl.u32 v13, $0xF;
	v13 =	vshll.u32 v13, $0x11;
	v21 =	vshrl.u32 v14, $0xF  }
0x307: {  	v14 =	vshll.u32 v14, $0x11;
	v22 =	vshrl.u32 v15, $0xF;
	v15 =	vshll.u32 v15, $0x11  }
0x308: {  	v23 =	vshrl.u32 v2, $0xF;
	v2 =	vshll.u32 v2, $0x11;
	v24 =	vshrl.u32 v16, $0xF  }
0x309: {  	v10 =	vor.u32 v17, v10;
	v11 =	vor.u32 v18, v11;
	v16 =	vshll.u32 v16, $0x11  }
0x30a: {  	v12 =	vor.u32 v19, v12;
	v13 =	vor.u32 v20, v13;
	v14 =	vor.u32 v21, v14  }
0x30b: {  	v15 =	vor.u32 v22, v15;
	v2 =	vor.u32 v23, v2;
	v16 =	vor.u32 v24, v16  }
0x30c: {  	v10 =	vxor.u32 v3, v10;
	v11 =	vxor.u32 v4, v11;
	v12 =	vxor.u32 v5, v12  }
0x30d: {  	v13 =	vxor.u32 v6, v13;
	v14 =	vxor.u32 v7, v14;
	v15 =	vxor.u32 v8, v15  }
0x30e: {  	v2 =	vxor.u32 v9, v2;
	v3 =	vadd.s32 v3, v10;
	v16 =	vxor.u32 v1, v16  }
0x30f: {  	v4 =	vadd.s32 v4, v11;
	v5 =	vadd.s32 v5, v12;
	v6 =	vadd.s32 v6, v13  }
0x310: {  	v7 =	vadd.s32 v7, v14;
	v8 =	vadd.s32 v8, v15;
	v9 =	vadd.s32 v9, v2  }
0x311: {  	v17 =	vshrl.u32 v10, $0x3;
	v10 =	vshll.u32 v10, $0x1D;
	v1 =	vadd.s32 v1, v16  }
0x312: {  	v18 =	vshrl.u32 v11, $0x3;
	v11 =	vshll.u32 v11, $0x1D;
	v19 =	vshrl.u32 v12, $0x3  }
0x313: {  	v12 =	vshll.u32 v12, $0x1D;
	v20 =	vshrl.u32 v13, $0x3;
	v13 =	vshll.u32 v13, $0x1D  }
0x314: {  	v21 =	vshrl.u32 v14, $0x3;
	v14 =	vshll.u32 v14, $0x1D;
	v22 =	vshrl.u32 v15, $0x3  }
0x315: {  	v15 =	vshll.u32 v15, $0x1D;
	v23 =	vshrl.u32 v2, $0x3;
	v2 =	vshll.u32 v2, $0x1D  }
0x316: {  	v10 =	vor.u32 v17, v10;
	v17 =	vshrl.u32 v16, $0x3;
	v16 =	vshll.u32 v16, $0x1D  }
0x317: {  	v11 =	vor.u32 v18, v11;
	v12 =	vor.u32 v19, v12;
	v13 =	vor.u32 v20, v13  }
0x318: {  	v14 =	vor.u32 v21, v14;
	v15 =	vor.u32 v22, v15;
	v2 =	vor.u32 v23, v2  }
0x319: {  	v10 =	vxor.u32 v3, v10;
	v11 =	vxor.u32 v4, v11;
	v16 =	vor.u32 v17, v16  }
0x31a: {  	v12 =	vxor.u32 v5, v12;
	v13 =	vxor.u32 v6, v13;
	v14 =	vxor.u32 v7, v14  }
0x31b: {  	v15 =	vxor.u32 v8, v15;
	v2 =	vxor.u32 v9, v2;
	v16 =	vxor.u32 v1, v16  }
0x31c: {  	v3 =	vadd.s32 v3, v10;
	v4 =	vadd.s32 v4, v11;
	v5 =	vadd.s32 v5, v12  }
0x31d: {  	v6 =	vadd.s32 v6, v13;
	v7 =	vadd.s32 v7, v14;
	v8 =	vadd.s32 v8, v15  }
0x31e: {  	v17 =	vshrl.u32 v10, $0x10;
	v9 =	vadd.s32 v9, v2;
	v1 =	vadd.s32 v1, v16  }
0x31f: {  	v10 =	vshll.u32 v10, $0x10;
	v18 =	vshrl.u32 v11, $0x10;
	v11 =	vshll.u32 v11, $0x10  }
0x320: {  	v19 =	vshrl.u32 v12, $0x10;
	v12 =	vshll.u32 v12, $0x10;
	v20 =	vshrl.u32 v13, $0x10  }
0x321: {  	v13 =	vshll.u32 v13, $0x10;
	v21 =	vshrl.u32 v14, $0x10;
	v14 =	vshll.u32 v14, $0x10  }
0x322: {  	v22 =	vshrl.u32 v15, $0x10;
	v15 =	vshll.u32 v15, $0x10;
	v23 =	vshrl.u32 v2, $0x10  }
0x323: {  	v2 =	vshll.u32 v2, $0x10;
	v24 =	vshrl.u32 v16, $0x10;
	v16 =	vshll.u32 v16, $0x10  }
0x324: {  	v10 =	vor.u32 v17, v10;
	v11 =	vor.u32 v18, v11;
	v12 =	vor.u32 v19, v12  }
0x325: {  	v13 =	vor.u32 v20, v13;
	v14 =	vor.u32 v21, v14;
	v15 =	vor.u32 v22, v15  }
0x326: {  	v2 =	vor.u32 v23, v2;
	v17 =	vxor.u32 v3, v10;
	v10 =	vor.u32 v24, v16  }
0x327: {  	v18 =	vxor.u32 v4, v11;
	v19 =	vxor.u32 v5, v12;
	v20 =	vxor.u32 v6, v13  }
0x328: {  	v21 =	vxor.u32 v7, v14;
	v22 =	vxor.u32 v8, v15;
	v2 =	vxor.u32 v9, v2  }
0x329: {  	v16 =	vadd.s32 v3, v17;
	v14 =	vadd.s32 v4, v18;
	v4 =	vxor.u32 v1, v10  }
0x32a: {  	v15 =	vadd.s32 v5, v19;
	v13 =	vadd.s32 v6, v20;
	v12 =	vadd.s32 v7, v21  }
0x32b: {  	v11 =	vadd.s32 v8, v22;
	v10 =	vadd.s32 v9, v2;
	v9 =	vadd.s32 v1, v4  }
0x32c: {  	v3 =	vshll.u32 v17, $0x18;
	v5 =	vshrl.u32 v18, $0x8;
	v1 =	vshrl.u32 v17, $0x8  }
0x32d: {  	v6 =	vshll.u32 v18, $0x18;
	v7 =	vshrl.u32 v19, $0x8;
	v8 =	vshll.u32 v19, $0x18  }
0x32e: {  	v18 =	vshll.u32 v20, $0x18;
	v19 =	vshrl.u32 v21, $0x8;
	v17 =	vshrl.u32 v20, $0x8  }
.Ltmp0:
0x32f: {  	v20 =	vshll.u32 v21, $0x18;
	v21 =	vshrl.u32 v22, $0x8;
	v22 =	vshll.u32 v22, $0x18;
	(pc) =	sbr.rel @p0 .LBB2_2-.Ltmp0, $4  }
0x330: {  	v23 =	vshrl.u32 v2, $0x8;
	v24 =	vshll.u32 v2, $0x18;
	v25 =	vshrl.u32 v4, $0x8  }
0x331: {  	v2 =	vor.u32 v1, v3;
	v3 =	vor.u32 v5, v6;
	v6 =	vshll.u32 v4, $0x18  }
0x332: {  	v7 =	vor.u32 v7, v8;
	v4 =	vor.u32 v17, v18;
	v5 =	vor.u32 v19, v20  }
0x333: {  	s10 =	sadd.s32 $0x10, s10;
	v8 =	vor.u32 v21, v22;
	v1 =	vor.u32 v23, v24;
	v6 =	vor.u32 v25, v6  }
0x334: {  	v2 =	vxor.u32 v16, v2;
	v3 =	vxor.u32 v14, v3;
	v7 =	vxor.u32 v15, v7  }
0x335: {  	v4 =	vxor.u32 v13, v4;
	v5 =	vxor.u32 v12, v5;
	v8 =	vxor.u32 v11, v8  }
0x336: {  	v1 =	vxor.u32 v10, v1;
	v6 =	vxor.u32 v9, v6;
	v2 =	vadd.s32 $0x1BD11BDF, v2  }
0x337: {  	v3 =	vadd.s32 $0x1BD11BDF, v3;
	v7 =	vadd.s32 $0x1BD11BDF, v7;
	v4 =	vadd.s32 $0x1BD11BDF, v4  }
0x338: {  	v5 =	vadd.s32 $0x1BD11BDF, v5;
	v8 =	vadd.s32 $0x1BD11BDF, v8;
	v1 =	vadd.s32 $0x1BD11BDF, v1  }
0x339: {  	v6 =	vadd.s32 $0x1BD11BDF, v6;
	v28 =	vadd.s32 v2, v16;
	v17 =	vshrl.u32 v2, $0x13  }
0x33a: {  	v2 =	vshll.u32 v2, $0xD;
	v29 =	vadd.s32 v3, v14;
	v18 =	vshrl.u32 v3, $0x13  }
0x33b: {  	v3 =	vshll.u32 v3, $0xD;
	v30 =	vadd.s32 v7, v15;
	v19 =	vshrl.u32 v7, $0x13  }
0x33c: {  	v7 =	vshll.u32 v7, $0xD;
	v31 =	vadd.s32 v4, v13;
	v20 =	vshrl.u32 v4, $0x13  }
0x33d: {  	v4 =	vshll.u32 v4, $0xD;
	v32 =	vadd.s32 v5, v12;
	v21 =	vshrl.u32 v5, $0x13  }
0x33e: {  	v5 =	vshll.u32 v5, $0xD;
	v33 =	vadd.s32 v8, v11;
	v22 =	vshrl.u32 v8, $0x13  }
0x33f: {  	v8 =	vshll.u32 v8, $0xD;
	v34 =	vadd.s32 v1, v10;
	v23 =	vshrl.u32 v1, $0x13  }
0x340: {  	v1 =	vshll.u32 v1, $0xD;
	v35 =	vadd.s32 v6, v9;
	v24 =	vshrl.u32 v6, $0x13  }
0x341: {  	v6 =	vshll.u32 v6, $0xD;
	v16 =	vadd.s32 $0x1, v28;
	v2 =	vor.u32 v17, v2  }
0x342: {  	v14 =	vadd.s32 $0x1, v29;
	v3 =	vor.u32 v18, v3;
	v15 =	vadd.s32 $0x1, v30  }
0x343: {  	v7 =	vor.u32 v19, v7;
	v13 =	vadd.s32 $0x1, v31;
	v4 =	vor.u32 v20, v4  }
0x344: {  	v12 =	vadd.s32 $0x1, v32;
	v5 =	vor.u32 v21, v5;
	v11 =	vadd.s32 $0x1, v33  }
0x345: {  	v8 =	vor.u32 v22, v8;
	v10 =	vadd.s32 $0x1, v34;
	v1 =	vor.u32 v23, v1  }
0x346: {  	v9 =	vadd.s32 $0x1, v35;
	v6 =	vor.u32 v24, v6;
	v2 =	vxor.u32 v16, v2  }
0x347: {  	v3 =	vxor.u32 v14, v3;
	v7 =	vxor.u32 v15, v7;
	v4 =	vxor.u32 v13, v4  }
0x348: {  	v5 =	vxor.u32 v12, v5;
	v8 =	vxor.u32 v11, v8;
	v1 =	vxor.u32 v10, v1  }
0x349: {  	v6 =	vxor.u32 v9, v6;
	v16 =	vadd.s32 v16, v2;
	v14 =	vadd.s32 v14, v3  }
0x34a: {  	v15 =	vadd.s32 v15, v7;
	v13 =	vadd.s32 v13, v4;
	v12 =	vadd.s32 v12, v5  }
0x34b: {  	v11 =	vadd.s32 v11, v8;
	v10 =	vadd.s32 v10, v1;
	v9 =	vadd.s32 v9, v6  }
0x34c: {  	v36 =	vshrl.u32 v2, $0x11;
	v2 =	vshll.u32 v2, $0xF;
	v37 =	vshrl.u32 v3, $0x11  }
0x34d: {  	v3 =	vshll.u32 v3, $0xF;
	v38 =	vshrl.u32 v7, $0x11;
	v7 =	vshll.u32 v7, $0xF  }
0x34e: {  	v39 =	vshrl.u32 v4, $0x11;
	v4 =	vshll.u32 v4, $0xF;
	v40 =	vshrl.u32 v5, $0x11  }
0x34f: {  	v5 =	vshll.u32 v5, $0xF;
	v41 =	vshrl.u32 v8, $0x11;
	v8 =	vshll.u32 v8, $0xF  }
0x350: {  	v42 =	vshrl.u32 v1, $0x11;
	v1 =	vshll.u32 v1, $0xF;
	v43 =	vshrl.u32 v6, $0x11  }
0x351: {  	v6 =	vshll.u32 v6, $0xF;
	v2 =	vor.u32 v36, v2;
	v3 =	vor.u32 v37, v3  }
0x352: {  	v7 =	vor.u32 v38, v7;
	v4 =	vor.u32 v39, v4;
	v5 =	vor.u32 v40, v5  }
0x353: {  	v8 =	vor.u32 v41, v8;
	v1 =	vor.u32 v42, v1;
	v6 =	vor.u32 v43, v6  }
0x354: {  	v2 =	vxor.u32 v16, v2;
	v3 =	vxor.u32 v14, v3;
	v7 =	vxor.u32 v15, v7  }
0x355: {  	v4 =	vxor.u32 v13, v4;
	v5 =	vxor.u32 v12, v5;
	v8 =	vxor.u32 v11, v8  }
0x356: {  	v1 =	vxor.u32 v10, v1;
	v6 =	vxor.u32 v9, v6;
	v16 =	vadd.s32 v16, v2  }
0x357: {  	v14 =	vadd.s32 v14, v3;
	v15 =	vadd.s32 v15, v7;
	v13 =	vadd.s32 v13, v4  }
0x358: {  	v12 =	vadd.s32 v12, v5;
	v11 =	vadd.s32 v11, v8;
	v10 =	vadd.s32 v10, v1  }
0x359: {  	v44 =	vshrl.u32 v2, $0x6;
	v2 =	vshll.u32 v2, $0x1A;
	v9 =	vadd.s32 v9, v6  }
0x35a: {  	v45 =	vshrl.u32 v3, $0x6;
	v3 =	vshll.u32 v3, $0x1A;
	v46 =	vshrl.u32 v7, $0x6  }
0x35b: {  	v7 =	vshll.u32 v7, $0x1A;
	v47 =	vshrl.u32 v4, $0x6;
	v4 =	vshll.u32 v4, $0x1A  }
0x35c: {  	v48 =	vshrl.u32 v5, $0x6;
	v5 =	vshll.u32 v5, $0x1A;
	v49 =	vshrl.u32 v8, $0x6  }
0x35d: {  	v8 =	vshll.u32 v8, $0x1A;
	v50 =	vshrl.u32 v1, $0x6;
	v1 =	vshll.u32 v1, $0x1A  }
0x35e: {  	v51 =	vshrl.u32 v6, $0x6;
	v6 =	vshll.u32 v6, $0x1A;
	v2 =	vor.u32 v44, v2  }
0x35f: {  	v3 =	vor.u32 v45, v3;
	v7 =	vor.u32 v46, v7;
	v4 =	vor.u32 v47, v4  }
0x360: {  	v5 =	vor.u32 v48, v5;
	v8 =	vor.u32 v49, v8;
	v1 =	vor.u32 v50, v1  }
0x361: {  	v6 =	vor.u32 v51, v6;
	v2 =	vxor.u32 v16, v2;
	v3 =	vxor.u32 v14, v3  }
0x362: {  	v7 =	vxor.u32 v15, v7;
	v4 =	vxor.u32 v13, v4;
	v5 =	vxor.u32 v12, v5  }
0x363: {  	v8 =	vxor.u32 v11, v8;
	v1 =	vxor.u32 v10, v1;
	v6 =	vxor.u32 v9, v6  }
0x364: {  	v16 =	vadd.s32 v16, v2;
	v14 =	vadd.s32 v14, v3;
	v15 =	vadd.s32 v15, v7  }
0x365: {  	v13 =	vadd.s32 v13, v4;
	v12 =	vadd.s32 v12, v5;
	v11 =	vadd.s32 v11, v8  }
0x366: {  	v52 =	vshrl.u32 v2, $0x1A;
	v10 =	vadd.s32 v10, v1;
	v9 =	vadd.s32 v9, v6  }
0x367: {  	v2 =	vshll.u32 v2, $0x6;
	v53 =	vshrl.u32 v3, $0x1A;
	v3 =	vshll.u32 v3, $0x6  }
0x368: {  	v54 =	vshrl.u32 v7, $0x1A;
	v7 =	vshll.u32 v7, $0x6;
	v55 =	vshrl.u32 v4, $0x1A  }
0x369: {  	v4 =	vshll.u32 v4, $0x6;
	v56 =	vshrl.u32 v5, $0x1A;
	v5 =	vshll.u32 v5, $0x6  }
0x36a: {  	v57 =	vshrl.u32 v8, $0x1A;
	v8 =	vshll.u32 v8, $0x6;
	v58 =	vshrl.u32 v1, $0x1A  }
0x36b: {  	v1 =	vshll.u32 v1, $0x6;
	v59 =	vshrl.u32 v6, $0x1A;
	v6 =	vshll.u32 v6, $0x6  }
0x36c: {  	v25 =	vadd.s32 $0x1BD11BDB, v16;
	v26 =	vadd.s32 $0x1BD11BDB, v14;
	v27 =	vadd.s32 $0x1BD11BDB, v15  }
0x36d: {  	v28 =	vadd.s32 $0x1BD11BDB, v13;
	v29 =	vadd.s32 $0x1BD11BDB, v12;
	v30 =	vadd.s32 $0x1BD11BDB, v11  }
0x36e: {  	v2 =	vor.u32 v52, v2;
	v3 =	vor.u32 v53, v3;
	v60 =	vadd.s32 $0x1BD11BDB, v10  }
0x36f: {  	v7 =	vor.u32 v54, v7;
	v4 =	vor.u32 v55, v4;
	v5 =	vor.u32 v56, v5  }
0x370: {  	s9 =	sadd.s32 $0x80, s9;
	v8 =	vor.u32 v57, v8;
	v1 =	vor.u32 v58, v1;
	v3 =	vxor.u32 v14, v3  }
0x371: {  	s10 =	sand.u32 $0x70, s8;
	s11 =	sand.u32 $0x1C00, s9;
	v6 =	vor.u32 v59, v6;
	v7 =	vxor.u32 v15, v7;
	v3 =	vadd.s32 $0x5, v3  }
0x372: {  	s10 =	sor.u32 s10, s11;
	v4 =	vxor.u32 v13, v4;
	v7 =	vadd.s32 $0x5, v7;
	v3 =	vxor.u32 v26, v3  }
0x373: {  	v5 =	vxor.u32 v12, v5;
	v4 =	vadd.s32 $0x5, v4;
	[tilespmem:s10+$0x80] =	vst v3;
	v3 =	vxor.u32 v27, v7  }
0x374: {  	v62 =	vxor.u32 v11, v8;
	v61 =	vadd.s32 $0x5, v5;
	[tilespmem:s10+$0x100] =	vst v3;
	v3 =	vxor.u32 v28, v4  }
0x375: {  	v1 =	vxor.u32 v10, v1;
	v63 =	vadd.s32 $0x5, v62;
	[tilespmem:s10+$0x180] =	vst v3;
	v3 =	vxor.u32 v29, v61  }
0x376: {  	v2 =	vxor.u32 v16, v2;
	v1 =	vadd.s32 $0x5, v1;
	[tilespmem:s10+$0x200] =	vst v3;
	v3 =	vxor.u32 v30, v63  }
0x377: {  	v2 =	vadd.s32 $0x5, v2;
	v1 =	vxor.u32 v60, v1;
	[tilespmem:s10+$0x280] =	vst v3;
	v3 =	vxor.u32 v9, v6  }
0x378: {  	s7 =	sadd.s32 $0x1, s7;
	s31 =	sor.u32 s9, s8;
	v2 =	vxor.u32 v25, v2;
	[tilespmem:s10+$0x300] =	vst v1;
	v1 =	vadd.s32 $0x1BD11BDB, v9;
	v3 =	vadd.s32 $0x5, v3  }
0x379: {  	p0 =	sne.s32 s7, s5;
	s8 =	sor.u32 $0x380, s31;
	[tilespmem:s10+$0x0] =	vst v2;
	v1 =	vxor.u32 v1, v3  }
.Ltmp1:
0x37a: {  	[tilespmem:s8+$0x0] =	vst v1;
	(pc) =	sbr.rel @p0 .LBB2_1-.Ltmp1, $4  }
0x37b: {  	[hbm4b:s4+s2] =	stream.linear.scatter [tilespmem:s2], [sflag:$0x1], $0x2000, $0x38;
	[tilespmem:$0x2000] =	vst v63  }
0x37c: {  	_ =	swait.ge [sflag:s6], $0x2000  }
0x37d: {  	[sflag:s6] =	ssyncset.done $0x0  }
0x37e: {  	[sflag:s6] =	ssyncadd.s32 $0xFFFFE000  }
0x37f: {  	_ =	sfence.sel $0x180000  }
0x380: {  	[bflag:$0x0] =	sbarrier.arrive $0xFFFF  }
0x381: {  	p0 =	sne.s32 s1, $0x0;
	_ =	strace $0x90000047  }
0x382: {  	s0 =	sadd.s32 @!p0 $0x100000, s0;
	[bflag:$0x2] =	sbarrier.arrive $0xFFFF  }
0x383: {  	[sflag:s0] =	ssyncadd.tile.s32 @!p0 $0x1;
	_ =	shalt  }
.Lfunc_end2:
_tile_overlayer_lowered:
.L_overlay_start_2:
0x384: {  	(tag) =	ssettag $0x2  }
0x385: {  	s0 =	rddreg [dreg:$0x0];
	s2 =	stileid.u32  }
0x386: {  	s1 =	rddreg [dreg:$0x1];
	p0 =	sne.s32 s2, $0x0  }
0x387: {  	s3 =	rddreg [dreg:$0x2];
	[bflag:$0x3] =	sbarrier.arrive $0xFFFF;
	s2 =	simm.s32 @!p0 $0x1C01  }
0x388: {  	[timem:s3], [sflag:s2] =	dma.local @!p0 [hbm:s0], s1  }
0x389: {  	s0 =	simm.s32 @!p0 $0x1  }
0x38a: {  	_ =	swait.ge @!p0 [sflag:s0], s1  }
0x38b: {  	s1 =	ssub.s32 @!p0 $0x0, s1;
	[sflag:s0] =	ssyncset.done @!p0 $0x0  }
0x38c: {  	[sflag:s0] =	ssyncadd.s32 @!p0 s1  }
0x38d: {  	[bflag:$0x3] =	sbarrier.arrive $0xFFFF  }
0x38e: {  	_ =	shalt  }

</sc_bundles>
